<compile_context>
chip_gen: v7x
topology: tpu7x:2x2x1
jax: 0.10.2.dev20260603
libtpu: 0.0.44.dev20260713+nightly
codegen_flags: <defaults>
</compile_context>

<pallas_src>
import functools

import jax
import jax.numpy as jnp
from jax import lax
from jax.experimental import pallas as pl
from jax.experimental.pallas import tpu as pltpu
from jax.experimental.pallas import tpu_sc as plsc

N = 10000
D = 128
E = 160000

NC = 2
NS = 16
NW = NC * NS
EPW = E // NW
CH = 32
EPW_PAD = 5120
NCHUNK = EPW_PAD // CH
DUMMY = N
NPAD = 10240
RPS = NPAD // NS
ZR = 128

_NEG = -1e9



SBC = 8
NSB = NCHUNK // SBC


NBUF = 5
NG = NCHUNK // NBUF


def _sc_body(h_hbm, src_hbm, dst_hbm, zeros_hbm,
             agg_out,
             src_v, dst_v, r0, r1, r2, r3, r4,
             agg_sh, *sems):
  cid = lax.axis_index("c")
  sid = lax.axis_index("s")
  wid = cid * NS + sid
  bufs = (r0, r1, r2, r3, r4)
  gs = sems[:NBUF]
  ss = sems[NBUF:]

  pltpu.sync_copy(src_hbm.at[pl.ds(wid * EPW_PAD, EPW_PAD)], src_v)
  pltpu.sync_copy(dst_hbm.at[wid], dst_v)

  def _gather_start(j, buf, s):
    return pltpu.async_copy(h_hbm.at[src_v.at[pl.ds(j * CH, CH)]], buf, s)

  def _gather_wait(j, buf, s):
    pltpu.make_async_copy(h_hbm.at[src_v.at[pl.ds(j * CH, CH)]], buf, s).wait()

  def _scat_start(j, buf, s):
    return pltpu.async_copy(buf, agg_sh.at[dst_v.at[j]], s, add=True)

  def _scat_wait(j, buf, s):
    pltpu.make_async_copy(buf, agg_sh.at[dst_v.at[j]], s).wait()

  for b in range(NBUF):
    _gather_start(b, bufs[b], gs[b])

  base = sid * RPS
  for b in range(RPS // ZR):
    pltpu.sync_copy(zeros_hbm, agg_sh.at[pl.ds(base + b * ZR, ZR)])

  plsc.subcore_barrier()

  @pl.loop(0, NG)
  def _(g):
    for b in range(NBUF):
      j = NBUF * g + b
      _gather_wait(j, bufs[b], gs[b])
      _scat_start(j, bufs[b], ss[b])

      @pl.when(g + 1 < NG)
      def _():
        _scat_wait(j, bufs[b], ss[b])
        _gather_start(j + NBUF, bufs[b], gs[b])

  for b in range(NBUF):
    _scat_wait(NCHUNK - NBUF + b, bufs[b], ss[b])

  plsc.subcore_barrier()

  for b in range(RPS // ZR):
    off = cid * NPAD + base + b * ZR
    pltpu.sync_copy(agg_sh.at[pl.ds(base + b * ZR, ZR)],
                    agg_out.at[pl.ds(off, ZR)])


@functools.cache
def _get_sc_scatter():
  return pl.kernel(
    _sc_body,
    out_type=jax.ShapeDtypeStruct((NC * NPAD, D), jnp.float32),
    mesh=plsc.VectorSubcoreMesh(core_axis_name="c", subcore_axis_name="s",
                                num_cores=NC, num_subcores=NS),
    scratch_types=[
        pltpu.VMEM((EPW_PAD,), jnp.int32),
        pltpu.VMEM((NCHUNK, CH), jnp.int32),
    ] + [pltpu.VMEM((CH, D), jnp.float32)] * NBUF + [
        pltpu.VMEM_SHARED((NPAD, D), jnp.float32),
    ] + [pltpu.SemaphoreType.DMA] * (2 * NBUF),
  )



def _col0(r):
  return lax.broadcasted_iota(jnp.int32, (r, D), 1) == 0


def _proj_rows(y, m0):
  s2 = jnp.sum(jnp.where(m0, 0.0, y * y), axis=1, keepdims=True)
  return jnp.where(m0, jnp.sqrt(1.0 + s2), y)


def _linT(x, w):
  return lax.dot_general(x, w, (((1,), (1,)), ((), ())),
                         precision=lax.Precision.HIGHEST,
                         preferred_element_type=jnp.float32)


def _lorentz_inner(a, b, m0):
  p = a * b
  return jnp.sum(jnp.where(m0, -p, p), axis=1, keepdims=True)


def _lnormalize(c, m0):
  inner = _lorentz_inner(c, c, m0)
  return c / jnp.sqrt(jnp.clip(-inner, 1e-6, None))


def _tc_a_body(x_ref, wagg_ref, x0_ref, h2_ref):
  r = x_ref.shape[0]
  m0 = _col0(r)
  x0 = _proj_rows(x_ref[...], m0)
  h2 = _proj_rows(_linT(x0, wagg_ref[...]), m0)
  x0_ref[...] = x0
  h2_ref[...] = h2


def _tc_b_body(aggp_ref, h_ref, x0_ref, wagg_ref,
               z_ref, mf_ref, h1_ref):
  r = h_ref.shape[0]
  m0 = _col0(r)
  parts = aggp_ref[...]
  agg = parts[0] + parts[1]
  upd = agg[:, 0:1] > 0.5
  nrm = _lnormalize(agg, m0)
  h = h_ref[...]
  z = jnp.where(upd, nrm, h)
  x1 = jnp.where(upd, nrm, x0_ref[...])
  z_ref[...] = z
  mf_ref[...] = jnp.where(jnp.broadcast_to(upd, (r, D)), 1.0, 0.0)
  h1_ref[...] = _proj_rows(_linT(x1, wagg_ref[...]), m0)


def _tc_qkv_body(x_ref, wq_ref, wk_ref, wv_ref, q_ref, k_ref, v_ref):
  r = x_ref.shape[0]
  m0 = _col0(r)
  x = x_ref[...]
  q_ref[...] = _proj_rows(_linT(x, wq_ref[...]), m0)
  k_ref[...] = _proj_rows(_linT(x, wk_ref[...]), m0)
  v_ref[...] = _proj_rows(_linT(x, wv_ref[...]), m0)


def _tc_kv_body(x_ref, wk_ref, wv_ref, k_ref, v_ref):
  r = x_ref.shape[0]
  m0 = _col0(r)
  x = x_ref[...]
  k_ref[...] = _proj_rows(_linT(x, wk_ref[...]), m0)
  v_ref[...] = _proj_rows(_linT(x, wv_ref[...]), m0)


def _tc_c_body(aggp_ref, h1_ref, mf_ref, q_ref, k0_ref, v0_ref,
               k1_ref, v1_ref, wk_ref, wv_ref, out_ref):
  r = h1_ref.shape[0]
  m0 = _col0(r)
  parts = aggp_ref[...]
  agg = parts[0] + parts[1]
  upd1 = agg[:, 0:1] > 0.5
  out1 = jnp.where(upd1, _lnormalize(agg, m0), h1_ref[...])

  upd2 = mf_ref[...][:, 0:1] > 0.5

  q = q_ref[...]
  k0 = k0_ref[...]
  k1 = k1_ref[...]
  k2 = _proj_rows(_linT(out1, wk_ref[...]), m0)
  v0 = v0_ref[...]
  v1 = v1_ref[...]
  v2 = _proj_rows(_linT(out1, wv_ref[...]), m0)

  s0 = _lorentz_inner(q, k0, m0)
  s1 = jnp.where(upd2, _lorentz_inner(q, k1, m0), _NEG)
  s2 = jnp.where(upd1, _lorentz_inner(q, k2, m0), _NEG)
  m = jnp.maximum(jnp.maximum(s0, s1), s2)
  e0 = jnp.exp(s0 - m)
  e1 = jnp.exp(s1 - m)
  e2 = jnp.exp(s2 - m)
  c = (e0 * v0 + e1 * v1 + e2 * v2) / (e0 + e1 + e2)
  out_ref[...] = _lnormalize(c, m0)


_R = 2000
_G = N // _R

_rows = lambda i: (i, 0)
_rows3 = lambda i: (0, i, 0)
_whole = lambda i: (0, 0)

_bs_rows = pl.BlockSpec((_R, D), _rows)
_bs_w = pl.BlockSpec((D, D), _whole)
_bs_aggp = pl.BlockSpec((NC, _R, D), _rows3)

_tc_a = pl.pallas_call(
    _tc_a_body,
    grid=(_G,),
    in_specs=[_bs_rows, _bs_w],
    out_specs=[_bs_rows, _bs_rows],
    out_shape=(jax.ShapeDtypeStruct((N, D), jnp.float32),
               jax.ShapeDtypeStruct((N, D), jnp.float32)),
)

_tc_b = pl.pallas_call(
    _tc_b_body,
    grid=(_G,),
    in_specs=[_bs_aggp, _bs_rows, _bs_rows, _bs_w],
    out_specs=[_bs_rows, _bs_rows, _bs_rows],
    out_shape=(jax.ShapeDtypeStruct((N, D), jnp.float32),
               jax.ShapeDtypeStruct((N, D), jnp.float32),
               jax.ShapeDtypeStruct((N, D), jnp.float32)),
)

_tc_qkv = pl.pallas_call(
    _tc_qkv_body,
    grid=(_G,),
    in_specs=[_bs_rows, _bs_w, _bs_w, _bs_w],
    out_specs=[_bs_rows, _bs_rows, _bs_rows],
    out_shape=(jax.ShapeDtypeStruct((N, D), jnp.float32),) * 3,
)

_tc_kv = pl.pallas_call(
    _tc_kv_body,
    grid=(_G,),
    in_specs=[_bs_rows, _bs_w, _bs_w],
    out_specs=[_bs_rows, _bs_rows],
    out_shape=(jax.ShapeDtypeStruct((N, D), jnp.float32),) * 2,
)

_tc_c = pl.pallas_call(
    _tc_c_body,
    grid=(_G,),
    in_specs=[_bs_aggp] + [_bs_rows] * 7 + [_bs_w, _bs_w],
    out_specs=_bs_rows,
    out_shape=jax.ShapeDtypeStruct((N, D), jnp.float32),
)


def _prep_edges(edges):
  src = edges[0].astype(jnp.int32).reshape(NW, EPW)
  dst = edges[1].astype(jnp.int32).reshape(NW, EPW)
  pad = EPW_PAD - EPW
  src = jnp.pad(src, ((0, 0), (0, pad)), constant_values=0)
  dst = jnp.pad(dst, ((0, 0), (0, pad)), constant_values=DUMMY)
  return (src.reshape(NW * EPW_PAD), dst.reshape(NW, NCHUNK, CH))


@jax.jit
def kernel(x_H, edge_index_l1, edge_index_l2, Wq, Wk, Wv, W_agg):
  src2, dst2 = _prep_edges(edge_index_l2)
  src1, dst1 = _prep_edges(edge_index_l1)
  zeros = jnp.zeros((ZR, D), jnp.float32)

  sc_scatter = _get_sc_scatter()
  x0, h2 = _tc_a(x_H, W_agg)
  agg2p = sc_scatter(h2, src2, dst2, zeros).reshape(NC, NPAD, D)
  q, k0, v0 = _tc_qkv(x0, Wq, Wk, Wv)
  z2, m2f, h1 = _tc_b(agg2p, h2, x0, W_agg)
  agg1p = sc_scatter(h1, src1, dst1, zeros).reshape(NC, NPAD, D)
  k1, v1 = _tc_kv(z2, Wk, Wv)
  return _tc_c(agg1p, h1, m2f, q, k0, v0, k1, v1, Wk, Wv)

# --- scband reference (transcript-rebuilt; emitter-appended) ---
"""Pipeline reference for scband-hyperbolic-structure-learner-61624190763409 (READ-ONLY COPY).

The authoritative reference and input builder live on the scoring server;
editing this copy changes nothing except your own understanding.
"""

import jax, jax.numpy as jnp
import numpy as np

D = 128
N = 10000
E = 160000

def _proj(x):
    # lift to Lorentz hyperboloid (K=-1): time = sqrt(1 + ||space||^2)
    space = x[..., 1:]
    time = jnp.sqrt(1.0 + jnp.sum(space * space, axis=-1, keepdims=True))
    return jnp.concatenate([time, space], axis=-1)

def _lorentz_linear(x, W):
    # ConstCurveLinear: linear map followed by re-projection onto the manifold
    v = jnp.matmul(x, W.T)
    return _proj(v)

def _lorentz_normalize(c, eps=1e-6):
    # Frechet/Lorentz centroid normalization: c / sqrt(-<c,c>_L)
    inner = -c[..., 0] ** 2 + jnp.sum(c[..., 1:] ** 2, axis=-1)
    denom = jnp.sqrt(jnp.clip(-inner, eps, None))[..., None]
    return c / denom

def _tree_agg(x, edges, W_agg, n):
    # ConstCurveAgg: linear transform, gather messages along src, scatter-add at dst,
    # then Lorentz centroid normalization. Nodes with no in-edges keep h.
    h = _lorentz_linear(x, W_agg)
    src = edges[0]
    dst = edges[1]
    msg = jnp.take(h, src, axis=0)
    agg = jax.ops.segment_sum(msg, dst, num_segments=n)
    deg = jax.ops.segment_sum(jnp.ones((src.shape[0],), dtype=x.dtype), dst, num_segments=n)
    out = _lorentz_normalize(agg)
    updated = deg > 0
    out = jnp.where(updated[:, None], out, h)
    return out, updated

def _cinner(q, k):
    # Lorentz inner product with time component negated
    qm = jnp.concatenate([-q[..., :1], q[..., 1:]], axis=-1)
    return jnp.einsum('nqd,nld->nql', qm, k)

def setup_inputs(seed: int = 0) -> dict:
    key = jax.random.key(seed)
    ks = [jax.random.fold_in(key, i) for i in range(8)]
    x_H = jax.random.normal(ks[0], (N, D), dtype=jnp.float32)
    edge_index_l1 = jax.random.randint(ks[1], (2, E), 0, N, dtype=jnp.int64)
    edge_index_l2 = jax.random.randint(ks[2], (2, E), 0, N, dtype=jnp.int64)
    s = 1.0 / np.sqrt(D)
    Wq = jax.random.normal(ks[3], (D, D), dtype=jnp.float32) * s
    Wk = jax.random.normal(ks[4], (D, D), dtype=jnp.float32) * s
    Wv = jax.random.normal(ks[5], (D, D), dtype=jnp.float32) * s
    W_agg = jax.random.normal(ks[6], (D, D), dtype=jnp.float32) * s
    return {"x_H": x_H, "edge_index_l1": edge_index_l1, "edge_index_l2": edge_index_l2,
            "Wq": Wq, "Wk": Wk, "Wv": Wv, "W_agg": W_agg}

def reference(x_H, edge_index_l1, edge_index_l2, Wq, Wk, Wv, W_agg):
    n = x_H.shape[0]
    x0 = _proj(x_H)
    x_cur = x0
    z_list = [x0]
    m_list = [jnp.ones((n,), dtype=bool)]
    # k_hop levels processed from deepest (k_hop) down to 1
    for edges in (edge_index_l2, edge_index_l1):
        out, upd = _tree_agg(x_cur, edges, W_agg, n)
        z_list.append(out)
        m_list.append(upd)
        x_cur = jnp.where(upd[:, None], out, x_cur)
    zs = jnp.stack(z_list, axis=1)        # [N, L, D]
    mask = jnp.stack(m_list, axis=1)      # [N, L]
    # ManifoldAttention: query is the original point, keys/values are all tree states
    q = _lorentz_linear(zs[:, :1, :], Wq)
    k = _lorentz_linear(zs, Wk)
    v = _lorentz_linear(zs, Wv)
    scores = _cinner(q, k)                # [N, 1, L]
    scores = jnp.where(mask[:, None, :], scores, -1e9)
    A = jax.nn.softmax(scores, axis=-1)
    c = jnp.einsum('nql,nld->nqd', A, v)  # weighted Frechet mean numerator
    z_S = _lorentz_normalize(c)[:, 0, :]
    return z_S

if __name__ == "__main__":
    import jax
    _d = setup_inputs()
    print(jax.jit(kernel)(*tuple(_d.values())))

</pallas_src>

<mosaic_0001>
#map = affine_map<(d0, d1) -> (0, 0)>
#map1 = affine_map<(d0, d1) -> (0)>
#map2 = affine_map<(d0, d1) -> (0, 0, 0)>
module attributes {stable_mosaic.version = 14 : i64} {
  func.func @_sc_body(%arg0: i32, %arg1: i32, %arg2: memref<10000x128xf32, #tpu.memory_space<hbm>>, %arg3: memref<163840xi32, #tpu.memory_space<hbm>>, %arg4: memref<32x160x32xi32, #tpu.memory_space<hbm>>, %arg5: memref<128x128xf32, #tpu.memory_space<hbm>>, %arg6: memref<20480x128xf32, #tpu.memory_space<hbm>>, %arg7: memref<5120xi32, #tpu.memory_space<vmem>>, %arg8: memref<160x32xi32, #tpu.memory_space<vmem>>, %arg9: memref<32x128xf32, #tpu.memory_space<vmem>>, %arg10: memref<32x128xf32, #tpu.memory_space<vmem>>, %arg11: memref<32x128xf32, #tpu.memory_space<vmem>>, %arg12: memref<32x128xf32, #tpu.memory_space<vmem>>, %arg13: memref<32x128xf32, #tpu.memory_space<vmem>>, %arg14: memref<10240x128xf32, #tpu.memory_space<vmem_shared>>, %arg15: memref<!tpu.dma_semaphore, #tpu.memory_space<semaphore_mem>>, %arg16: memref<!tpu.dma_semaphore, #tpu.memory_space<semaphore_mem>>, %arg17: memref<!tpu.dma_semaphore, #tpu.memory_space<semaphore_mem>>, %arg18: memref<!tpu.dma_semaphore, #tpu.memory_space<semaphore_mem>>, %arg19: memref<!tpu.dma_semaphore, #tpu.memory_space<semaphore_mem>>, %arg20: memref<!tpu.dma_semaphore, #tpu.memory_space<semaphore_mem>>, %arg21: memref<!tpu.dma_semaphore, #tpu.memory_space<semaphore_mem>>, %arg22: memref<!tpu.dma_semaphore, #tpu.memory_space<semaphore_mem>>, %arg23: memref<!tpu.dma_semaphore, #tpu.memory_space<semaphore_mem>>, %arg24: memref<!tpu.dma_semaphore, #tpu.memory_space<semaphore_mem>>) attributes {dimension_semantics = [#tpu.dimension_semantics<core_parallel>, #tpu.dimension_semantics<subcore_parallel>], iteration_bounds = array<i64: 2, 16>, scalar_prefetch = 0 : i64, scratch_operands = 18 : i64, tpu.core_type = #tpu.core_type<sc_vector_subcore>, window_params = [{transform_indices = #map}, {transform_indices = #map1}, {transform_indices = #map2}, {transform_indices = #map}, {transform_indices = #map}]} {
    %mul3A = arith.constant 16 : i32
    %mul3A_0 = arith.muli %arg0, %mul3A : i32
    %add3A = arith.addi %mul3A_0, %arg1 : i32
    %mul3A_1 = arith.constant 5120 : i32
    %mul3A_2 = arith.muli %add3A, %mul3A_1 : i32
    "tpu.region"() ({
      %run_scoped3A = tpu.sem_alloc : memref<!tpu.dma_semaphore, #tpu.memory_space<semaphore_mem>>
      %dma_start3A_113 = tpu.memref_slice %arg3[%mul3A_2] : memref<163840xi32, #tpu.memory_space<hbm>> -> memref<5120xi32, #tpu.memory_space<hbm>>
      %dma_start3A_114 = tpu.memref_slice %arg3[%mul3A_2] : memref<163840xi32, #tpu.memory_space<hbm>> -> memref<5120xi32, #tpu.memory_space<hbm>>
      tpu.enqueue_dma source(%dma_start3A_114 : memref<5120xi32, #tpu.memory_space<hbm>>) target(%arg7 : memref<5120xi32, #tpu.memory_space<vmem>>) target_semaphore(%run_scoped3A : memref<!tpu.dma_semaphore, #tpu.memory_space<semaphore_mem>>)
      %dma_wait3A_115 = tpu.memref_slice %arg3[%mul3A_2] : memref<163840xi32, #tpu.memory_space<hbm>> -> memref<5120xi32, #tpu.memory_space<hbm>>
      %dma_wait3A_116 = tpu.memref_slice %arg3[%mul3A_2] : memref<163840xi32, #tpu.memory_space<hbm>> -> memref<5120xi32, #tpu.memory_space<hbm>>
      tpu.wait_dma2 semaphore(%run_scoped3A : memref<!tpu.dma_semaphore, #tpu.memory_space<semaphore_mem>>) src(%dma_wait3A_116 : memref<5120xi32, #tpu.memory_space<hbm>>) dst(%arg7 : memref<5120xi32, #tpu.memory_space<vmem>>)
      tpu.yield
    }) : () -> ()
    "tpu.region"() ({
      %run_scoped3A = tpu.sem_alloc : memref<!tpu.dma_semaphore, #tpu.memory_space<semaphore_mem>>
      %dma_start3A_113 = arith.constant 0 : i32
      %dma_start3A_114 = arith.constant 0 : i32
      %dma_start3A_115 = tpu.memref_slice %arg4[%add3A, %dma_start3A_113, %dma_start3A_114] : memref<32x160x32xi32, #tpu.memory_space<hbm>> -> memref<1x160x32xi32, #tpu.memory_space<hbm>>
      %dma_start3A_116 = tpu.memref_squeeze %dma_start3A_115 : memref<1x160x32xi32, #tpu.memory_space<hbm>> -> memref<160x32xi32, #tpu.memory_space<hbm>>
      %dma_start3A_117 = arith.constant 0 : i32
      %dma_start3A_118 = arith.constant 0 : i32
      %dma_start3A_119 = tpu.memref_slice %arg4[%add3A, %dma_start3A_117, %dma_start3A_118] : memref<32x160x32xi32, #tpu.memory_space<hbm>> -> memref<1x160x32xi32, #tpu.memory_space<hbm>>
      %dma_start3A_120 = tpu.memref_squeeze %dma_start3A_119 : memref<1x160x32xi32, #tpu.memory_space<hbm>> -> memref<160x32xi32, #tpu.memory_space<hbm>>
      tpu.enqueue_dma source(%dma_start3A_120 : memref<160x32xi32, #tpu.memory_space<hbm>>) target(%arg8 : memref<160x32xi32, #tpu.memory_space<vmem>>) target_semaphore(%run_scoped3A : memref<!tpu.dma_semaphore, #tpu.memory_space<semaphore_mem>>)
      %dma_wait3A_121 = arith.constant 0 : i32
      %dma_wait3A_122 = arith.constant 0 : i32
      %dma_wait3A_123 = tpu.memref_slice %arg4[%add3A, %dma_wait3A_121, %dma_wait3A_122] : memref<32x160x32xi32, #tpu.memory_space<hbm>> -> memref<1x160x32xi32, #tpu.memory_space<hbm>>
      %dma_wait3A_124 = tpu.memref_squeeze %dma_wait3A_123 : memref<1x160x32xi32, #tpu.memory_space<hbm>> -> memref<160x32xi32, #tpu.memory_space<hbm>>
      %dma_wait3A_125 = arith.constant 0 : i32
      %dma_wait3A_126 = arith.constant 0 : i32
      %dma_wait3A_127 = tpu.memref_slice %arg4[%add3A, %dma_wait3A_125, %dma_wait3A_126] : memref<32x160x32xi32, #tpu.memory_space<hbm>> -> memref<1x160x32xi32, #tpu.memory_space<hbm>>
      %dma_wait3A_128 = tpu.memref_squeeze %dma_wait3A_127 : memref<1x160x32xi32, #tpu.memory_space<hbm>> -> memref<160x32xi32, #tpu.memory_space<hbm>>
      tpu.wait_dma2 semaphore(%run_scoped3A : memref<!tpu.dma_semaphore, #tpu.memory_space<semaphore_mem>>) src(%dma_wait3A_128 : memref<160x32xi32, #tpu.memory_space<hbm>>) dst(%arg8 : memref<160x32xi32, #tpu.memory_space<vmem>>)
      tpu.yield
    }) : () -> ()
    %dma_start3A = arith.constant 0 : i32
    %dma_start3A_3 = tpu.memref_slice %arg7[%dma_start3A] : memref<5120xi32, #tpu.memory_space<vmem>> -> memref<32xi32, #tpu.memory_space<vmem>>
    %dma_start3A_4 = arith.constant 0 : i32
    %dma_start3A_5 = arith.constant 0 : i32
    %dma_start3A_6 = tpu.memref_slice %arg2[%dma_start3A_4, %dma_start3A_5] : memref<10000x128xf32, #tpu.memory_space<hbm>> -> memref<10000x128xf32, #tpu.memory_space<hbm>>
    tpu.enqueue_indirect_dma source(%dma_start3A_6 : memref<10000x128xf32, #tpu.memory_space<hbm>>) target(%arg9 : memref<32x128xf32, #tpu.memory_space<vmem>>) offsets(%dma_start3A_3 : memref<32xi32, #tpu.memory_space<vmem>>) semaphore(%arg15 : memref<!tpu.dma_semaphore, #tpu.memory_space<semaphore_mem>>)
    %dma_start3A_7 = arith.constant 32 : i32
    %dma_start3A_8 = tpu.memref_slice %arg7[%dma_start3A_7] : memref<5120xi32, #tpu.memory_space<vmem>> -> memref<32xi32, #tpu.memory_space<vmem>>
    %dma_start3A_9 = arith.constant 0 : i32
    %dma_start3A_10 = arith.constant 0 : i32
    %dma_start3A_11 = tpu.memref_slice %arg2[%dma_start3A_9, %dma_start3A_10] : memref<10000x128xf32, #tpu.memory_space<hbm>> -> memref<10000x128xf32, #tpu.memory_space<hbm>>
    tpu.enqueue_indirect_dma source(%dma_start3A_11 : memref<10000x128xf32, #tpu.memory_space<hbm>>) target(%arg10 : memref<32x128xf32, #tpu.memory_space<vmem>>) offsets(%dma_start3A_8 : memref<32xi32, #tpu.memory_space<vmem>>) semaphore(%arg16 : memref<!tpu.dma_semaphore, #tpu.memory_space<semaphore_mem>>)
    %dma_start3A_12 = arith.constant 64 : i32
    %dma_start3A_13 = tpu.memref_slice %arg7[%dma_start3A_12] : memref<5120xi32, #tpu.memory_space<vmem>> -> memref<32xi32, #tpu.memory_space<vmem>>
    %dma_start3A_14 = arith.constant 0 : i32
    %dma_start3A_15 = arith.constant 0 : i32
    %dma_start3A_16 = tpu.memref_slice %arg2[%dma_start3A_14, %dma_start3A_15] : memref<10000x128xf32, #tpu.memory_space<hbm>> -> memref<10000x128xf32, #tpu.memory_space<hbm>>
    tpu.enqueue_indirect_dma source(%dma_start3A_16 : memref<10000x128xf32, #tpu.memory_space<hbm>>) target(%arg11 : memref<32x128xf32, #tpu.memory_space<vmem>>) offsets(%dma_start3A_13 : memref<32xi32, #tpu.memory_space<vmem>>) semaphore(%arg17 : memref<!tpu.dma_semaphore, #tpu.memory_space<semaphore_mem>>)
    %dma_start3A_17 = arith.constant 96 : i32
    %dma_start3A_18 = tpu.memref_slice %arg7[%dma_start3A_17] : memref<5120xi32, #tpu.memory_space<vmem>> -> memref<32xi32, #tpu.memory_space<vmem>>
    %dma_start3A_19 = arith.constant 0 : i32
    %dma_start3A_20 = arith.constant 0 : i32
    %dma_start3A_21 = tpu.memref_slice %arg2[%dma_start3A_19, %dma_start3A_20] : memref<10000x128xf32, #tpu.memory_space<hbm>> -> memref<10000x128xf32, #tpu.memory_space<hbm>>
    tpu.enqueue_indirect_dma source(%dma_start3A_21 : memref<10000x128xf32, #tpu.memory_space<hbm>>) target(%arg12 : memref<32x128xf32, #tpu.memory_space<vmem>>) offsets(%dma_start3A_18 : memref<32xi32, #tpu.memory_space<vmem>>) semaphore(%arg18 : memref<!tpu.dma_semaphore, #tpu.memory_space<semaphore_mem>>)
    %dma_start3A_22 = arith.constant 128 : i32
    %dma_start3A_23 = tpu.memref_slice %arg7[%dma_start3A_22] : memref<5120xi32, #tpu.memory_space<vmem>> -> memref<32xi32, #tpu.memory_space<vmem>>
    %dma_start3A_24 = arith.constant 0 : i32
    %dma_start3A_25 = arith.constant 0 : i32
    %dma_start3A_26 = tpu.memref_slice %arg2[%dma_start3A_24, %dma_start3A_25] : memref<10000x128xf32, #tpu.memory_space<hbm>> -> memref<10000x128xf32, #tpu.memory_space<hbm>>
    tpu.enqueue_indirect_dma source(%dma_start3A_26 : memref<10000x128xf32, #tpu.memory_space<hbm>>) target(%arg13 : memref<32x128xf32, #tpu.memory_space<vmem>>) offsets(%dma_start3A_23 : memref<32xi32, #tpu.memory_space<vmem>>) semaphore(%arg19 : memref<!tpu.dma_semaphore, #tpu.memory_space<semaphore_mem>>)
    %mul3A_27 = arith.constant 640 : i32
    %mul3A_28 = arith.muli %arg1, %mul3A_27 : i32
    %add3A_29 = arith.constant 0 : i32
    %add3A_30 = arith.addi %mul3A_28, %add3A_29 : i32
    "tpu.region"() ({
      %run_scoped3A = tpu.sem_alloc : memref<!tpu.dma_semaphore, #tpu.memory_space<semaphore_mem>>
      %dma_start3A_113 = arith.constant 0 : i32
      %dma_start3A_114 = tpu.memref_slice %arg14[%add3A_30, %dma_start3A_113] : memref<10240x128xf32, #tpu.memory_space<vmem_shared>> -> memref<128x128xf32, #tpu.memory_space<vmem_shared>>
      tpu.enqueue_dma source(%arg5 : memref<128x128xf32, #tpu.memory_space<hbm>>) target(%dma_start3A_114 : memref<128x128xf32, #tpu.memory_space<vmem_shared>>) target_semaphore(%run_scoped3A : memref<!tpu.dma_semaphore, #tpu.memory_space<semaphore_mem>>)
      %dma_wait3A_115 = arith.constant 0 : i32
      %dma_wait3A_116 = tpu.memref_slice %arg14[%add3A_30, %dma_wait3A_115] : memref<10240x128xf32, #tpu.memory_space<vmem_shared>> -> memref<128x128xf32, #tpu.memory_space<vmem_shared>>
      tpu.wait_dma2 semaphore(%run_scoped3A : memref<!tpu.dma_semaphore, #tpu.memory_space<semaphore_mem>>) src(%arg5 : memref<128x128xf32, #tpu.memory_space<hbm>>) dst(%dma_wait3A_116 : memref<128x128xf32, #tpu.memory_space<vmem_shared>>)
      tpu.yield
    }) : () -> ()
    %add3A_31 = arith.constant 128 : i32
    %add3A_32 = arith.addi %mul3A_28, %add3A_31 : i32
    "tpu.region"() ({
      %run_scoped3A = tpu.sem_alloc : memref<!tpu.dma_semaphore, #tpu.memory_space<semaphore_mem>>
      %dma_start3A_113 = arith.constant 0 : i32
      %dma_start3A_114 = tpu.memref_slice %arg14[%add3A_32, %dma_start3A_113] : memref<10240x128xf32, #tpu.memory_space<vmem_shared>> -> memref<128x128xf32, #tpu.memory_space<vmem_shared>>
      tpu.enqueue_dma source(%arg5 : memref<128x128xf32, #tpu.memory_space<hbm>>) target(%dma_start3A_114 : memref<128x128xf32, #tpu.memory_space<vmem_shared>>) target_semaphore(%run_scoped3A : memref<!tpu.dma_semaphore, #tpu.memory_space<semaphore_mem>>)
      %dma_wait3A_115 = arith.constant 0 : i32
      %dma_wait3A_116 = tpu.memref_slice %arg14[%add3A_32, %dma_wait3A_115] : memref<10240x128xf32, #tpu.memory_space<vmem_shared>> -> memref<128x128xf32, #tpu.memory_space<vmem_shared>>
      tpu.wait_dma2 semaphore(%run_scoped3A : memref<!tpu.dma_semaphore, #tpu.memory_space<semaphore_mem>>) src(%arg5 : memref<128x128xf32, #tpu.memory_space<hbm>>) dst(%dma_wait3A_116 : memref<128x128xf32, #tpu.memory_space<vmem_shared>>)
      tpu.yield
    }) : () -> ()
    %add3A_33 = arith.constant 256 : i32
    %add3A_34 = arith.addi %mul3A_28, %add3A_33 : i32
    "tpu.region"() ({
      %run_scoped3A = tpu.sem_alloc : memref<!tpu.dma_semaphore, #tpu.memory_space<semaphore_mem>>
      %dma_start3A_113 = arith.constant 0 : i32
      %dma_start3A_114 = tpu.memref_slice %arg14[%add3A_34, %dma_start3A_113] : memref<10240x128xf32, #tpu.memory_space<vmem_shared>> -> memref<128x128xf32, #tpu.memory_space<vmem_shared>>
      tpu.enqueue_dma source(%arg5 : memref<128x128xf32, #tpu.memory_space<hbm>>) target(%dma_start3A_114 : memref<128x128xf32, #tpu.memory_space<vmem_shared>>) target_semaphore(%run_scoped3A : memref<!tpu.dma_semaphore, #tpu.memory_space<semaphore_mem>>)
      %dma_wait3A_115 = arith.constant 0 : i32
      %dma_wait3A_116 = tpu.memref_slice %arg14[%add3A_34, %dma_wait3A_115] : memref<10240x128xf32, #tpu.memory_space<vmem_shared>> -> memref<128x128xf32, #tpu.memory_space<vmem_shared>>
      tpu.wait_dma2 semaphore(%run_scoped3A : memref<!tpu.dma_semaphore, #tpu.memory_space<semaphore_mem>>) src(%arg5 : memref<128x128xf32, #tpu.memory_space<hbm>>) dst(%dma_wait3A_116 : memref<128x128xf32, #tpu.memory_space<vmem_shared>>)
      tpu.yield
    }) : () -> ()
    %add3A_35 = arith.constant 384 : i32
    %add3A_36 = arith.addi %mul3A_28, %add3A_35 : i32
    "tpu.region"() ({
      %run_scoped3A = tpu.sem_alloc : memref<!tpu.dma_semaphore, #tpu.memory_space<semaphore_mem>>
      %dma_start3A_113 = arith.constant 0 : i32
      %dma_start3A_114 = tpu.memref_slice %arg14[%add3A_36, %dma_start3A_113] : memref<10240x128xf32, #tpu.memory_space<vmem_shared>> -> memref<128x128xf32, #tpu.memory_space<vmem_shared>>
      tpu.enqueue_dma source(%arg5 : memref<128x128xf32, #tpu.memory_space<hbm>>) target(%dma_start3A_114 : memref<128x128xf32, #tpu.memory_space<vmem_shared>>) target_semaphore(%run_scoped3A : memref<!tpu.dma_semaphore, #tpu.memory_space<semaphore_mem>>)
      %dma_wait3A_115 = arith.constant 0 : i32
      %dma_wait3A_116 = tpu.memref_slice %arg14[%add3A_36, %dma_wait3A_115] : memref<10240x128xf32, #tpu.memory_space<vmem_shared>> -> memref<128x128xf32, #tpu.memory_space<vmem_shared>>
      tpu.wait_dma2 semaphore(%run_scoped3A : memref<!tpu.dma_semaphore, #tpu.memory_space<semaphore_mem>>) src(%arg5 : memref<128x128xf32, #tpu.memory_space<hbm>>) dst(%dma_wait3A_116 : memref<128x128xf32, #tpu.memory_space<vmem_shared>>)
      tpu.yield
    }) : () -> ()
    %add3A_37 = arith.constant 512 : i32
    %add3A_38 = arith.addi %mul3A_28, %add3A_37 : i32
    "tpu.region"() ({
      %run_scoped3A = tpu.sem_alloc : memref<!tpu.dma_semaphore, #tpu.memory_space<semaphore_mem>>
      %dma_start3A_113 = arith.constant 0 : i32
      %dma_start3A_114 = tpu.memref_slice %arg14[%add3A_38, %dma_start3A_113] : memref<10240x128xf32, #tpu.memory_space<vmem_shared>> -> memref<128x128xf32, #tpu.memory_space<vmem_shared>>
      tpu.enqueue_dma source(%arg5 : memref<128x128xf32, #tpu.memory_space<hbm>>) target(%dma_start3A_114 : memref<128x128xf32, #tpu.memory_space<vmem_shared>>) target_semaphore(%run_scoped3A : memref<!tpu.dma_semaphore, #tpu.memory_space<semaphore_mem>>)
      %dma_wait3A_115 = arith.constant 0 : i32
      %dma_wait3A_116 = tpu.memref_slice %arg14[%add3A_38, %dma_wait3A_115] : memref<10240x128xf32, #tpu.memory_space<vmem_shared>> -> memref<128x128xf32, #tpu.memory_space<vmem_shared>>
      tpu.wait_dma2 semaphore(%run_scoped3A : memref<!tpu.dma_semaphore, #tpu.memory_space<semaphore_mem>>) src(%arg5 : memref<128x128xf32, #tpu.memory_space<hbm>>) dst(%dma_wait3A_116 : memref<128x128xf32, #tpu.memory_space<vmem_shared>>)
      tpu.yield
    }) : () -> ()
    %barrier3A = arith.constant 0 : index
    tpu.barrier barrier_id(%barrier3A)
    %scan3A = arith.constant 0 : i32
    %scan3A_39 = arith.constant 32 : i32
    %scan3A_40 = arith.addi %scan3A, %scan3A_39 : i32
    %scan3A_41 = arith.constant 1 : i32
    scf.for %scan3A_113 = %scan3A to %scan3A_40 step %scan3A_41  : i32 {
      %mul3A_114 = arith.constant 1 : i32
      %mul3A_115 = arith.muli %scan3A_113, %mul3A_114 : i32
      %add3A_116 = arith.constant 0 : i32
      %add3A_117 = arith.addi %add3A_116, %mul3A_115 : i32
      %mul3A_118 = arith.constant 5 : i32
      %mul3A_119 = arith.muli %mul3A_118, %add3A_117 : i32
      %add3A_120 = arith.constant 0 : i32
      %add3A_121 = arith.addi %mul3A_119, %add3A_120 : i32
      %mul3A_122 = arith.constant 32 : i32
      %mul3A_123 = arith.muli %add3A_121, %mul3A_122 : i32
      %dma_wait3A_124 = tpu.memref_slice %arg7[%mul3A_123] : memref<5120xi32, #tpu.memory_space<vmem>> -> memref<32xi32, #tpu.memory_space<vmem>>
      %dma_wait3A_125 = arith.constant 0 : i32
      %dma_wait3A_126 = arith.constant 0 : i32
      %dma_wait3A_127 = tpu.memref_slice %arg2[%dma_wait3A_125, %dma_wait3A_126] : memref<10000x128xf32, #tpu.memory_space<hbm>> -> memref<10000x128xf32, #tpu.memory_space<hbm>>
      tpu.wait_indirect_dma semaphore(%arg15 : memref<!tpu.dma_semaphore, #tpu.memory_space<semaphore_mem>>) src(%dma_wait3A_127 : memref<10000x128xf32, #tpu.memory_space<hbm>>) dst(%arg9 : memref<32x128xf32, #tpu.memory_space<vmem>>)
      %dma_start3A_128 = arith.constant 0 : i32
      %dma_start3A_129 = tpu.memref_slice %arg8[%add3A_121, %dma_start3A_128] : memref<160x32xi32, #tpu.memory_space<vmem>> -> memref<1x32xi32, #tpu.memory_space<vmem>>
      %dma_start3A_130 = tpu.memref_squeeze %dma_start3A_129 : memref<1x32xi32, #tpu.memory_space<vmem>> -> memref<32xi32, #tpu.memory_space<vmem>>
      %dma_start3A_131 = arith.constant 0 : i32
      %dma_start3A_132 = arith.constant 0 : i32
      %dma_start3A_133 = tpu.memref_slice %arg14[%dma_start3A_131, %dma_start3A_132] : memref<10240x128xf32, #tpu.memory_space<vmem_shared>> -> memref<10240x128xf32, #tpu.memory_space<vmem_shared>>
      tpu.enqueue_indirect_dma source(%arg9 : memref<32x128xf32, #tpu.memory_space<vmem>>) target(%dma_start3A_133 : memref<10240x128xf32, #tpu.memory_space<vmem_shared>>) offsets(%dma_start3A_130 : memref<32xi32, #tpu.memory_space<vmem>>) semaphore(%arg20 : memref<!tpu.dma_semaphore, #tpu.memory_space<semaphore_mem>>) {add = true}
      %add3A_134 = arith.constant 1 : i32
      %add3A_135 = arith.addi %add3A_117, %add3A_134 : i32
      %lt3A = arith.constant 32 : i32
      %lt3A_136 = arith.cmpi slt, %add3A_135, %lt3A : i32
      %convert_element_type3A = arith.extui %lt3A_136 : i1 to i32
      %cond3A = arith.constant 0 : i32
      %cond3A_137 = arith.cmpi ne, %convert_element_type3A, %cond3A : i32
      scf.if %cond3A_137 {
        %dma_wait3A_230 = arith.constant 0 : i32
        %dma_wait3A_231 = tpu.memref_slice %arg8[%add3A_121, %dma_wait3A_230] : memref<160x32xi32, #tpu.memory_space<vmem>> -> memref<1x32xi32, #tpu.memory_space<vmem>>
        %dma_wait3A_232 = tpu.memref_squeeze %dma_wait3A_231 : memref<1x32xi32, #tpu.memory_space<vmem>> -> memref<32xi32, #tpu.memory_space<vmem>>
        %dma_wait3A_233 = arith.constant 0 : i32
        %dma_wait3A_234 = arith.constant 0 : i32
        %dma_wait3A_235 = tpu.memref_slice %arg14[%dma_wait3A_233, %dma_wait3A_234] : memref<10240x128xf32, #tpu.memory_space<vmem_shared>> -> memref<10240x128xf32, #tpu.memory_space<vmem_shared>>
        tpu.wait_indirect_dma semaphore(%arg20 : memref<!tpu.dma_semaphore, #tpu.memory_space<semaphore_mem>>) src(%arg9 : memref<32x128xf32, #tpu.memory_space<vmem>>) dst(%dma_wait3A_235 : memref<10240x128xf32, #tpu.memory_space<vmem_shared>>)
        %add3A_236 = arith.constant 5 : i32
        %add3A_237 = arith.addi %add3A_121, %add3A_236 : i32
        %mul3A_238 = arith.constant 32 : i32
        %mul3A_239 = arith.muli %add3A_237, %mul3A_238 : i32
        %dma_start3A_240 = tpu.memref_slice %arg7[%mul3A_239] : memref<5120xi32, #tpu.memory_space<vmem>> -> memref<32xi32, #tpu.memory_space<vmem>>
        %dma_start3A_241 = arith.constant 0 : i32
        %dma_start3A_242 = arith.constant 0 : i32
        %dma_start3A_243 = tpu.memref_slice %arg2[%dma_start3A_241, %dma_start3A_242] : memref<10000x128xf32, #tpu.memory_space<hbm>> -> memref<10000x128xf32, #tpu.memory_space<hbm>>
        tpu.enqueue_indirect_dma source(%dma_start3A_243 : memref<10000x128xf32, #tpu.memory_space<hbm>>) target(%arg9 : memref<32x128xf32, #tpu.memory_space<vmem>>) offsets(%dma_start3A_240 : memref<32xi32, #tpu.memory_space<vmem>>) semaphore(%arg15 : memref<!tpu.dma_semaphore, #tpu.memory_space<semaphore_mem>>)
      } else {
      }
      %mul3A_138 = arith.constant 5 : i32
      %mul3A_139 = arith.muli %mul3A_138, %add3A_117 : i32
      %add3A_140 = arith.constant 1 : i32
      %add3A_141 = arith.addi %mul3A_139, %add3A_140 : i32
      %mul3A_142 = arith.constant 32 : i32
      %mul3A_143 = arith.muli %add3A_141, %mul3A_142 : i32
      %dma_wait3A_144 = tpu.memref_slice %arg7[%mul3A_143] : memref<5120xi32, #tpu.memory_space<vmem>> -> memref<32xi32, #tpu.memory_space<vmem>>
      %dma_wait3A_145 = arith.constant 0 : i32
      %dma_wait3A_146 = arith.constant 0 : i32
      %dma_wait3A_147 = tpu.memref_slice %arg2[%dma_wait3A_145, %dma_wait3A_146] : memref<10000x128xf32, #tpu.memory_space<hbm>> -> memref<10000x128xf32, #tpu.memory_space<hbm>>
      tpu.wait_indirect_dma semaphore(%arg16 : memref<!tpu.dma_semaphore, #tpu.memory_space<semaphore_mem>>) src(%dma_wait3A_147 : memref<10000x128xf32, #tpu.memory_space<hbm>>) dst(%arg10 : memref<32x128xf32, #tpu.memory_space<vmem>>)
      %dma_start3A_148 = arith.constant 0 : i32
      %dma_start3A_149 = tpu.memref_slice %arg8[%add3A_141, %dma_start3A_148] : memref<160x32xi32, #tpu.memory_space<vmem>> -> memref<1x32xi32, #tpu.memory_space<vmem>>
      %dma_start3A_150 = tpu.memref_squeeze %dma_start3A_149 : memref<1x32xi32, #tpu.memory_space<vmem>> -> memref<32xi32, #tpu.memory_space<vmem>>
      %dma_start3A_151 = arith.constant 0 : i32
      %dma_start3A_152 = arith.constant 0 : i32
      %dma_start3A_153 = tpu.memref_slice %arg14[%dma_start3A_151, %dma_start3A_152] : memref<10240x128xf32, #tpu.memory_space<vmem_shared>> -> memref<10240x128xf32, #tpu.memory_space<vmem_shared>>
      tpu.enqueue_indirect_dma source(%arg10 : memref<32x128xf32, #tpu.memory_space<vmem>>) target(%dma_start3A_153 : memref<10240x128xf32, #tpu.memory_space<vmem_shared>>) offsets(%dma_start3A_150 : memref<32xi32, #tpu.memory_space<vmem>>) semaphore(%arg21 : memref<!tpu.dma_semaphore, #tpu.memory_space<semaphore_mem>>) {add = true}
      %add3A_154 = arith.constant 1 : i32
      %add3A_155 = arith.addi %add3A_117, %add3A_154 : i32
      %lt3A_156 = arith.constant 32 : i32
      %lt3A_157 = arith.cmpi slt, %add3A_155, %lt3A_156 : i32
      %convert_element_type3A_158 = arith.extui %lt3A_157 : i1 to i32
      %cond3A_159 = arith.constant 0 : i32
      %cond3A_160 = arith.cmpi ne, %convert_element_type3A_158, %cond3A_159 : i32
      scf.if %cond3A_160 {
        %dma_wait3A_230 = arith.constant 0 : i32
        %dma_wait3A_231 = tpu.memref_slice %arg8[%add3A_141, %dma_wait3A_230] : memref<160x32xi32, #tpu.memory_space<vmem>> -> memref<1x32xi32, #tpu.memory_space<vmem>>
        %dma_wait3A_232 = tpu.memref_squeeze %dma_wait3A_231 : memref<1x32xi32, #tpu.memory_space<vmem>> -> memref<32xi32, #tpu.memory_space<vmem>>
        %dma_wait3A_233 = arith.constant 0 : i32
        %dma_wait3A_234 = arith.constant 0 : i32
        %dma_wait3A_235 = tpu.memref_slice %arg14[%dma_wait3A_233, %dma_wait3A_234] : memref<10240x128xf32, #tpu.memory_space<vmem_shared>> -> memref<10240x128xf32, #tpu.memory_space<vmem_shared>>
        tpu.wait_indirect_dma semaphore(%arg21 : memref<!tpu.dma_semaphore, #tpu.memory_space<semaphore_mem>>) src(%arg10 : memref<32x128xf32, #tpu.memory_space<vmem>>) dst(%dma_wait3A_235 : memref<10240x128xf32, #tpu.memory_space<vmem_shared>>)
        %add3A_236 = arith.constant 5 : i32
        %add3A_237 = arith.addi %add3A_141, %add3A_236 : i32
        %mul3A_238 = arith.constant 32 : i32
        %mul3A_239 = arith.muli %add3A_237, %mul3A_238 : i32
        %dma_start3A_240 = tpu.memref_slice %arg7[%mul3A_239] : memref<5120xi32, #tpu.memory_space<vmem>> -> memref<32xi32, #tpu.memory_space<vmem>>
        %dma_start3A_241 = arith.constant 0 : i32
        %dma_start3A_242 = arith.constant 0 : i32
        %dma_start3A_243 = tpu.memref_slice %arg2[%dma_start3A_241, %dma_start3A_242] : memref<10000x128xf32, #tpu.memory_space<hbm>> -> memref<10000x128xf32, #tpu.memory_space<hbm>>
        tpu.enqueue_indirect_dma source(%dma_start3A_243 : memref<10000x128xf32, #tpu.memory_space<hbm>>) target(%arg10 : memref<32x128xf32, #tpu.memory_space<vmem>>) offsets(%dma_start3A_240 : memref<32xi32, #tpu.memory_space<vmem>>) semaphore(%arg16 : memref<!tpu.dma_semaphore, #tpu.memory_space<semaphore_mem>>)
      } else {
      }
      %mul3A_161 = arith.constant 5 : i32
      %mul3A_162 = arith.muli %mul3A_161, %add3A_117 : i32
      %add3A_163 = arith.constant 2 : i32
      %add3A_164 = arith.addi %mul3A_162, %add3A_163 : i32
      %mul3A_165 = arith.constant 32 : i32
      %mul3A_166 = arith.muli %add3A_164, %mul3A_165 : i32
      %dma_wait3A_167 = tpu.memref_slice %arg7[%mul3A_166] : memref<5120xi32, #tpu.memory_space<vmem>> -> memref<32xi32, #tpu.memory_space<vmem>>
      %dma_wait3A_168 = arith.constant 0 : i32
      %dma_wait3A_169 = arith.constant 0 : i32
      %dma_wait3A_170 = tpu.memref_slice %arg2[%dma_wait3A_168, %dma_wait3A_169] : memref<10000x128xf32, #tpu.memory_space<hbm>> -> memref<10000x128xf32, #tpu.memory_space<hbm>>
      tpu.wait_indirect_dma semaphore(%arg17 : memref<!tpu.dma_semaphore, #tpu.memory_space<semaphore_mem>>) src(%dma_wait3A_170 : memref<10000x128xf32, #tpu.memory_space<hbm>>) dst(%arg11 : memref<32x128xf32, #tpu.memory_space<vmem>>)
      %dma_start3A_171 = arith.constant 0 : i32
      %dma_start3A_172 = tpu.memref_slice %arg8[%add3A_164, %dma_start3A_171] : memref<160x32xi32, #tpu.memory_space<vmem>> -> memref<1x32xi32, #tpu.memory_space<vmem>>
      %dma_start3A_173 = tpu.memref_squeeze %dma_start3A_172 : memref<1x32xi32, #tpu.memory_space<vmem>> -> memref<32xi32, #tpu.memory_space<vmem>>
      %dma_start3A_174 = arith.constant 0 : i32
      %dma_start3A_175 = arith.constant 0 : i32
      %dma_start3A_176 = tpu.memref_slice %arg14[%dma_start3A_174, %dma_start3A_175] : memref<10240x128xf32, #tpu.memory_space<vmem_shared>> -> memref<10240x128xf32, #tpu.memory_space<vmem_shared>>
      tpu.enqueue_indirect_dma source(%arg11 : memref<32x128xf32, #tpu.memory_space<vmem>>) target(%dma_start3A_176 : memref<10240x128xf32, #tpu.memory_space<vmem_shared>>) offsets(%dma_start3A_173 : memref<32xi32, #tpu.memory_space<vmem>>) semaphore(%arg22 : memref<!tpu.dma_semaphore, #tpu.memory_space<semaphore_mem>>) {add = true}
      %add3A_177 = arith.constant 1 : i32
      %add3A_178 = arith.addi %add3A_117, %add3A_177 : i32
      %lt3A_179 = arith.constant 32 : i32
      %lt3A_180 = arith.cmpi slt, %add3A_178, %lt3A_179 : i32
      %convert_element_type3A_181 = arith.extui %lt3A_180 : i1 to i32
      %cond3A_182 = arith.constant 0 : i32
      %cond3A_183 = arith.cmpi ne, %convert_element_type3A_181, %cond3A_182 : i32
      scf.if %cond3A_183 {
        %dma_wait3A_230 = arith.constant 0 : i32
        %dma_wait3A_231 = tpu.memref_slice %arg8[%add3A_164, %dma_wait3A_230] : memref<160x32xi32, #tpu.memory_space<vmem>> -> memref<1x32xi32, #tpu.memory_space<vmem>>
        %dma_wait3A_232 = tpu.memref_squeeze %dma_wait3A_231 : memref<1x32xi32, #tpu.memory_space<vmem>> -> memref<32xi32, #tpu.memory_space<vmem>>
        %dma_wait3A_233 = arith.constant 0 : i32
        %dma_wait3A_234 = arith.constant 0 : i32
        %dma_wait3A_235 = tpu.memref_slice %arg14[%dma_wait3A_233, %dma_wait3A_234] : memref<10240x128xf32, #tpu.memory_space<vmem_shared>> -> memref<10240x128xf32, #tpu.memory_space<vmem_shared>>
        tpu.wait_indirect_dma semaphore(%arg22 : memref<!tpu.dma_semaphore, #tpu.memory_space<semaphore_mem>>) src(%arg11 : memref<32x128xf32, #tpu.memory_space<vmem>>) dst(%dma_wait3A_235 : memref<10240x128xf32, #tpu.memory_space<vmem_shared>>)
        %add3A_236 = arith.constant 5 : i32
        %add3A_237 = arith.addi %add3A_164, %add3A_236 : i32
        %mul3A_238 = arith.constant 32 : i32
        %mul3A_239 = arith.muli %add3A_237, %mul3A_238 : i32
        %dma_start3A_240 = tpu.memref_slice %arg7[%mul3A_239] : memref<5120xi32, #tpu.memory_space<vmem>> -> memref<32xi32, #tpu.memory_space<vmem>>
        %dma_start3A_241 = arith.constant 0 : i32
        %dma_start3A_242 = arith.constant 0 : i32
        %dma_start3A_243 = tpu.memref_slice %arg2[%dma_start3A_241, %dma_start3A_242] : memref<10000x128xf32, #tpu.memory_space<hbm>> -> memref<10000x128xf32, #tpu.memory_space<hbm>>
        tpu.enqueue_indirect_dma source(%dma_start3A_243 : memref<10000x128xf32, #tpu.memory_space<hbm>>) target(%arg11 : memref<32x128xf32, #tpu.memory_space<vmem>>) offsets(%dma_start3A_240 : memref<32xi32, #tpu.memory_space<vmem>>) semaphore(%arg17 : memref<!tpu.dma_semaphore, #tpu.memory_space<semaphore_mem>>)
      } else {
      }
      %mul3A_184 = arith.constant 5 : i32
      %mul3A_185 = arith.muli %mul3A_184, %add3A_117 : i32
      %add3A_186 = arith.constant 3 : i32
      %add3A_187 = arith.addi %mul3A_185, %add3A_186 : i32
      %mul3A_188 = arith.constant 32 : i32
      %mul3A_189 = arith.muli %add3A_187, %mul3A_188 : i32
      %dma_wait3A_190 = tpu.memref_slice %arg7[%mul3A_189] : memref<5120xi32, #tpu.memory_space<vmem>> -> memref<32xi32, #tpu.memory_space<vmem>>
      %dma_wait3A_191 = arith.constant 0 : i32
      %dma_wait3A_192 = arith.constant 0 : i32
      %dma_wait3A_193 = tpu.memref_slice %arg2[%dma_wait3A_191, %dma_wait3A_192] : memref<10000x128xf32, #tpu.memory_space<hbm>> -> memref<10000x128xf32, #tpu.memory_space<hbm>>
      tpu.wait_indirect_dma semaphore(%arg18 : memref<!tpu.dma_semaphore, #tpu.memory_space<semaphore_mem>>) src(%dma_wait3A_193 : memref<10000x128xf32, #tpu.memory_space<hbm>>) dst(%arg12 : memref<32x128xf32, #tpu.memory_space<vmem>>)
      %dma_start3A_194 = arith.constant 0 : i32
      %dma_start3A_195 = tpu.memref_slice %arg8[%add3A_187, %dma_start3A_194] : memref<160x32xi32, #tpu.memory_space<vmem>> -> memref<1x32xi32, #tpu.memory_space<vmem>>
      %dma_start3A_196 = tpu.memref_squeeze %dma_start3A_195 : memref<1x32xi32, #tpu.memory_space<vmem>> -> memref<32xi32, #tpu.memory_space<vmem>>
      %dma_start3A_197 = arith.constant 0 : i32
      %dma_start3A_198 = arith.constant 0 : i32
      %dma_start3A_199 = tpu.memref_slice %arg14[%dma_start3A_197, %dma_start3A_198] : memref<10240x128xf32, #tpu.memory_space<vmem_shared>> -> memref<10240x128xf32, #tpu.memory_space<vmem_shared>>
      tpu.enqueue_indirect_dma source(%arg12 : memref<32x128xf32, #tpu.memory_space<vmem>>) target(%dma_start3A_199 : memref<10240x128xf32, #tpu.memory_space<vmem_shared>>) offsets(%dma_start3A_196 : memref<32xi32, #tpu.memory_space<vmem>>) semaphore(%arg23 : memref<!tpu.dma_semaphore, #tpu.memory_space<semaphore_mem>>) {add = true}
      %add3A_200 = arith.constant 1 : i32
      %add3A_201 = arith.addi %add3A_117, %add3A_200 : i32
      %lt3A_202 = arith.constant 32 : i32
      %lt3A_203 = arith.cmpi slt, %add3A_201, %lt3A_202 : i32
      %convert_element_type3A_204 = arith.extui %lt3A_203 : i1 to i32
      %cond3A_205 = arith.constant 0 : i32
      %cond3A_206 = arith.cmpi ne, %convert_element_type3A_204, %cond3A_205 : i32
      scf.if %cond3A_206 {
        %dma_wait3A_230 = arith.constant 0 : i32
        %dma_wait3A_231 = tpu.memref_slice %arg8[%add3A_187, %dma_wait3A_230] : memref<160x32xi32, #tpu.memory_space<vmem>> -> memref<1x32xi32, #tpu.memory_space<vmem>>
        %dma_wait3A_232 = tpu.memref_squeeze %dma_wait3A_231 : memref<1x32xi32, #tpu.memory_space<vmem>> -> memref<32xi32, #tpu.memory_space<vmem>>
        %dma_wait3A_233 = arith.constant 0 : i32
        %dma_wait3A_234 = arith.constant 0 : i32
        %dma_wait3A_235 = tpu.memref_slice %arg14[%dma_wait3A_233, %dma_wait3A_234] : memref<10240x128xf32, #tpu.memory_space<vmem_shared>> -> memref<10240x128xf32, #tpu.memory_space<vmem_shared>>
        tpu.wait_indirect_dma semaphore(%arg23 : memref<!tpu.dma_semaphore, #tpu.memory_space<semaphore_mem>>) src(%arg12 : memref<32x128xf32, #tpu.memory_space<vmem>>) dst(%dma_wait3A_235 : memref<10240x128xf32, #tpu.memory_space<vmem_shared>>)
        %add3A_236 = arith.constant 5 : i32
        %add3A_237 = arith.addi %add3A_187, %add3A_236 : i32
        %mul3A_238 = arith.constant 32 : i32
        %mul3A_239 = arith.muli %add3A_237, %mul3A_238 : i32
        %dma_start3A_240 = tpu.memref_slice %arg7[%mul3A_239] : memref<5120xi32, #tpu.memory_space<vmem>> -> memref<32xi32, #tpu.memory_space<vmem>>
        %dma_start3A_241 = arith.constant 0 : i32
        %dma_start3A_242 = arith.constant 0 : i32
        %dma_start3A_243 = tpu.memref_slice %arg2[%dma_start3A_241, %dma_start3A_242] : memref<10000x128xf32, #tpu.memory_space<hbm>> -> memref<10000x128xf32, #tpu.memory_space<hbm>>
        tpu.enqueue_indirect_dma source(%dma_start3A_243 : memref<10000x128xf32, #tpu.memory_space<hbm>>) target(%arg12 : memref<32x128xf32, #tpu.memory_space<vmem>>) offsets(%dma_start3A_240 : memref<32xi32, #tpu.memory_space<vmem>>) semaphore(%arg18 : memref<!tpu.dma_semaphore, #tpu.memory_space<semaphore_mem>>)
      } else {
      }
      %mul3A_207 = arith.constant 5 : i32
      %mul3A_208 = arith.muli %mul3A_207, %add3A_117 : i32
      %add3A_209 = arith.constant 4 : i32
      %add3A_210 = arith.addi %mul3A_208, %add3A_209 : i32
      %mul3A_211 = arith.constant 32 : i32
      %mul3A_212 = arith.muli %add3A_210, %mul3A_211 : i32
      %dma_wait3A_213 = tpu.memref_slice %arg7[%mul3A_212] : memref<5120xi32, #tpu.memory_space<vmem>> -> memref<32xi32, #tpu.memory_space<vmem>>
      %dma_wait3A_214 = arith.constant 0 : i32
      %dma_wait3A_215 = arith.constant 0 : i32
      %dma_wait3A_216 = tpu.memref_slice %arg2[%dma_wait3A_214, %dma_wait3A_215] : memref<10000x128xf32, #tpu.memory_space<hbm>> -> memref<10000x128xf32, #tpu.memory_space<hbm>>
      tpu.wait_indirect_dma semaphore(%arg19 : memref<!tpu.dma_semaphore, #tpu.memory_space<semaphore_mem>>) src(%dma_wait3A_216 : memref<10000x128xf32, #tpu.memory_space<hbm>>) dst(%arg13 : memref<32x128xf32, #tpu.memory_space<vmem>>)
      %dma_start3A_217 = arith.constant 0 : i32
      %dma_start3A_218 = tpu.memref_slice %arg8[%add3A_210, %dma_start3A_217] : memref<160x32xi32, #tpu.memory_space<vmem>> -> memref<1x32xi32, #tpu.memory_space<vmem>>
      %dma_start3A_219 = tpu.memref_squeeze %dma_start3A_218 : memref<1x32xi32, #tpu.memory_space<vmem>> -> memref<32xi32, #tpu.memory_space<vmem>>
      %dma_start3A_220 = arith.constant 0 : i32
      %dma_start3A_221 = arith.constant 0 : i32
      %dma_start3A_222 = tpu.memref_slice %arg14[%dma_start3A_220, %dma_start3A_221] : memref<10240x128xf32, #tpu.memory_space<vmem_shared>> -> memref<10240x128xf32, #tpu.memory_space<vmem_shared>>
      tpu.enqueue_indirect_dma source(%arg13 : memref<32x128xf32, #tpu.memory_space<vmem>>) target(%dma_start3A_222 : memref<10240x128xf32, #tpu.memory_space<vmem_shared>>) offsets(%dma_start3A_219 : memref<32xi32, #tpu.memory_space<vmem>>) semaphore(%arg24 : memref<!tpu.dma_semaphore, #tpu.memory_space<semaphore_mem>>) {add = true}
      %add3A_223 = arith.constant 1 : i32
      %add3A_224 = arith.addi %add3A_117, %add3A_223 : i32
      %lt3A_225 = arith.constant 32 : i32
      %lt3A_226 = arith.cmpi slt, %add3A_224, %lt3A_225 : i32
      %convert_element_type3A_227 = arith.extui %lt3A_226 : i1 to i32
      %cond3A_228 = arith.constant 0 : i32
      %cond3A_229 = arith.cmpi ne, %convert_element_type3A_227, %cond3A_228 : i32
      scf.if %cond3A_229 {
        %dma_wait3A_230 = arith.constant 0 : i32
        %dma_wait3A_231 = tpu.memref_slice %arg8[%add3A_210, %dma_wait3A_230] : memref<160x32xi32, #tpu.memory_space<vmem>> -> memref<1x32xi32, #tpu.memory_space<vmem>>
        %dma_wait3A_232 = tpu.memref_squeeze %dma_wait3A_231 : memref<1x32xi32, #tpu.memory_space<vmem>> -> memref<32xi32, #tpu.memory_space<vmem>>
        %dma_wait3A_233 = arith.constant 0 : i32
        %dma_wait3A_234 = arith.constant 0 : i32
        %dma_wait3A_235 = tpu.memref_slice %arg14[%dma_wait3A_233, %dma_wait3A_234] : memref<10240x128xf32, #tpu.memory_space<vmem_shared>> -> memref<10240x128xf32, #tpu.memory_space<vmem_shared>>
        tpu.wait_indirect_dma semaphore(%arg24 : memref<!tpu.dma_semaphore, #tpu.memory_space<semaphore_mem>>) src(%arg13 : memref<32x128xf32, #tpu.memory_space<vmem>>) dst(%dma_wait3A_235 : memref<10240x128xf32, #tpu.memory_space<vmem_shared>>)
        %add3A_236 = arith.constant 5 : i32
        %add3A_237 = arith.addi %add3A_210, %add3A_236 : i32
        %mul3A_238 = arith.constant 32 : i32
        %mul3A_239 = arith.muli %add3A_237, %mul3A_238 : i32
        %dma_start3A_240 = tpu.memref_slice %arg7[%mul3A_239] : memref<5120xi32, #tpu.memory_space<vmem>> -> memref<32xi32, #tpu.memory_space<vmem>>
        %dma_start3A_241 = arith.constant 0 : i32
        %dma_start3A_242 = arith.constant 0 : i32
        %dma_start3A_243 = tpu.memref_slice %arg2[%dma_start3A_241, %dma_start3A_242] : memref<10000x128xf32, #tpu.memory_space<hbm>> -> memref<10000x128xf32, #tpu.memory_space<hbm>>
        tpu.enqueue_indirect_dma source(%dma_start3A_243 : memref<10000x128xf32, #tpu.memory_space<hbm>>) target(%arg13 : memref<32x128xf32, #tpu.memory_space<vmem>>) offsets(%dma_start3A_240 : memref<32xi32, #tpu.memory_space<vmem>>) semaphore(%arg19 : memref<!tpu.dma_semaphore, #tpu.memory_space<semaphore_mem>>)
      } else {
      }
    }
    %scan3A_42 = arith.constant 32 : i32
    %dma_wait3A = arith.constant 155 : i32
    %dma_wait3A_43 = arith.constant 0 : i32
    %dma_wait3A_44 = tpu.memref_slice %arg8[%dma_wait3A, %dma_wait3A_43] : memref<160x32xi32, #tpu.memory_space<vmem>> -> memref<1x32xi32, #tpu.memory_space<vmem>>
    %dma_wait3A_45 = tpu.memref_squeeze %dma_wait3A_44 : memref<1x32xi32, #tpu.memory_space<vmem>> -> memref<32xi32, #tpu.memory_space<vmem>>
    %dma_wait3A_46 = arith.constant 0 : i32
    %dma_wait3A_47 = arith.constant 0 : i32
    %dma_wait3A_48 = tpu.memref_slice %arg14[%dma_wait3A_46, %dma_wait3A_47] : memref<10240x128xf32, #tpu.memory_space<vmem_shared>> -> memref<10240x128xf32, #tpu.memory_space<vmem_shared>>
    tpu.wait_indirect_dma semaphore(%arg20 : memref<!tpu.dma_semaphore, #tpu.memory_space<semaphore_mem>>) src(%arg9 : memref<32x128xf32, #tpu.memory_space<vmem>>) dst(%dma_wait3A_48 : memref<10240x128xf32, #tpu.memory_space<vmem_shared>>)
    %dma_wait3A_49 = arith.constant 156 : i32
    %dma_wait3A_50 = arith.constant 0 : i32
    %dma_wait3A_51 = tpu.memref_slice %arg8[%dma_wait3A_49, %dma_wait3A_50] : memref<160x32xi32, #tpu.memory_space<vmem>> -> memref<1x32xi32, #tpu.memory_space<vmem>>
    %dma_wait3A_52 = tpu.memref_squeeze %dma_wait3A_51 : memref<1x32xi32, #tpu.memory_space<vmem>> -> memref<32xi32, #tpu.memory_space<vmem>>
    %dma_wait3A_53 = arith.constant 0 : i32
    %dma_wait3A_54 = arith.constant 0 : i32
    %dma_wait3A_55 = tpu.memref_slice %arg14[%dma_wait3A_53, %dma_wait3A_54] : memref<10240x128xf32, #tpu.memory_space<vmem_shared>> -> memref<10240x128xf32, #tpu.memory_space<vmem_shared>>
    tpu.wait_indirect_dma semaphore(%arg21 : memref<!tpu.dma_semaphore, #tpu.memory_space<semaphore_mem>>) src(%arg10 : memref<32x128xf32, #tpu.memory_space<vmem>>) dst(%dma_wait3A_55 : memref<10240x128xf32, #tpu.memory_space<vmem_shared>>)
    %dma_wait3A_56 = arith.constant 157 : i32
    %dma_wait3A_57 = arith.constant 0 : i32
    %dma_wait3A_58 = tpu.memref_slice %arg8[%dma_wait3A_56, %dma_wait3A_57] : memref<160x32xi32, #tpu.memory_space<vmem>> -> memref<1x32xi32, #tpu.memory_space<vmem>>
    %dma_wait3A_59 = tpu.memref_squeeze %dma_wait3A_58 : memref<1x32xi32, #tpu.memory_space<vmem>> -> memref<32xi32, #tpu.memory_space<vmem>>
    %dma_wait3A_60 = arith.constant 0 : i32
    %dma_wait3A_61 = arith.constant 0 : i32
    %dma_wait3A_62 = tpu.memref_slice %arg14[%dma_wait3A_60, %dma_wait3A_61] : memref<10240x128xf32, #tpu.memory_space<vmem_shared>> -> memref<10240x128xf32, #tpu.memory_space<vmem_shared>>
    tpu.wait_indirect_dma semaphore(%arg22 : memref<!tpu.dma_semaphore, #tpu.memory_space<semaphore_mem>>) src(%arg11 : memref<32x128xf32, #tpu.memory_space<vmem>>) dst(%dma_wait3A_62 : memref<10240x128xf32, #tpu.memory_space<vmem_shared>>)
    %dma_wait3A_63 = arith.constant 158 : i32
    %dma_wait3A_64 = arith.constant 0 : i32
    %dma_wait3A_65 = tpu.memref_slice %arg8[%dma_wait3A_63, %dma_wait3A_64] : memref<160x32xi32, #tpu.memory_space<vmem>> -> memref<1x32xi32, #tpu.memory_space<vmem>>
    %dma_wait3A_66 = tpu.memref_squeeze %dma_wait3A_65 : memref<1x32xi32, #tpu.memory_space<vmem>> -> memref<32xi32, #tpu.memory_space<vmem>>
    %dma_wait3A_67 = arith.constant 0 : i32
    %dma_wait3A_68 = arith.constant 0 : i32
    %dma_wait3A_69 = tpu.memref_slice %arg14[%dma_wait3A_67, %dma_wait3A_68] : memref<10240x128xf32, #tpu.memory_space<vmem_shared>> -> memref<10240x128xf32, #tpu.memory_space<vmem_shared>>
    tpu.wait_indirect_dma semaphore(%arg23 : memref<!tpu.dma_semaphore, #tpu.memory_space<semaphore_mem>>) src(%arg12 : memref<32x128xf32, #tpu.memory_space<vmem>>) dst(%dma_wait3A_69 : memref<10240x128xf32, #tpu.memory_space<vmem_shared>>)
    %dma_wait3A_70 = arith.constant 159 : i32
    %dma_wait3A_71 = arith.constant 0 : i32
    %dma_wait3A_72 = tpu.memref_slice %arg8[%dma_wait3A_70, %dma_wait3A_71] : memref<160x32xi32, #tpu.memory_space<vmem>> -> memref<1x32xi32, #tpu.memory_space<vmem>>
    %dma_wait3A_73 = tpu.memref_squeeze %dma_wait3A_72 : memref<1x32xi32, #tpu.memory_space<vmem>> -> memref<32xi32, #tpu.memory_space<vmem>>
    %dma_wait3A_74 = arith.constant 0 : i32
    %dma_wait3A_75 = arith.constant 0 : i32
    %dma_wait3A_76 = tpu.memref_slice %arg14[%dma_wait3A_74, %dma_wait3A_75] : memref<10240x128xf32, #tpu.memory_space<vmem_shared>> -> memref<10240x128xf32, #tpu.memory_space<vmem_shared>>
    tpu.wait_indirect_dma semaphore(%arg24 : memref<!tpu.dma_semaphore, #tpu.memory_space<semaphore_mem>>) src(%arg13 : memref<32x128xf32, #tpu.memory_space<vmem>>) dst(%dma_wait3A_76 : memref<10240x128xf32, #tpu.memory_space<vmem_shared>>)
    %barrier3A_77 = arith.constant 0 : index
    tpu.barrier barrier_id(%barrier3A_77)
    %mul3A_78 = arith.constant 10240 : i32
    %mul3A_79 = arith.muli %arg0, %mul3A_78 : i32
    %add3A_80 = arith.addi %mul3A_79, %mul3A_28 : i32
    %add3A_81 = arith.constant 0 : i32
    %add3A_82 = arith.addi %add3A_80, %add3A_81 : i32
    %add3A_83 = arith.constant 0 : i32
    %add3A_84 = arith.addi %mul3A_28, %add3A_83 : i32
    "tpu.region"() ({
      %run_scoped3A = tpu.sem_alloc : memref<!tpu.dma_semaphore, #tpu.memory_space<semaphore_mem>>
      %dma_start3A_113 = arith.constant 0 : i32
      %dma_start3A_114 = tpu.memref_slice %arg6[%add3A_82, %dma_start3A_113] : memref<20480x128xf32, #tpu.memory_space<hbm>> -> memref<128x128xf32, #tpu.memory_space<hbm>>
      %dma_start3A_115 = arith.constant 0 : i32
      %dma_start3A_116 = tpu.memref_slice %arg14[%add3A_84, %dma_start3A_115] : memref<10240x128xf32, #tpu.memory_space<vmem_shared>> -> memref<128x128xf32, #tpu.memory_space<vmem_shared>>
      tpu.enqueue_dma source(%dma_start3A_116 : memref<128x128xf32, #tpu.memory_space<vmem_shared>>) target(%dma_start3A_114 : memref<128x128xf32, #tpu.memory_space<hbm>>) target_semaphore(%run_scoped3A : memref<!tpu.dma_semaphore, #tpu.memory_space<semaphore_mem>>)
      %dma_wait3A_117 = arith.constant 0 : i32
      %dma_wait3A_118 = tpu.memref_slice %arg6[%add3A_82, %dma_wait3A_117] : memref<20480x128xf32, #tpu.memory_space<hbm>> -> memref<128x128xf32, #tpu.memory_space<hbm>>
      %dma_wait3A_119 = arith.constant 0 : i32
      %dma_wait3A_120 = tpu.memref_slice %arg14[%add3A_84, %dma_wait3A_119] : memref<10240x128xf32, #tpu.memory_space<vmem_shared>> -> memref<128x128xf32, #tpu.memory_space<vmem_shared>>
      tpu.wait_dma2 semaphore(%run_scoped3A : memref<!tpu.dma_semaphore, #tpu.memory_space<semaphore_mem>>) src(%dma_wait3A_120 : memref<128x128xf32, #tpu.memory_space<vmem_shared>>) dst(%dma_wait3A_118 : memref<128x128xf32, #tpu.memory_space<hbm>>)
      tpu.yield
    }) : () -> ()
    %mul3A_85 = arith.constant 10240 : i32
    %mul3A_86 = arith.muli %arg0, %mul3A_85 : i32
    %add3A_87 = arith.addi %mul3A_86, %mul3A_28 : i32
    %add3A_88 = arith.constant 128 : i32
    %add3A_89 = arith.addi %add3A_87, %add3A_88 : i32
    %add3A_90 = arith.constant 128 : i32
    %add3A_91 = arith.addi %mul3A_28, %add3A_90 : i32
    "tpu.region"() ({
      %run_scoped3A = tpu.sem_alloc : memref<!tpu.dma_semaphore, #tpu.memory_space<semaphore_mem>>
      %dma_start3A_113 = arith.constant 0 : i32
      %dma_start3A_114 = tpu.memref_slice %arg6[%add3A_89, %dma_start3A_113] : memref<20480x128xf32, #tpu.memory_space<hbm>> -> memref<128x128xf32, #tpu.memory_space<hbm>>
      %dma_start3A_115 = arith.constant 0 : i32
      %dma_start3A_116 = tpu.memref_slice %arg14[%add3A_91, %dma_start3A_115] : memref<10240x128xf32, #tpu.memory_space<vmem_shared>> -> memref<128x128xf32, #tpu.memory_space<vmem_shared>>
      tpu.enqueue_dma source(%dma_start3A_116 : memref<128x128xf32, #tpu.memory_space<vmem_shared>>) target(%dma_start3A_114 : memref<128x128xf32, #tpu.memory_space<hbm>>) target_semaphore(%run_scoped3A : memref<!tpu.dma_semaphore, #tpu.memory_space<semaphore_mem>>)
      %dma_wait3A_117 = arith.constant 0 : i32
      %dma_wait3A_118 = tpu.memref_slice %arg6[%add3A_89, %dma_wait3A_117] : memref<20480x128xf32, #tpu.memory_space<hbm>> -> memref<128x128xf32, #tpu.memory_space<hbm>>
      %dma_wait3A_119 = arith.constant 0 : i32
      %dma_wait3A_120 = tpu.memref_slice %arg14[%add3A_91, %dma_wait3A_119] : memref<10240x128xf32, #tpu.memory_space<vmem_shared>> -> memref<128x128xf32, #tpu.memory_space<vmem_shared>>
      tpu.wait_dma2 semaphore(%run_scoped3A : memref<!tpu.dma_semaphore, #tpu.memory_space<semaphore_mem>>) src(%dma_wait3A_120 : memref<128x128xf32, #tpu.memory_space<vmem_shared>>) dst(%dma_wait3A_118 : memref<128x128xf32, #tpu.memory_space<hbm>>)
      tpu.yield
    }) : () -> ()
    %mul3A_92 = arith.constant 10240 : i32
    %mul3A_93 = arith.muli %arg0, %mul3A_92 : i32
    %add3A_94 = arith.addi %mul3A_93, %mul3A_28 : i32
    %add3A_95 = arith.constant 256 : i32
    %add3A_96 = arith.addi %add3A_94, %add3A_95 : i32
    %add3A_97 = arith.constant 256 : i32
    %add3A_98 = arith.addi %mul3A_28, %add3A_97 : i32
    "tpu.region"() ({
      %run_scoped3A = tpu.sem_alloc : memref<!tpu.dma_semaphore, #tpu.memory_space<semaphore_mem>>
      %dma_start3A_113 = arith.constant 0 : i32
      %dma_start3A_114 = tpu.memref_slice %arg6[%add3A_96, %dma_start3A_113] : memref<20480x128xf32, #tpu.memory_space<hbm>> -> memref<128x128xf32, #tpu.memory_space<hbm>>
      %dma_start3A_115 = arith.constant 0 : i32
      %dma_start3A_116 = tpu.memref_slice %arg14[%add3A_98, %dma_start3A_115] : memref<10240x128xf32, #tpu.memory_space<vmem_shared>> -> memref<128x128xf32, #tpu.memory_space<vmem_shared>>
      tpu.enqueue_dma source(%dma_start3A_116 : memref<128x128xf32, #tpu.memory_space<vmem_shared>>) target(%dma_start3A_114 : memref<128x128xf32, #tpu.memory_space<hbm>>) target_semaphore(%run_scoped3A : memref<!tpu.dma_semaphore, #tpu.memory_space<semaphore_mem>>)
      %dma_wait3A_117 = arith.constant 0 : i32
      %dma_wait3A_118 = tpu.memref_slice %arg6[%add3A_96, %dma_wait3A_117] : memref<20480x128xf32, #tpu.memory_space<hbm>> -> memref<128x128xf32, #tpu.memory_space<hbm>>
      %dma_wait3A_119 = arith.constant 0 : i32
      %dma_wait3A_120 = tpu.memref_slice %arg14[%add3A_98, %dma_wait3A_119] : memref<10240x128xf32, #tpu.memory_space<vmem_shared>> -> memref<128x128xf32, #tpu.memory_space<vmem_shared>>
      tpu.wait_dma2 semaphore(%run_scoped3A : memref<!tpu.dma_semaphore, #tpu.memory_space<semaphore_mem>>) src(%dma_wait3A_120 : memref<128x128xf32, #tpu.memory_space<vmem_shared>>) dst(%dma_wait3A_118 : memref<128x128xf32, #tpu.memory_space<hbm>>)
      tpu.yield
    }) : () -> ()
    %mul3A_99 = arith.constant 10240 : i32
    %mul3A_100 = arith.muli %arg0, %mul3A_99 : i32
    %add3A_101 = arith.addi %mul3A_100, %mul3A_28 : i32
    %add3A_102 = arith.constant 384 : i32
    %add3A_103 = arith.addi %add3A_101, %add3A_102 : i32
    %add3A_104 = arith.constant 384 : i32
    %add3A_105 = arith.addi %mul3A_28, %add3A_104 : i32
    "tpu.region"() ({
      %run_scoped3A = tpu.sem_alloc : memref<!tpu.dma_semaphore, #tpu.memory_space<semaphore_mem>>
      %dma_start3A_113 = arith.constant 0 : i32
      %dma_start3A_114 = tpu.memref_slice %arg6[%add3A_103, %dma_start3A_113] : memref<20480x128xf32, #tpu.memory_space<hbm>> -> memref<128x128xf32, #tpu.memory_space<hbm>>
      %dma_start3A_115 = arith.constant 0 : i32
      %dma_start3A_116 = tpu.memref_slice %arg14[%add3A_105, %dma_start3A_115] : memref<10240x128xf32, #tpu.memory_space<vmem_shared>> -> memref<128x128xf32, #tpu.memory_space<vmem_shared>>
      tpu.enqueue_dma source(%dma_start3A_116 : memref<128x128xf32, #tpu.memory_space<vmem_shared>>) target(%dma_start3A_114 : memref<128x128xf32, #tpu.memory_space<hbm>>) target_semaphore(%run_scoped3A : memref<!tpu.dma_semaphore, #tpu.memory_space<semaphore_mem>>)
      %dma_wait3A_117 = arith.constant 0 : i32
      %dma_wait3A_118 = tpu.memref_slice %arg6[%add3A_103, %dma_wait3A_117] : memref<20480x128xf32, #tpu.memory_space<hbm>> -> memref<128x128xf32, #tpu.memory_space<hbm>>
      %dma_wait3A_119 = arith.constant 0 : i32
      %dma_wait3A_120 = tpu.memref_slice %arg14[%add3A_105, %dma_wait3A_119] : memref<10240x128xf32, #tpu.memory_space<vmem_shared>> -> memref<128x128xf32, #tpu.memory_space<vmem_shared>>
      tpu.wait_dma2 semaphore(%run_scoped3A : memref<!tpu.dma_semaphore, #tpu.memory_space<semaphore_mem>>) src(%dma_wait3A_120 : memref<128x128xf32, #tpu.memory_space<vmem_shared>>) dst(%dma_wait3A_118 : memref<128x128xf32, #tpu.memory_space<hbm>>)
      tpu.yield
    }) : () -> ()
    %mul3A_106 = arith.constant 10240 : i32
    %mul3A_107 = arith.muli %arg0, %mul3A_106 : i32
    %add3A_108 = arith.addi %mul3A_107, %mul3A_28 : i32
    %add3A_109 = arith.constant 512 : i32
    %add3A_110 = arith.addi %add3A_108, %add3A_109 : i32
    %add3A_111 = arith.constant 512 : i32
    %add3A_112 = arith.addi %mul3A_28, %add3A_111 : i32
    "tpu.region"() ({
      %run_scoped3A = tpu.sem_alloc : memref<!tpu.dma_semaphore, #tpu.memory_space<semaphore_mem>>
      %dma_start3A_113 = arith.constant 0 : i32
      %dma_start3A_114 = tpu.memref_slice %arg6[%add3A_110, %dma_start3A_113] : memref<20480x128xf32, #tpu.memory_space<hbm>> -> memref<128x128xf32, #tpu.memory_space<hbm>>
      %dma_start3A_115 = arith.constant 0 : i32
      %dma_start3A_116 = tpu.memref_slice %arg14[%add3A_112, %dma_start3A_115] : memref<10240x128xf32, #tpu.memory_space<vmem_shared>> -> memref<128x128xf32, #tpu.memory_space<vmem_shared>>
      tpu.enqueue_dma source(%dma_start3A_116 : memref<128x128xf32, #tpu.memory_space<vmem_shared>>) target(%dma_start3A_114 : memref<128x128xf32, #tpu.memory_space<hbm>>) target_semaphore(%run_scoped3A : memref<!tpu.dma_semaphore, #tpu.memory_space<semaphore_mem>>)
      %dma_wait3A_117 = arith.constant 0 : i32
      %dma_wait3A_118 = tpu.memref_slice %arg6[%add3A_110, %dma_wait3A_117] : memref<20480x128xf32, #tpu.memory_space<hbm>> -> memref<128x128xf32, #tpu.memory_space<hbm>>
      %dma_wait3A_119 = arith.constant 0 : i32
      %dma_wait3A_120 = tpu.memref_slice %arg14[%add3A_112, %dma_wait3A_119] : memref<10240x128xf32, #tpu.memory_space<vmem_shared>> -> memref<128x128xf32, #tpu.memory_space<vmem_shared>>
      tpu.wait_dma2 semaphore(%run_scoped3A : memref<!tpu.dma_semaphore, #tpu.memory_space<semaphore_mem>>) src(%dma_wait3A_120 : memref<128x128xf32, #tpu.memory_space<vmem_shared>>) dst(%dma_wait3A_118 : memref<128x128xf32, #tpu.memory_space<hbm>>)
      tpu.yield
    }) : () -> ()
    return
  }
}

#map = affine_map<(d0, d1) -> (0, 0)>
#map1 = affine_map<(d0, d1) -> (0)>
#map2 = affine_map<(d0, d1) -> (0, 0, 0)>
module attributes {stable_mosaic.version = 14 : i64} {
  func.func @_sc_body(%arg0: i32, %arg1: i32, %arg2: memref<10000x128xf32, #tpu.memory_space<hbm>>, %arg3: memref<163840xi32, #tpu.memory_space<hbm>>, %arg4: memref<32x160x32xi32, #tpu.memory_space<hbm>>, %arg5: memref<128x128xf32, #tpu.memory_space<hbm>>, %arg6: memref<20480x128xf32, #tpu.memory_space<hbm>>, %arg7: memref<5120xi32, #tpu.memory_space<vmem>>, %arg8: memref<160x32xi32, #tpu.memory_space<vmem>>, %arg9: memref<32x128xf32, #tpu.memory_space<vmem>>, %arg10: memref<32x128xf32, #tpu.memory_space<vmem>>, %arg11: memref<32x128xf32, #tpu.memory_space<vmem>>, %arg12: memref<32x128xf32, #tpu.memory_space<vmem>>, %arg13: memref<32x128xf32, #tpu.memory_space<vmem>>, %arg14: memref<10240x128xf32, #tpu.memory_space<vmem_shared>>, %arg15: memref<!tpu.dma_semaphore, #tpu.memory_space<semaphore_mem>>, %arg16: memref<!tpu.dma_semaphore, #tpu.memory_space<semaphore_mem>>, %arg17: memref<!tpu.dma_semaphore, #tpu.memory_space<semaphore_mem>>, %arg18: memref<!tpu.dma_semaphore, #tpu.memory_space<semaphore_mem>>, %arg19: memref<!tpu.dma_semaphore, #tpu.memory_space<semaphore_mem>>, %arg20: memref<!tpu.dma_semaphore, #tpu.memory_space<semaphore_mem>>, %arg21: memref<!tpu.dma_semaphore, #tpu.memory_space<semaphore_mem>>, %arg22: memref<!tpu.dma_semaphore, #tpu.memory_space<semaphore_mem>>, %arg23: memref<!tpu.dma_semaphore, #tpu.memory_space<semaphore_mem>>, %arg24: memref<!tpu.dma_semaphore, #tpu.memory_space<semaphore_mem>>) attributes {dimension_semantics = [#tpu.dimension_semantics<core_parallel>, #tpu.dimension_semantics<subcore_parallel>], iteration_bounds = array<i64: 2, 16>, scalar_prefetch = 0 : i64, scratch_operands = 18 : i64, tpu.core_type = #tpu.core_type<sc_vector_subcore>, window_params = [{transform_indices = #map}, {transform_indices = #map1}, {transform_indices = #map2}, {transform_indices = #map}, {transform_indices = #map}]} {
    %mul3A = arith.constant 16 : i32
    %mul3A_0 = arith.muli %arg0, %mul3A : i32
    %add3A = arith.addi %mul3A_0, %arg1 : i32
    %mul3A_1 = arith.constant 5120 : i32
    %mul3A_2 = arith.muli %add3A, %mul3A_1 : i32
    "tpu.region"() ({
      %run_scoped3A = tpu.sem_alloc : memref<!tpu.dma_semaphore, #tpu.memory_space<semaphore_mem>>
      %dma_start3A_113 = tpu.memref_slice %arg3[%mul3A_2] : memref<163840xi32, #tpu.memory_space<hbm>> -> memref<5120xi32, #tpu.memory_space<hbm>>
      %dma_start3A_114 = tpu.memref_slice %arg3[%mul3A_2] : memref<163840xi32, #tpu.memory_space<hbm>> -> memref<5120xi32, #tpu.memory_space<hbm>>
      tpu.enqueue_dma source(%dma_start3A_114 : memref<5120xi32, #tpu.memory_space<hbm>>) target(%arg7 : memref<5120xi32, #tpu.memory_space<vmem>>) target_semaphore(%run_scoped3A : memref<!tpu.dma_semaphore, #tpu.memory_space<semaphore_mem>>)
      %dma_wait3A_115 = tpu.memref_slice %arg3[%mul3A_2] : memref<163840xi32, #tpu.memory_space<hbm>> -> memref<5120xi32, #tpu.memory_space<hbm>>
      %dma_wait3A_116 = tpu.memref_slice %arg3[%mul3A_2] : memref<163840xi32, #tpu.memory_space<hbm>> -> memref<5120xi32, #tpu.memory_space<hbm>>
      tpu.wait_dma2 semaphore(%run_scoped3A : memref<!tpu.dma_semaphore, #tpu.memory_space<semaphore_mem>>) src(%dma_wait3A_116 : memref<5120xi32, #tpu.memory_space<hbm>>) dst(%arg7 : memref<5120xi32, #tpu.memory_space<vmem>>)
      tpu.yield
    }) : () -> ()
    "tpu.region"() ({
      %run_scoped3A = tpu.sem_alloc : memref<!tpu.dma_semaphore, #tpu.memory_space<semaphore_mem>>
      %dma_start3A_113 = arith.constant 0 : i32
      %dma_start3A_114 = arith.constant 0 : i32
      %dma_start3A_115 = tpu.memref_slice %arg4[%add3A, %dma_start3A_113, %dma_start3A_114] : memref<32x160x32xi32, #tpu.memory_space<hbm>> -> memref<1x160x32xi32, #tpu.memory_space<hbm>>
      %dma_start3A_116 = tpu.memref_squeeze %dma_start3A_115 : memref<1x160x32xi32, #tpu.memory_space<hbm>> -> memref<160x32xi32, #tpu.memory_space<hbm>>
      %dma_start3A_117 = arith.constant 0 : i32
      %dma_start3A_118 = arith.constant 0 : i32
      %dma_start3A_119 = tpu.memref_slice %arg4[%add3A, %dma_start3A_117, %dma_start3A_118] : memref<32x160x32xi32, #tpu.memory_space<hbm>> -> memref<1x160x32xi32, #tpu.memory_space<hbm>>
      %dma_start3A_120 = tpu.memref_squeeze %dma_start3A_119 : memref<1x160x32xi32, #tpu.memory_space<hbm>> -> memref<160x32xi32, #tpu.memory_space<hbm>>
      tpu.enqueue_dma source(%dma_start3A_120 : memref<160x32xi32, #tpu.memory_space<hbm>>) target(%arg8 : memref<160x32xi32, #tpu.memory_space<vmem>>) target_semaphore(%run_scoped3A : memref<!tpu.dma_semaphore, #tpu.memory_space<semaphore_mem>>)
      %dma_wait3A_121 = arith.constant 0 : i32
      %dma_wait3A_122 = arith.constant 0 : i32
      %dma_wait3A_123 = tpu.memref_slice %arg4[%add3A, %dma_wait3A_121, %dma_wait3A_122] : memref<32x160x32xi32, #tpu.memory_space<hbm>> -> memref<1x160x32xi32, #tpu.memory_space<hbm>>
      %dma_wait3A_124 = tpu.memref_squeeze %dma_wait3A_123 : memref<1x160x32xi32, #tpu.memory_space<hbm>> -> memref<160x32xi32, #tpu.memory_space<hbm>>
      %dma_wait3A_125 = arith.constant 0 : i32
      %dma_wait3A_126 = arith.constant 0 : i32
      %dma_wait3A_127 = tpu.memref_slice %arg4[%add3A, %dma_wait3A_125, %dma_wait3A_126] : memref<32x160x32xi32, #tpu.memory_space<hbm>> -> memref<1x160x32xi32, #tpu.memory_space<hbm>>
      %dma_wait3A_128 = tpu.memref_squeeze %dma_wait3A_127 : memref<1x160x32xi32, #tpu.memory_space<hbm>> -> memref<160x32xi32, #tpu.memory_space<hbm>>
      tpu.wait_dma2 semaphore(%run_scoped3A : memref<!tpu.dma_semaphore, #tpu.memory_space<semaphore_mem>>) src(%dma_wait3A_128 : memref<160x32xi32, #tpu.memory_space<hbm>>) dst(%arg8 : memref<160x32xi32, #tpu.memory_space<vmem>>)
      tpu.yield
    }) : () -> ()
    %dma_start3A = arith.constant 0 : i32
    %dma_start3A_3 = tpu.memref_slice %arg7[%dma_start3A] : memref<5120xi32, #tpu.memory_space<vmem>> -> memref<32xi32, #tpu.memory_space<vmem>>
    %dma_start3A_4 = arith.constant 0 : i32
    %dma_start3A_5 = arith.constant 0 : i32
    %dma_start3A_6 = tpu.memref_slice %arg2[%dma_start3A_4, %dma_start3A_5] : memref<10000x128xf32, #tpu.memory_space<hbm>> -> memref<10000x128xf32, #tpu.memory_space<hbm>>
    tpu.enqueue_indirect_dma source(%dma_start3A_6 : memref<10000x128xf32, #tpu.memory_space<hbm>>) target(%arg9 : memref<32x128xf32, #tpu.memory_space<vmem>>) offsets(%dma_start3A_3 : memref<32xi32, #tpu.memory_space<vmem>>) semaphore(%arg15 : memref<!tpu.dma_semaphore, #tpu.memory_space<semaphore_mem>>)
    %dma_start3A_7 = arith.constant 32 : i32
    %dma_start3A_8 = tpu.memref_slice %arg7[%dma_start3A_7] : memref<5120xi32, #tpu.memory_space<vmem>> -> memref<32xi32, #tpu.memory_space<vmem>>
    %dma_start3A_9 = arith.constant 0 : i32
    %dma_start3A_10 = arith.constant 0 : i32
    %dma_start3A_11 = tpu.memref_slice %arg2[%dma_start3A_9, %dma_start3A_10] : memref<10000x128xf32, #tpu.memory_space<hbm>> -> memref<10000x128xf32, #tpu.memory_space<hbm>>
    tpu.enqueue_indirect_dma source(%dma_start3A_11 : memref<10000x128xf32, #tpu.memory_space<hbm>>) target(%arg10 : memref<32x128xf32, #tpu.memory_space<vmem>>) offsets(%dma_start3A_8 : memref<32xi32, #tpu.memory_space<vmem>>) semaphore(%arg16 : memref<!tpu.dma_semaphore, #tpu.memory_space<semaphore_mem>>)
    %dma_start3A_12 = arith.constant 64 : i32
    %dma_start3A_13 = tpu.memref_slice %arg7[%dma_start3A_12] : memref<5120xi32, #tpu.memory_space<vmem>> -> memref<32xi32, #tpu.memory_space<vmem>>
    %dma_start3A_14 = arith.constant 0 : i32
    %dma_start3A_15 = arith.constant 0 : i32
    %dma_start3A_16 = tpu.memref_slice %arg2[%dma_start3A_14, %dma_start3A_15] : memref<10000x128xf32, #tpu.memory_space<hbm>> -> memref<10000x128xf32, #tpu.memory_space<hbm>>
    tpu.enqueue_indirect_dma source(%dma_start3A_16 : memref<10000x128xf32, #tpu.memory_space<hbm>>) target(%arg11 : memref<32x128xf32, #tpu.memory_space<vmem>>) offsets(%dma_start3A_13 : memref<32xi32, #tpu.memory_space<vmem>>) semaphore(%arg17 : memref<!tpu.dma_semaphore, #tpu.memory_space<semaphore_mem>>)
    %dma_start3A_17 = arith.constant 96 : i32
    %dma_start3A_18 = tpu.memref_slice %arg7[%dma_start3A_17] : memref<5120xi32, #tpu.memory_space<vmem>> -> memref<32xi32, #tpu.memory_space<vmem>>
    %dma_start3A_19 = arith.constant 0 : i32
    %dma_start3A_20 = arith.constant 0 : i32
    %dma_start3A_21 = tpu.memref_slice %arg2[%dma_start3A_19, %dma_start3A_20] : memref<10000x128xf32, #tpu.memory_space<hbm>> -> memref<10000x128xf32, #tpu.memory_space<hbm>>
    tpu.enqueue_indirect_dma source(%dma_start3A_21 : memref<10000x128xf32, #tpu.memory_space<hbm>>) target(%arg12 : memref<32x128xf32, #tpu.memory_space<vmem>>) offsets(%dma_start3A_18 : memref<32xi32, #tpu.memory_space<vmem>>) semaphore(%arg18 : memref<!tpu.dma_semaphore, #tpu.memory_space<semaphore_mem>>)
    %dma_start3A_22 = arith.constant 128 : i32
    %dma_start3A_23 = tpu.memref_slice %arg7[%dma_start3A_22] : memref<5120xi32, #tpu.memory_space<vmem>> -> memref<32xi32, #tpu.memory_space<vmem>>
    %dma_start3A_24 = arith.constant 0 : i32
    %dma_start3A_25 = arith.constant 0 : i32
    %dma_start3A_26 = tpu.memref_slice %arg2[%dma_start3A_24, %dma_start3A_25] : memref<10000x128xf32, #tpu.memory_space<hbm>> -> memref<10000x128xf32, #tpu.memory_space<hbm>>
    tpu.enqueue_indirect_dma source(%dma_start3A_26 : memref<10000x128xf32, #tpu.memory_space<hbm>>) target(%arg13 : memref<32x128xf32, #tpu.memory_space<vmem>>) offsets(%dma_start3A_23 : memref<32xi32, #tpu.memory_space<vmem>>) semaphore(%arg19 : memref<!tpu.dma_semaphore, #tpu.memory_space<semaphore_mem>>)
    %mul3A_27 = arith.constant 640 : i32
    %mul3A_28 = arith.muli %arg1, %mul3A_27 : i32
    %add3A_29 = arith.constant 0 : i32
    %add3A_30 = arith.addi %mul3A_28, %add3A_29 : i32
    "tpu.region"() ({
      %run_scoped3A = tpu.sem_alloc : memref<!tpu.dma_semaphore, #tpu.memory_space<semaphore_mem>>
      %dma_start3A_113 = arith.constant 0 : i32
      %dma_start3A_114 = tpu.memref_slice %arg14[%add3A_30, %dma_start3A_113] : memref<10240x128xf32, #tpu.memory_space<vmem_shared>> -> memref<128x128xf32, #tpu.memory_space<vmem_shared>>
      tpu.enqueue_dma source(%arg5 : memref<128x128xf32, #tpu.memory_space<hbm>>) target(%dma_start3A_114 : memref<128x128xf32, #tpu.memory_space<vmem_shared>>) target_semaphore(%run_scoped3A : memref<!tpu.dma_semaphore, #tpu.memory_space<semaphore_mem>>)
      %dma_wait3A_115 = arith.constant 0 : i32
      %dma_wait3A_116 = tpu.memref_slice %arg14[%add3A_30, %dma_wait3A_115] : memref<10240x128xf32, #tpu.memory_space<vmem_shared>> -> memref<128x128xf32, #tpu.memory_space<vmem_shared>>
      tpu.wait_dma2 semaphore(%run_scoped3A : memref<!tpu.dma_semaphore, #tpu.memory_space<semaphore_mem>>) src(%arg5 : memref<128x128xf32, #tpu.memory_space<hbm>>) dst(%dma_wait3A_116 : memref<128x128xf32, #tpu.memory_space<vmem_shared>>)
      tpu.yield
    }) : () -> ()
    %add3A_31 = arith.constant 128 : i32
    %add3A_32 = arith.addi %mul3A_28, %add3A_31 : i32
    "tpu.region"() ({
      %run_scoped3A = tpu.sem_alloc : memref<!tpu.dma_semaphore, #tpu.memory_space<semaphore_mem>>
      %dma_start3A_113 = arith.constant 0 : i32
      %dma_start3A_114 = tpu.memref_slice %arg14[%add3A_32, %dma_start3A_113] : memref<10240x128xf32, #tpu.memory_space<vmem_shared>> -> memref<128x128xf32, #tpu.memory_space<vmem_shared>>
      tpu.enqueue_dma source(%arg5 : memref<128x128xf32, #tpu.memory_space<hbm>>) target(%dma_start3A_114 : memref<128x128xf32, #tpu.memory_space<vmem_shared>>) target_semaphore(%run_scoped3A : memref<!tpu.dma_semaphore, #tpu.memory_space<semaphore_mem>>)
      %dma_wait3A_115 = arith.constant 0 : i32
      %dma_wait3A_116 = tpu.memref_slice %arg14[%add3A_32, %dma_wait3A_115] : memref<10240x128xf32, #tpu.memory_space<vmem_shared>> -> memref<128x128xf32, #tpu.memory_space<vmem_shared>>
      tpu.wait_dma2 semaphore(%run_scoped3A : memref<!tpu.dma_semaphore, #tpu.memory_space<semaphore_mem>>) src(%arg5 : memref<128x128xf32, #tpu.memory_space<hbm>>) dst(%dma_wait3A_116 : memref<128x128xf32, #tpu.memory_space<vmem_shared>>)
      tpu.yield
    }) : () -> ()
    %add3A_33 = arith.constant 256 : i32
    %add3A_34 = arith.addi %mul3A_28, %add3A_33 : i32
    "tpu.region"() ({
      %run_scoped3A = tpu.sem_alloc : memref<!tpu.dma_semaphore, #tpu.memory_space<semaphore_mem>>
      %dma_start3A_113 = arith.constant 0 : i32
      %dma_start3A_114 = tpu.memref_slice %arg14[%add3A_34, %dma_start3A_113] : memref<10240x128xf32, #tpu.memory_space<vmem_shared>> -> memref<128x128xf32, #tpu.memory_space<vmem_shared>>
      tpu.enqueue_dma source(%arg5 : memref<128x128xf32, #tpu.memory_space<hbm>>) target(%dma_start3A_114 : memref<128x128xf32, #tpu.memory_space<vmem_shared>>) target_semaphore(%run_scoped3A : memref<!tpu.dma_semaphore, #tpu.memory_space<semaphore_mem>>)
      %dma_wait3A_115 = arith.constant 0 : i32
      %dma_wait3A_116 = tpu.memref_slice %arg14[%add3A_34, %dma_wait3A_115] : memref<10240x128xf32, #tpu.memory_space<vmem_shared>> -> memref<128x128xf32, #tpu.memory_space<vmem_shared>>
      tpu.wait_dma2 semaphore(%run_scoped3A : memref<!tpu.dma_semaphore, #tpu.memory_space<semaphore_mem>>) src(%arg5 : memref<128x128xf32, #tpu.memory_space<hbm>>) dst(%dma_wait3A_116 : memref<128x128xf32, #tpu.memory_space<vmem_shared>>)
      tpu.yield
    }) : () -> ()
    %add3A_35 = arith.constant 384 : i32
    %add3A_36 = arith.addi %mul3A_28, %add3A_35 : i32
    "tpu.region"() ({
      %run_scoped3A = tpu.sem_alloc : memref<!tpu.dma_semaphore, #tpu.memory_space<semaphore_mem>>
      %dma_start3A_113 = arith.constant 0 : i32
      %dma_start3A_114 = tpu.memref_slice %arg14[%add3A_36, %dma_start3A_113] : memref<10240x128xf32, #tpu.memory_space<vmem_shared>> -> memref<128x128xf32, #tpu.memory_space<vmem_shared>>
      tpu.enqueue_dma source(%arg5 : memref<128x128xf32, #tpu.memory_space<hbm>>) target(%dma_start3A_114 : memref<128x128xf32, #tpu.memory_space<vmem_shared>>) target_semaphore(%run_scoped3A : memref<!tpu.dma_semaphore, #tpu.memory_space<semaphore_mem>>)
      %dma_wait3A_115 = arith.constant 0 : i32
      %dma_wait3A_116 = tpu.memref_slice %arg14[%add3A_36, %dma_wait3A_115] : memref<10240x128xf32, #tpu.memory_space<vmem_shared>> -> memref<128x128xf32, #tpu.memory_space<vmem_shared>>
      tpu.wait_dma2 semaphore(%run_scoped3A : memref<!tpu.dma_semaphore, #tpu.memory_space<semaphore_mem>>) src(%arg5 : memref<128x128xf32, #tpu.memory_space<hbm>>) dst(%dma_wait3A_116 : memref<128x128xf32, #tpu.memory_space<vmem_shared>>)
      tpu.yield
    }) : () -> ()
    %add3A_37 = arith.constant 512 : i32
    %add3A_38 = arith.addi %mul3A_28, %add3A_37 : i32
    "tpu.region"() ({
      %run_scoped3A = tpu.sem_alloc : memref<!tpu.dma_semaphore, #tpu.memory_space<semaphore_mem>>
      %dma_start3A_113 = arith.constant 0 : i32
      %dma_start3A_114 = tpu.memref_slice %arg14[%add3A_38, %dma_start3A_113] : memref<10240x128xf32, #tpu.memory_space<vmem_shared>> -> memref<128x128xf32, #tpu.memory_space<vmem_shared>>
      tpu.enqueue_dma source(%arg5 : memref<128x128xf32, #tpu.memory_space<hbm>>) target(%dma_start3A_114 : memref<128x128xf32, #tpu.memory_space<vmem_shared>>) target_semaphore(%run_scoped3A : memref<!tpu.dma_semaphore, #tpu.memory_space<semaphore_mem>>)
      %dma_wait3A_115 = arith.constant 0 : i32
      %dma_wait3A_116 = tpu.memref_slice %arg14[%add3A_38, %dma_wait3A_115] : memref<10240x128xf32, #tpu.memory_space<vmem_shared>> -> memref<128x128xf32, #tpu.memory_space<vmem_shared>>
      tpu.wait_dma2 semaphore(%run_scoped3A : memref<!tpu.dma_semaphore, #tpu.memory_space<semaphore_mem>>) src(%arg5 : memref<128x128xf32, #tpu.memory_space<hbm>>) dst(%dma_wait3A_116 : memref<128x128xf32, #tpu.memory_space<vmem_shared>>)
      tpu.yield
    }) : () -> ()
    %barrier3A = arith.constant 0 : index
    tpu.barrier barrier_id(%barrier3A)
    %scan3A = arith.constant 0 : i32
    %scan3A_39 = arith.constant 32 : i32
    %scan3A_40 = arith.addi %scan3A, %scan3A_39 : i32
    %scan3A_41 = arith.constant 1 : i32
    scf.for %scan3A_113 = %scan3A to %scan3A_40 step %scan3A_41  : i32 {
      %mul3A_114 = arith.constant 1 : i32
      %mul3A_115 = arith.muli %scan3A_113, %mul3A_114 : i32
      %add3A_116 = arith.constant 0 : i32
      %add3A_117 = arith.addi %add3A_116, %mul3A_115 : i32
      %mul3A_118 = arith.constant 5 : i32
      %mul3A_119 = arith.muli %mul3A_118, %add3A_117 : i32
      %add3A_120 = arith.constant 0 : i32
      %add3A_121 = arith.addi %mul3A_119, %add3A_120 : i32
      %mul3A_122 = arith.constant 32 : i32
      %mul3A_123 = arith.muli %add3A_121, %mul3A_122 : i32
      %dma_wait3A_124 = tpu.memref_slice %arg7[%mul3A_123] : memref<5120xi32, #tpu.memory_space<vmem>> -> memref<32xi32, #tpu.memory_space<vmem>>
      %dma_wait3A_125 = arith.constant 0 : i32
      %dma_wait3A_126 = arith.constant 0 : i32
      %dma_wait3A_127 = tpu.memref_slice %arg2[%dma_wait3A_125, %dma_wait3A_126] : memref<10000x128xf32, #tpu.memory_space<hbm>> -> memref<10000x128xf32, #tpu.memory_space<hbm>>
      tpu.wait_indirect_dma semaphore(%arg15 : memref<!tpu.dma_semaphore, #tpu.memory_space<semaphore_mem>>) src(%dma_wait3A_127 : memref<10000x128xf32, #tpu.memory_space<hbm>>) dst(%arg9 : memref<32x128xf32, #tpu.memory_space<vmem>>)
      %dma_start3A_128 = arith.constant 0 : i32
      %dma_start3A_129 = tpu.memref_slice %arg8[%add3A_121, %dma_start3A_128] : memref<160x32xi32, #tpu.memory_space<vmem>> -> memref<1x32xi32, #tpu.memory_space<vmem>>
      %dma_start3A_130 = tpu.memref_squeeze %dma_start3A_129 : memref<1x32xi32, #tpu.memory_space<vmem>> -> memref<32xi32, #tpu.memory_space<vmem>>
      %dma_start3A_131 = arith.constant 0 : i32
      %dma_start3A_132 = arith.constant 0 : i32
      %dma_start3A_133 = tpu.memref_slice %arg14[%dma_start3A_131, %dma_start3A_132] : memref<10240x128xf32, #tpu.memory_space<vmem_shared>> -> memref<10240x128xf32, #tpu.memory_space<vmem_shared>>
      tpu.enqueue_indirect_dma source(%arg9 : memref<32x128xf32, #tpu.memory_space<vmem>>) target(%dma_start3A_133 : memref<10240x128xf32, #tpu.memory_space<vmem_shared>>) offsets(%dma_start3A_130 : memref<32xi32, #tpu.memory_space<vmem>>) semaphore(%arg20 : memref<!tpu.dma_semaphore, #tpu.memory_space<semaphore_mem>>) {add = true}
      %add3A_134 = arith.constant 1 : i32
      %add3A_135 = arith.addi %add3A_117, %add3A_134 : i32
      %lt3A = arith.constant 32 : i32
      %lt3A_136 = arith.cmpi slt, %add3A_135, %lt3A : i32
      %convert_element_type3A = arith.extui %lt3A_136 : i1 to i32
      %cond3A = arith.constant 0 : i32
      %cond3A_137 = arith.cmpi ne, %convert_element_type3A, %cond3A : i32
      scf.if %cond3A_137 {
        %dma_wait3A_230 = arith.constant 0 : i32
        %dma_wait3A_231 = tpu.memref_slice %arg8[%add3A_121, %dma_wait3A_230] : memref<160x32xi32, #tpu.memory_space<vmem>> -> memref<1x32xi32, #tpu.memory_space<vmem>>
        %dma_wait3A_232 = tpu.memref_squeeze %dma_wait3A_231 : memref<1x32xi32, #tpu.memory_space<vmem>> -> memref<32xi32, #tpu.memory_space<vmem>>
        %dma_wait3A_233 = arith.constant 0 : i32
        %dma_wait3A_234 = arith.constant 0 : i32
        %dma_wait3A_235 = tpu.memref_slice %arg14[%dma_wait3A_233, %dma_wait3A_234] : memref<10240x128xf32, #tpu.memory_space<vmem_shared>> -> memref<10240x128xf32, #tpu.memory_space<vmem_shared>>
        tpu.wait_indirect_dma semaphore(%arg20 : memref<!tpu.dma_semaphore, #tpu.memory_space<semaphore_mem>>) src(%arg9 : memref<32x128xf32, #tpu.memory_space<vmem>>) dst(%dma_wait3A_235 : memref<10240x128xf32, #tpu.memory_space<vmem_shared>>)
        %add3A_236 = arith.constant 5 : i32
        %add3A_237 = arith.addi %add3A_121, %add3A_236 : i32
        %mul3A_238 = arith.constant 32 : i32
        %mul3A_239 = arith.muli %add3A_237, %mul3A_238 : i32
        %dma_start3A_240 = tpu.memref_slice %arg7[%mul3A_239] : memref<5120xi32, #tpu.memory_space<vmem>> -> memref<32xi32, #tpu.memory_space<vmem>>
        %dma_start3A_241 = arith.constant 0 : i32
        %dma_start3A_242 = arith.constant 0 : i32
        %dma_start3A_243 = tpu.memref_slice %arg2[%dma_start3A_241, %dma_start3A_242] : memref<10000x128xf32, #tpu.memory_space<hbm>> -> memref<10000x128xf32, #tpu.memory_space<hbm>>
        tpu.enqueue_indirect_dma source(%dma_start3A_243 : memref<10000x128xf32, #tpu.memory_space<hbm>>) target(%arg9 : memref<32x128xf32, #tpu.memory_space<vmem>>) offsets(%dma_start3A_240 : memref<32xi32, #tpu.memory_space<vmem>>) semaphore(%arg15 : memref<!tpu.dma_semaphore, #tpu.memory_space<semaphore_mem>>)
      } else {
      }
      %mul3A_138 = arith.constant 5 : i32
      %mul3A_139 = arith.muli %mul3A_138, %add3A_117 : i32
      %add3A_140 = arith.constant 1 : i32
      %add3A_141 = arith.addi %mul3A_139, %add3A_140 : i32
      %mul3A_142 = arith.constant 32 : i32
      %mul3A_143 = arith.muli %add3A_141, %mul3A_142 : i32
      %dma_wait3A_144 = tpu.memref_slice %arg7[%mul3A_143] : memref<5120xi32, #tpu.memory_space<vmem>> -> memref<32xi32, #tpu.memory_space<vmem>>
      %dma_wait3A_145 = arith.constant 0 : i32
      %dma_wait3A_146 = arith.constant 0 : i32
      %dma_wait3A_147 = tpu.memref_slice %arg2[%dma_wait3A_145, %dma_wait3A_146] : memref<10000x128xf32, #tpu.memory_space<hbm>> -> memref<10000x128xf32, #tpu.memory_space<hbm>>
      tpu.wait_indirect_dma semaphore(%arg16 : memref<!tpu.dma_semaphore, #tpu.memory_space<semaphore_mem>>) src(%dma_wait3A_147 : memref<10000x128xf32, #tpu.memory_space<hbm>>) dst(%arg10 : memref<32x128xf32, #tpu.memory_space<vmem>>)
      %dma_start3A_148 = arith.constant 0 : i32
      %dma_start3A_149 = tpu.memref_slice %arg8[%add3A_141, %dma_start3A_148] : memref<160x32xi32, #tpu.memory_space<vmem>> -> memref<1x32xi32, #tpu.memory_space<vmem>>
      %dma_start3A_150 = tpu.memref_squeeze %dma_start3A_149 : memref<1x32xi32, #tpu.memory_space<vmem>> -> memref<32xi32, #tpu.memory_space<vmem>>
      %dma_start3A_151 = arith.constant 0 : i32
      %dma_start3A_152 = arith.constant 0 : i32
      %dma_start3A_153 = tpu.memref_slice %arg14[%dma_start3A_151, %dma_start3A_152] : memref<10240x128xf32, #tpu.memory_space<vmem_shared>> -> memref<10240x128xf32, #tpu.memory_space<vmem_shared>>
      tpu.enqueue_indirect_dma source(%arg10 : memref<32x128xf32, #tpu.memory_space<vmem>>) target(%dma_start3A_153 : memref<10240x128xf32, #tpu.memory_space<vmem_shared>>) offsets(%dma_start3A_150 : memref<32xi32, #tpu.memory_space<vmem>>) semaphore(%arg21 : memref<!tpu.dma_semaphore, #tpu.memory_space<semaphore_mem>>) {add = true}
      %add3A_154 = arith.constant 1 : i32
      %add3A_155 = arith.addi %add3A_117, %add3A_154 : i32
      %lt3A_156 = arith.constant 32 : i32
      %lt3A_157 = arith.cmpi slt, %add3A_155, %lt3A_156 : i32
      %convert_element_type3A_158 = arith.extui %lt3A_157 : i1 to i32
      %cond3A_159 = arith.constant 0 : i32
      %cond3A_160 = arith.cmpi ne, %convert_element_type3A_158, %cond3A_159 : i32
      scf.if %cond3A_160 {
        %dma_wait3A_230 = arith.constant 0 : i32
        %dma_wait3A_231 = tpu.memref_slice %arg8[%add3A_141, %dma_wait3A_230] : memref<160x32xi32, #tpu.memory_space<vmem>> -> memref<1x32xi32, #tpu.memory_space<vmem>>
        %dma_wait3A_232 = tpu.memref_squeeze %dma_wait3A_231 : memref<1x32xi32, #tpu.memory_space<vmem>> -> memref<32xi32, #tpu.memory_space<vmem>>
        %dma_wait3A_233 = arith.constant 0 : i32
        %dma_wait3A_234 = arith.constant 0 : i32
        %dma_wait3A_235 = tpu.memref_slice %arg14[%dma_wait3A_233, %dma_wait3A_234] : memref<10240x128xf32, #tpu.memory_space<vmem_shared>> -> memref<10240x128xf32, #tpu.memory_space<vmem_shared>>
        tpu.wait_indirect_dma semaphore(%arg21 : memref<!tpu.dma_semaphore, #tpu.memory_space<semaphore_mem>>) src(%arg10 : memref<32x128xf32, #tpu.memory_space<vmem>>) dst(%dma_wait3A_235 : memref<10240x128xf32, #tpu.memory_space<vmem_shared>>)
        %add3A_236 = arith.constant 5 : i32
        %add3A_237 = arith.addi %add3A_141, %add3A_236 : i32
        %mul3A_238 = arith.constant 32 : i32
        %mul3A_239 = arith.muli %add3A_237, %mul3A_238 : i32
        %dma_start3A_240 = tpu.memref_slice %arg7[%mul3A_239] : memref<5120xi32, #tpu.memory_space<vmem>> -> memref<32xi32, #tpu.memory_space<vmem>>
        %dma_start3A_241 = arith.constant 0 : i32
        %dma_start3A_242 = arith.constant 0 : i32
        %dma_start3A_243 = tpu.memref_slice %arg2[%dma_start3A_241, %dma_start3A_242] : memref<10000x128xf32, #tpu.memory_space<hbm>> -> memref<10000x128xf32, #tpu.memory_space<hbm>>
        tpu.enqueue_indirect_dma source(%dma_start3A_243 : memref<10000x128xf32, #tpu.memory_space<hbm>>) target(%arg10 : memref<32x128xf32, #tpu.memory_space<vmem>>) offsets(%dma_start3A_240 : memref<32xi32, #tpu.memory_space<vmem>>) semaphore(%arg16 : memref<!tpu.dma_semaphore, #tpu.memory_space<semaphore_mem>>)
      } else {
      }
      %mul3A_161 = arith.constant 5 : i32
      %mul3A_162 = arith.muli %mul3A_161, %add3A_117 : i32
      %add3A_163 = arith.constant 2 : i32
      %add3A_164 = arith.addi %mul3A_162, %add3A_163 : i32
      %mul3A_165 = arith.constant 32 : i32
      %mul3A_166 = arith.muli %add3A_164, %mul3A_165 : i32
      %dma_wait3A_167 = tpu.memref_slice %arg7[%mul3A_166] : memref<5120xi32, #tpu.memory_space<vmem>> -> memref<32xi32, #tpu.memory_space<vmem>>
      %dma_wait3A_168 = arith.constant 0 : i32
      %dma_wait3A_169 = arith.constant 0 : i32
      %dma_wait3A_170 = tpu.memref_slice %arg2[%dma_wait3A_168, %dma_wait3A_169] : memref<10000x128xf32, #tpu.memory_space<hbm>> -> memref<10000x128xf32, #tpu.memory_space<hbm>>
      tpu.wait_indirect_dma semaphore(%arg17 : memref<!tpu.dma_semaphore, #tpu.memory_space<semaphore_mem>>) src(%dma_wait3A_170 : memref<10000x128xf32, #tpu.memory_space<hbm>>) dst(%arg11 : memref<32x128xf32, #tpu.memory_space<vmem>>)
      %dma_start3A_171 = arith.constant 0 : i32
      %dma_start3A_172 = tpu.memref_slice %arg8[%add3A_164, %dma_start3A_171] : memref<160x32xi32, #tpu.memory_space<vmem>> -> memref<1x32xi32, #tpu.memory_space<vmem>>
      %dma_start3A_173 = tpu.memref_squeeze %dma_start3A_172 : memref<1x32xi32, #tpu.memory_space<vmem>> -> memref<32xi32, #tpu.memory_space<vmem>>
      %dma_start3A_174 = arith.constant 0 : i32
      %dma_start3A_175 = arith.constant 0 : i32
      %dma_start3A_176 = tpu.memref_slice %arg14[%dma_start3A_174, %dma_start3A_175] : memref<10240x128xf32, #tpu.memory_space<vmem_shared>> -> memref<10240x128xf32, #tpu.memory_space<vmem_shared>>
      tpu.enqueue_indirect_dma source(%arg11 : memref<32x128xf32, #tpu.memory_space<vmem>>) target(%dma_start3A_176 : memref<10240x128xf32, #tpu.memory_space<vmem_shared>>) offsets(%dma_start3A_173 : memref<32xi32, #tpu.memory_space<vmem>>) semaphore(%arg22 : memref<!tpu.dma_semaphore, #tpu.memory_space<semaphore_mem>>) {add = true}
      %add3A_177 = arith.constant 1 : i32
      %add3A_178 = arith.addi %add3A_117, %add3A_177 : i32
      %lt3A_179 = arith.constant 32 : i32
      %lt3A_180 = arith.cmpi slt, %add3A_178, %lt3A_179 : i32
      %convert_element_type3A_181 = arith.extui %lt3A_180 : i1 to i32
      %cond3A_182 = arith.constant 0 : i32
      %cond3A_183 = arith.cmpi ne, %convert_element_type3A_181, %cond3A_182 : i32
      scf.if %cond3A_183 {
        %dma_wait3A_230 = arith.constant 0 : i32
        %dma_wait3A_231 = tpu.memref_slice %arg8[%add3A_164, %dma_wait3A_230] : memref<160x32xi32, #tpu.memory_space<vmem>> -> memref<1x32xi32, #tpu.memory_space<vmem>>
        %dma_wait3A_232 = tpu.memref_squeeze %dma_wait3A_231 : memref<1x32xi32, #tpu.memory_space<vmem>> -> memref<32xi32, #tpu.memory_space<vmem>>
        %dma_wait3A_233 = arith.constant 0 : i32
        %dma_wait3A_234 = arith.constant 0 : i32
        %dma_wait3A_235 = tpu.memref_slice %arg14[%dma_wait3A_233, %dma_wait3A_234] : memref<10240x128xf32, #tpu.memory_space<vmem_shared>> -> memref<10240x128xf32, #tpu.memory_space<vmem_shared>>
        tpu.wait_indirect_dma semaphore(%arg22 : memref<!tpu.dma_semaphore, #tpu.memory_space<semaphore_mem>>) src(%arg11 : memref<32x128xf32, #tpu.memory_space<vmem>>) dst(%dma_wait3A_235 : memref<10240x128xf32, #tpu.memory_space<vmem_shared>>)
        %add3A_236 = arith.constant 5 : i32
        %add3A_237 = arith.addi %add3A_164, %add3A_236 : i32
        %mul3A_238 = arith.constant 32 : i32
        %mul3A_239 = arith.muli %add3A_237, %mul3A_238 : i32
        %dma_start3A_240 = tpu.memref_slice %arg7[%mul3A_239] : memref<5120xi32, #tpu.memory_space<vmem>> -> memref<32xi32, #tpu.memory_space<vmem>>
        %dma_start3A_241 = arith.constant 0 : i32
        %dma_start3A_242 = arith.constant 0 : i32
        %dma_start3A_243 = tpu.memref_slice %arg2[%dma_start3A_241, %dma_start3A_242] : memref<10000x128xf32, #tpu.memory_space<hbm>> -> memref<10000x128xf32, #tpu.memory_space<hbm>>
        tpu.enqueue_indirect_dma source(%dma_start3A_243 : memref<10000x128xf32, #tpu.memory_space<hbm>>) target(%arg11 : memref<32x128xf32, #tpu.memory_space<vmem>>) offsets(%dma_start3A_240 : memref<32xi32, #tpu.memory_space<vmem>>) semaphore(%arg17 : memref<!tpu.dma_semaphore, #tpu.memory_space<semaphore_mem>>)
      } else {
      }
      %mul3A_184 = arith.constant 5 : i32
      %mul3A_185 = arith.muli %mul3A_184, %add3A_117 : i32
      %add3A_186 = arith.constant 3 : i32
      %add3A_187 = arith.addi %mul3A_185, %add3A_186 : i32
      %mul3A_188 = arith.constant 32 : i32
      %mul3A_189 = arith.muli %add3A_187, %mul3A_188 : i32
      %dma_wait3A_190 = tpu.memref_slice %arg7[%mul3A_189] : memref<5120xi32, #tpu.memory_space<vmem>> -> memref<32xi32, #tpu.memory_space<vmem>>
      %dma_wait3A_191 = arith.constant 0 : i32
      %dma_wait3A_192 = arith.constant 0 : i32
      %dma_wait3A_193 = tpu.memref_slice %arg2[%dma_wait3A_191, %dma_wait3A_192] : memref<10000x128xf32, #tpu.memory_space<hbm>> -> memref<10000x128xf32, #tpu.memory_space<hbm>>
      tpu.wait_indirect_dma semaphore(%arg18 : memref<!tpu.dma_semaphore, #tpu.memory_space<semaphore_mem>>) src(%dma_wait3A_193 : memref<10000x128xf32, #tpu.memory_space<hbm>>) dst(%arg12 : memref<32x128xf32, #tpu.memory_space<vmem>>)
      %dma_start3A_194 = arith.constant 0 : i32
      %dma_start3A_195 = tpu.memref_slice %arg8[%add3A_187, %dma_start3A_194] : memref<160x32xi32, #tpu.memory_space<vmem>> -> memref<1x32xi32, #tpu.memory_space<vmem>>
      %dma_start3A_196 = tpu.memref_squeeze %dma_start3A_195 : memref<1x32xi32, #tpu.memory_space<vmem>> -> memref<32xi32, #tpu.memory_space<vmem>>
      %dma_start3A_197 = arith.constant 0 : i32
      %dma_start3A_198 = arith.constant 0 : i32
      %dma_start3A_199 = tpu.memref_slice %arg14[%dma_start3A_197, %dma_start3A_198] : memref<10240x128xf32, #tpu.memory_space<vmem_shared>> -> memref<10240x128xf32, #tpu.memory_space<vmem_shared>>
      tpu.enqueue_indirect_dma source(%arg12 : memref<32x128xf32, #tpu.memory_space<vmem>>) target(%dma_start3A_199 : memref<10240x128xf32, #tpu.memory_space<vmem_shared>>) offsets(%dma_start3A_196 : memref<32xi32, #tpu.memory_space<vmem>>) semaphore(%arg23 : memref<!tpu.dma_semaphore, #tpu.memory_space<semaphore_mem>>) {add = true}
      %add3A_200 = arith.constant 1 : i32
      %add3A_201 = arith.addi %add3A_117, %add3A_200 : i32
      %lt3A_202 = arith.constant 32 : i32
      %lt3A_203 = arith.cmpi slt, %add3A_201, %lt3A_202 : i32
      %convert_element_type3A_204 = arith.extui %lt3A_203 : i1 to i32
      %cond3A_205 = arith.constant 0 : i32
      %cond3A_206 = arith.cmpi ne, %convert_element_type3A_204, %cond3A_205 : i32
      scf.if %cond3A_206 {
        %dma_wait3A_230 = arith.constant 0 : i32
        %dma_wait3A_231 = tpu.memref_slice %arg8[%add3A_187, %dma_wait3A_230] : memref<160x32xi32, #tpu.memory_space<vmem>> -> memref<1x32xi32, #tpu.memory_space<vmem>>
        %dma_wait3A_232 = tpu.memref_squeeze %dma_wait3A_231 : memref<1x32xi32, #tpu.memory_space<vmem>> -> memref<32xi32, #tpu.memory_space<vmem>>
        %dma_wait3A_233 = arith.constant 0 : i32
        %dma_wait3A_234 = arith.constant 0 : i32
        %dma_wait3A_235 = tpu.memref_slice %arg14[%dma_wait3A_233, %dma_wait3A_234] : memref<10240x128xf32, #tpu.memory_space<vmem_shared>> -> memref<10240x128xf32, #tpu.memory_space<vmem_shared>>
        tpu.wait_indirect_dma semaphore(%arg23 : memref<!tpu.dma_semaphore, #tpu.memory_space<semaphore_mem>>) src(%arg12 : memref<32x128xf32, #tpu.memory_space<vmem>>) dst(%dma_wait3A_235 : memref<10240x128xf32, #tpu.memory_space<vmem_shared>>)
        %add3A_236 = arith.constant 5 : i32
        %add3A_237 = arith.addi %add3A_187, %add3A_236 : i32
        %mul3A_238 = arith.constant 32 : i32
        %mul3A_239 = arith.muli %add3A_237, %mul3A_238 : i32
        %dma_start3A_240 = tpu.memref_slice %arg7[%mul3A_239] : memref<5120xi32, #tpu.memory_space<vmem>> -> memref<32xi32, #tpu.memory_space<vmem>>
        %dma_start3A_241 = arith.constant 0 : i32
        %dma_start3A_242 = arith.constant 0 : i32
        %dma_start3A_243 = tpu.memref_slice %arg2[%dma_start3A_241, %dma_start3A_242] : memref<10000x128xf32, #tpu.memory_space<hbm>> -> memref<10000x128xf32, #tpu.memory_space<hbm>>
        tpu.enqueue_indirect_dma source(%dma_start3A_243 : memref<10000x128xf32, #tpu.memory_space<hbm>>) target(%arg12 : memref<32x128xf32, #tpu.memory_space<vmem>>) offsets(%dma_start3A_240 : memref<32xi32, #tpu.memory_space<vmem>>) semaphore(%arg18 : memref<!tpu.dma_semaphore, #tpu.memory_space<semaphore_mem>>)
      } else {
      }
      %mul3A_207 = arith.constant 5 : i32
      %mul3A_208 = arith.muli %mul3A_207, %add3A_117 : i32
      %add3A_209 = arith.constant 4 : i32
      %add3A_210 = arith.addi %mul3A_208, %add3A_209 : i32
      %mul3A_211 = arith.constant 32 : i32
      %mul3A_212 = arith.muli %add3A_210, %mul3A_211 : i32
      %dma_wait3A_213 = tpu.memref_slice %arg7[%mul3A_212] : memref<5120xi32, #tpu.memory_space<vmem>> -> memref<32xi32, #tpu.memory_space<vmem>>
      %dma_wait3A_214 = arith.constant 0 : i32
      %dma_wait3A_215 = arith.constant 0 : i32
      %dma_wait3A_216 = tpu.memref_slice %arg2[%dma_wait3A_214, %dma_wait3A_215] : memref<10000x128xf32, #tpu.memory_space<hbm>> -> memref<10000x128xf32, #tpu.memory_space<hbm>>
      tpu.wait_indirect_dma semaphore(%arg19 : memref<!tpu.dma_semaphore, #tpu.memory_space<semaphore_mem>>) src(%dma_wait3A_216 : memref<10000x128xf32, #tpu.memory_space<hbm>>) dst(%arg13 : memref<32x128xf32, #tpu.memory_space<vmem>>)
      %dma_start3A_217 = arith.constant 0 : i32
      %dma_start3A_218 = tpu.memref_slice %arg8[%add3A_210, %dma_start3A_217] : memref<160x32xi32, #tpu.memory_space<vmem>> -> memref<1x32xi32, #tpu.memory_space<vmem>>
      %dma_start3A_219 = tpu.memref_squeeze %dma_start3A_218 : memref<1x32xi32, #tpu.memory_space<vmem>> -> memref<32xi32, #tpu.memory_space<vmem>>
      %dma_start3A_220 = arith.constant 0 : i32
      %dma_start3A_221 = arith.constant 0 : i32
      %dma_start3A_222 = tpu.memref_slice %arg14[%dma_start3A_220, %dma_start3A_221] : memref<10240x128xf32, #tpu.memory_space<vmem_shared>> -> memref<10240x128xf32, #tpu.memory_space<vmem_shared>>
      tpu.enqueue_indirect_dma source(%arg13 : memref<32x128xf32, #tpu.memory_space<vmem>>) target(%dma_start3A_222 : memref<10240x128xf32, #tpu.memory_space<vmem_shared>>) offsets(%dma_start3A_219 : memref<32xi32, #tpu.memory_space<vmem>>) semaphore(%arg24 : memref<!tpu.dma_semaphore, #tpu.memory_space<semaphore_mem>>) {add = true}
      %add3A_223 = arith.constant 1 : i32
      %add3A_224 = arith.addi %add3A_117, %add3A_223 : i32
      %lt3A_225 = arith.constant 32 : i32
      %lt3A_226 = arith.cmpi slt, %add3A_224, %lt3A_225 : i32
      %convert_element_type3A_227 = arith.extui %lt3A_226 : i1 to i32
      %cond3A_228 = arith.constant 0 : i32
      %cond3A_229 = arith.cmpi ne, %convert_element_type3A_227, %cond3A_228 : i32
      scf.if %cond3A_229 {
        %dma_wait3A_230 = arith.constant 0 : i32
        %dma_wait3A_231 = tpu.memref_slice %arg8[%add3A_210, %dma_wait3A_230] : memref<160x32xi32, #tpu.memory_space<vmem>> -> memref<1x32xi32, #tpu.memory_space<vmem>>
        %dma_wait3A_232 = tpu.memref_squeeze %dma_wait3A_231 : memref<1x32xi32, #tpu.memory_space<vmem>> -> memref<32xi32, #tpu.memory_space<vmem>>
        %dma_wait3A_233 = arith.constant 0 : i32
        %dma_wait3A_234 = arith.constant 0 : i32
        %dma_wait3A_235 = tpu.memref_slice %arg14[%dma_wait3A_233, %dma_wait3A_234] : memref<10240x128xf32, #tpu.memory_space<vmem_shared>> -> memref<10240x128xf32, #tpu.memory_space<vmem_shared>>
        tpu.wait_indirect_dma semaphore(%arg24 : memref<!tpu.dma_semaphore, #tpu.memory_space<semaphore_mem>>) src(%arg13 : memref<32x128xf32, #tpu.memory_space<vmem>>) dst(%dma_wait3A_235 : memref<10240x128xf32, #tpu.memory_space<vmem_shared>>)
        %add3A_236 = arith.constant 5 : i32
        %add3A_237 = arith.addi %add3A_210, %add3A_236 : i32
        %mul3A_238 = arith.constant 32 : i32
        %mul3A_239 = arith.muli %add3A_237, %mul3A_238 : i32
        %dma_start3A_240 = tpu.memref_slice %arg7[%mul3A_239] : memref<5120xi32, #tpu.memory_space<vmem>> -> memref<32xi32, #tpu.memory_space<vmem>>
        %dma_start3A_241 = arith.constant 0 : i32
        %dma_start3A_242 = arith.constant 0 : i32
        %dma_start3A_243 = tpu.memref_slice %arg2[%dma_start3A_241, %dma_start3A_242] : memref<10000x128xf32, #tpu.memory_space<hbm>> -> memref<10000x128xf32, #tpu.memory_space<hbm>>
        tpu.enqueue_indirect_dma source(%dma_start3A_243 : memref<10000x128xf32, #tpu.memory_space<hbm>>) target(%arg13 : memref<32x128xf32, #tpu.memory_space<vmem>>) offsets(%dma_start3A_240 : memref<32xi32, #tpu.memory_space<vmem>>) semaphore(%arg19 : memref<!tpu.dma_semaphore, #tpu.memory_space<semaphore_mem>>)
      } else {
      }
    }
    %scan3A_42 = arith.constant 32 : i32
    %dma_wait3A = arith.constant 155 : i32
    %dma_wait3A_43 = arith.constant 0 : i32
    %dma_wait3A_44 = tpu.memref_slice %arg8[%dma_wait3A, %dma_wait3A_43] : memref<160x32xi32, #tpu.memory_space<vmem>> -> memref<1x32xi32, #tpu.memory_space<vmem>>
    %dma_wait3A_45 = tpu.memref_squeeze %dma_wait3A_44 : memref<1x32xi32, #tpu.memory_space<vmem>> -> memref<32xi32, #tpu.memory_space<vmem>>
    %dma_wait3A_46 = arith.constant 0 : i32
    %dma_wait3A_47 = arith.constant 0 : i32
    %dma_wait3A_48 = tpu.memref_slice %arg14[%dma_wait3A_46, %dma_wait3A_47] : memref<10240x128xf32, #tpu.memory_space<vmem_shared>> -> memref<10240x128xf32, #tpu.memory_space<vmem_shared>>
    tpu.wait_indirect_dma semaphore(%arg20 : memref<!tpu.dma_semaphore, #tpu.memory_space<semaphore_mem>>) src(%arg9 : memref<32x128xf32, #tpu.memory_space<vmem>>) dst(%dma_wait3A_48 : memref<10240x128xf32, #tpu.memory_space<vmem_shared>>)
    %dma_wait3A_49 = arith.constant 156 : i32
    %dma_wait3A_50 = arith.constant 0 : i32
    %dma_wait3A_51 = tpu.memref_slice %arg8[%dma_wait3A_49, %dma_wait3A_50] : memref<160x32xi32, #tpu.memory_space<vmem>> -> memref<1x32xi32, #tpu.memory_space<vmem>>
    %dma_wait3A_52 = tpu.memref_squeeze %dma_wait3A_51 : memref<1x32xi32, #tpu.memory_space<vmem>> -> memref<32xi32, #tpu.memory_space<vmem>>
    %dma_wait3A_53 = arith.constant 0 : i32
    %dma_wait3A_54 = arith.constant 0 : i32
    %dma_wait3A_55 = tpu.memref_slice %arg14[%dma_wait3A_53, %dma_wait3A_54] : memref<10240x128xf32, #tpu.memory_space<vmem_shared>> -> memref<10240x128xf32, #tpu.memory_space<vmem_shared>>
    tpu.wait_indirect_dma semaphore(%arg21 : memref<!tpu.dma_semaphore, #tpu.memory_space<semaphore_mem>>) src(%arg10 : memref<32x128xf32, #tpu.memory_space<vmem>>) dst(%dma_wait3A_55 : memref<10240x128xf32, #tpu.memory_space<vmem_shared>>)
    %dma_wait3A_56 = arith.constant 157 : i32
    %dma_wait3A_57 = arith.constant 0 : i32
    %dma_wait3A_58 = tpu.memref_slice %arg8[%dma_wait3A_56, %dma_wait3A_57] : memref<160x32xi32, #tpu.memory_space<vmem>> -> memref<1x32xi32, #tpu.memory_space<vmem>>
    %dma_wait3A_59 = tpu.memref_squeeze %dma_wait3A_58 : memref<1x32xi32, #tpu.memory_space<vmem>> -> memref<32xi32, #tpu.memory_space<vmem>>
    %dma_wait3A_60 = arith.constant 0 : i32
    %dma_wait3A_61 = arith.constant 0 : i32
    %dma_wait3A_62 = tpu.memref_slice %arg14[%dma_wait3A_60, %dma_wait3A_61] : memref<10240x128xf32, #tpu.memory_space<vmem_shared>> -> memref<10240x128xf32, #tpu.memory_space<vmem_shared>>
    tpu.wait_indirect_dma semaphore(%arg22 : memref<!tpu.dma_semaphore, #tpu.memory_space<semaphore_mem>>) src(%arg11 : memref<32x128xf32, #tpu.memory_space<vmem>>) dst(%dma_wait3A_62 : memref<10240x128xf32, #tpu.memory_space<vmem_shared>>)
    %dma_wait3A_63 = arith.constant 158 : i32
    %dma_wait3A_64 = arith.constant 0 : i32
    %dma_wait3A_65 = tpu.memref_slice %arg8[%dma_wait3A_63, %dma_wait3A_64] : memref<160x32xi32, #tpu.memory_space<vmem>> -> memref<1x32xi32, #tpu.memory_space<vmem>>
    %dma_wait3A_66 = tpu.memref_squeeze %dma_wait3A_65 : memref<1x32xi32, #tpu.memory_space<vmem>> -> memref<32xi32, #tpu.memory_space<vmem>>
    %dma_wait3A_67 = arith.constant 0 : i32
    %dma_wait3A_68 = arith.constant 0 : i32
    %dma_wait3A_69 = tpu.memref_slice %arg14[%dma_wait3A_67, %dma_wait3A_68] : memref<10240x128xf32, #tpu.memory_space<vmem_shared>> -> memref<10240x128xf32, #tpu.memory_space<vmem_shared>>
    tpu.wait_indirect_dma semaphore(%arg23 : memref<!tpu.dma_semaphore, #tpu.memory_space<semaphore_mem>>) src(%arg12 : memref<32x128xf32, #tpu.memory_space<vmem>>) dst(%dma_wait3A_69 : memref<10240x128xf32, #tpu.memory_space<vmem_shared>>)
    %dma_wait3A_70 = arith.constant 159 : i32
    %dma_wait3A_71 = arith.constant 0 : i32
    %dma_wait3A_72 = tpu.memref_slice %arg8[%dma_wait3A_70, %dma_wait3A_71] : memref<160x32xi32, #tpu.memory_space<vmem>> -> memref<1x32xi32, #tpu.memory_space<vmem>>
    %dma_wait3A_73 = tpu.memref_squeeze %dma_wait3A_72 : memref<1x32xi32, #tpu.memory_space<vmem>> -> memref<32xi32, #tpu.memory_space<vmem>>
    %dma_wait3A_74 = arith.constant 0 : i32
    %dma_wait3A_75 = arith.constant 0 : i32
    %dma_wait3A_76 = tpu.memref_slice %arg14[%dma_wait3A_74, %dma_wait3A_75] : memref<10240x128xf32, #tpu.memory_space<vmem_shared>> -> memref<10240x128xf32, #tpu.memory_space<vmem_shared>>
    tpu.wait_indirect_dma semaphore(%arg24 : memref<!tpu.dma_semaphore, #tpu.memory_space<semaphore_mem>>) src(%arg13 : memref<32x128xf32, #tpu.memory_space<vmem>>) dst(%dma_wait3A_76 : memref<10240x128xf32, #tpu.memory_space<vmem_shared>>)
    %barrier3A_77 = arith.constant 0 : index
    tpu.barrier barrier_id(%barrier3A_77)
    %mul3A_78 = arith.constant 10240 : i32
    %mul3A_79 = arith.muli %arg0, %mul3A_78 : i32
    %add3A_80 = arith.addi %mul3A_79, %mul3A_28 : i32
    %add3A_81 = arith.constant 0 : i32
    %add3A_82 = arith.addi %add3A_80, %add3A_81 : i32
    %add3A_83 = arith.constant 0 : i32
    %add3A_84 = arith.addi %mul3A_28, %add3A_83 : i32
    "tpu.region"() ({
      %run_scoped3A = tpu.sem_alloc : memref<!tpu.dma_semaphore, #tpu.memory_space<semaphore_mem>>
      %dma_start3A_113 = arith.constant 0 : i32
      %dma_start3A_114 = tpu.memref_slice %arg6[%add3A_82, %dma_start3A_113] : memref<20480x128xf32, #tpu.memory_space<hbm>> -> memref<128x128xf32, #tpu.memory_space<hbm>>
      %dma_start3A_115 = arith.constant 0 : i32
      %dma_start3A_116 = tpu.memref_slice %arg14[%add3A_84, %dma_start3A_115] : memref<10240x128xf32, #tpu.memory_space<vmem_shared>> -> memref<128x128xf32, #tpu.memory_space<vmem_shared>>
      tpu.enqueue_dma source(%dma_start3A_116 : memref<128x128xf32, #tpu.memory_space<vmem_shared>>) target(%dma_start3A_114 : memref<128x128xf32, #tpu.memory_space<hbm>>) target_semaphore(%run_scoped3A : memref<!tpu.dma_semaphore, #tpu.memory_space<semaphore_mem>>)
      %dma_wait3A_117 = arith.constant 0 : i32
      %dma_wait3A_118 = tpu.memref_slice %arg6[%add3A_82, %dma_wait3A_117] : memref<20480x128xf32, #tpu.memory_space<hbm>> -> memref<128x128xf32, #tpu.memory_space<hbm>>
      %dma_wait3A_119 = arith.constant 0 : i32
      %dma_wait3A_120 = tpu.memref_slice %arg14[%add3A_84, %dma_wait3A_119] : memref<10240x128xf32, #tpu.memory_space<vmem_shared>> -> memref<128x128xf32, #tpu.memory_space<vmem_shared>>
      tpu.wait_dma2 semaphore(%run_scoped3A : memref<!tpu.dma_semaphore, #tpu.memory_space<semaphore_mem>>) src(%dma_wait3A_120 : memref<128x128xf32, #tpu.memory_space<vmem_shared>>) dst(%dma_wait3A_118 : memref<128x128xf32, #tpu.memory_space<hbm>>)
      tpu.yield
    }) : () -> ()
    %mul3A_85 = arith.constant 10240 : i32
    %mul3A_86 = arith.muli %arg0, %mul3A_85 : i32
    %add3A_87 = arith.addi %mul3A_86, %mul3A_28 : i32
    %add3A_88 = arith.constant 128 : i32
    %add3A_89 = arith.addi %add3A_87, %add3A_88 : i32
    %add3A_90 = arith.constant 128 : i32
    %add3A_91 = arith.addi %mul3A_28, %add3A_90 : i32
    "tpu.region"() ({
      %run_scoped3A = tpu.sem_alloc : memref<!tpu.dma_semaphore, #tpu.memory_space<semaphore_mem>>
      %dma_start3A_113 = arith.constant 0 : i32
      %dma_start3A_114 = tpu.memref_slice %arg6[%add3A_89, %dma_start3A_113] : memref<20480x128xf32, #tpu.memory_space<hbm>> -> memref<128x128xf32, #tpu.memory_space<hbm>>
      %dma_start3A_115 = arith.constant 0 : i32
      %dma_start3A_116 = tpu.memref_slice %arg14[%add3A_91, %dma_start3A_115] : memref<10240x128xf32, #tpu.memory_space<vmem_shared>> -> memref<128x128xf32, #tpu.memory_space<vmem_shared>>
      tpu.enqueue_dma source(%dma_start3A_116 : memref<128x128xf32, #tpu.memory_space<vmem_shared>>) target(%dma_start3A_114 : memref<128x128xf32, #tpu.memory_space<hbm>>) target_semaphore(%run_scoped3A : memref<!tpu.dma_semaphore, #tpu.memory_space<semaphore_mem>>)
      %dma_wait3A_117 = arith.constant 0 : i32
      %dma_wait3A_118 = tpu.memref_slice %arg6[%add3A_89, %dma_wait3A_117] : memref<20480x128xf32, #tpu.memory_space<hbm>> -> memref<128x128xf32, #tpu.memory_space<hbm>>
      %dma_wait3A_119 = arith.constant 0 : i32
      %dma_wait3A_120 = tpu.memref_slice %arg14[%add3A_91, %dma_wait3A_119] : memref<10240x128xf32, #tpu.memory_space<vmem_shared>> -> memref<128x128xf32, #tpu.memory_space<vmem_shared>>
      tpu.wait_dma2 semaphore(%run_scoped3A : memref<!tpu.dma_semaphore, #tpu.memory_space<semaphore_mem>>) src(%dma_wait3A_120 : memref<128x128xf32, #tpu.memory_space<vmem_shared>>) dst(%dma_wait3A_118 : memref<128x128xf32, #tpu.memory_space<hbm>>)
      tpu.yield
    }) : () -> ()
    %mul3A_92 = arith.constant 10240 : i32
    %mul3A_93 = arith.muli %arg0, %mul3A_92 : i32
    %add3A_94 = arith.addi %mul3A_93, %mul3A_28 : i32
    %add3A_95 = arith.constant 256 : i32
    %add3A_96 = arith.addi %add3A_94, %add3A_95 : i32
    %add3A_97 = arith.constant 256 : i32
    %add3A_98 = arith.addi %mul3A_28, %add3A_97 : i32
    "tpu.region"() ({
      %run_scoped3A = tpu.sem_alloc : memref<!tpu.dma_semaphore, #tpu.memory_space<semaphore_mem>>
      %dma_start3A_113 = arith.constant 0 : i32
      %dma_start3A_114 = tpu.memref_slice %arg6[%add3A_96, %dma_start3A_113] : memref<20480x128xf32, #tpu.memory_space<hbm>> -> memref<128x128xf32, #tpu.memory_space<hbm>>
      %dma_start3A_115 = arith.constant 0 : i32
      %dma_start3A_116 = tpu.memref_slice %arg14[%add3A_98, %dma_start3A_115] : memref<10240x128xf32, #tpu.memory_space<vmem_shared>> -> memref<128x128xf32, #tpu.memory_space<vmem_shared>>
      tpu.enqueue_dma source(%dma_start3A_116 : memref<128x128xf32, #tpu.memory_space<vmem_shared>>) target(%dma_start3A_114 : memref<128x128xf32, #tpu.memory_space<hbm>>) target_semaphore(%run_scoped3A : memref<!tpu.dma_semaphore, #tpu.memory_space<semaphore_mem>>)
      %dma_wait3A_117 = arith.constant 0 : i32
      %dma_wait3A_118 = tpu.memref_slice %arg6[%add3A_96, %dma_wait3A_117] : memref<20480x128xf32, #tpu.memory_space<hbm>> -> memref<128x128xf32, #tpu.memory_space<hbm>>
      %dma_wait3A_119 = arith.constant 0 : i32
      %dma_wait3A_120 = tpu.memref_slice %arg14[%add3A_98, %dma_wait3A_119] : memref<10240x128xf32, #tpu.memory_space<vmem_shared>> -> memref<128x128xf32, #tpu.memory_space<vmem_shared>>
      tpu.wait_dma2 semaphore(%run_scoped3A : memref<!tpu.dma_semaphore, #tpu.memory_space<semaphore_mem>>) src(%dma_wait3A_120 : memref<128x128xf32, #tpu.memory_space<vmem_shared>>) dst(%dma_wait3A_118 : memref<128x128xf32, #tpu.memory_space<hbm>>)
      tpu.yield
    }) : () -> ()
    %mul3A_99 = arith.constant 10240 : i32
    %mul3A_100 = arith.muli %arg0, %mul3A_99 : i32
    %add3A_101 = arith.addi %mul3A_100, %mul3A_28 : i32
    %add3A_102 = arith.constant 384 : i32
    %add3A_103 = arith.addi %add3A_101, %add3A_102 : i32
    %add3A_104 = arith.constant 384 : i32
    %add3A_105 = arith.addi %mul3A_28, %add3A_104 : i32
    "tpu.region"() ({
      %run_scoped3A = tpu.sem_alloc : memref<!tpu.dma_semaphore, #tpu.memory_space<semaphore_mem>>
      %dma_start3A_113 = arith.constant 0 : i32
      %dma_start3A_114 = tpu.memref_slice %arg6[%add3A_103, %dma_start3A_113] : memref<20480x128xf32, #tpu.memory_space<hbm>> -> memref<128x128xf32, #tpu.memory_space<hbm>>
      %dma_start3A_115 = arith.constant 0 : i32
      %dma_start3A_116 = tpu.memref_slice %arg14[%add3A_105, %dma_start3A_115] : memref<10240x128xf32, #tpu.memory_space<vmem_shared>> -> memref<128x128xf32, #tpu.memory_space<vmem_shared>>
      tpu.enqueue_dma source(%dma_start3A_116 : memref<128x128xf32, #tpu.memory_space<vmem_shared>>) target(%dma_start3A_114 : memref<128x128xf32, #tpu.memory_space<hbm>>) target_semaphore(%run_scoped3A : memref<!tpu.dma_semaphore, #tpu.memory_space<semaphore_mem>>)
      %dma_wait3A_117 = arith.constant 0 : i32
      %dma_wait3A_118 = tpu.memref_slice %arg6[%add3A_103, %dma_wait3A_117] : memref<20480x128xf32, #tpu.memory_space<hbm>> -> memref<128x128xf32, #tpu.memory_space<hbm>>
      %dma_wait3A_119 = arith.constant 0 : i32
      %dma_wait3A_120 = tpu.memref_slice %arg14[%add3A_105, %dma_wait3A_119] : memref<10240x128xf32, #tpu.memory_space<vmem_shared>> -> memref<128x128xf32, #tpu.memory_space<vmem_shared>>
      tpu.wait_dma2 semaphore(%run_scoped3A : memref<!tpu.dma_semaphore, #tpu.memory_space<semaphore_mem>>) src(%dma_wait3A_120 : memref<128x128xf32, #tpu.memory_space<vmem_shared>>) dst(%dma_wait3A_118 : memref<128x128xf32, #tpu.memory_space<hbm>>)
      tpu.yield
    }) : () -> ()
    %mul3A_106 = arith.constant 10240 : i32
    %mul3A_107 = arith.muli %arg0, %mul3A_106 : i32
    %add3A_108 = arith.addi %mul3A_107, %mul3A_28 : i32
    %add3A_109 = arith.constant 512 : i32
    %add3A_110 = arith.addi %add3A_108, %add3A_109 : i32
    %add3A_111 = arith.constant 512 : i32
    %add3A_112 = arith.addi %mul3A_28, %add3A_111 : i32
    "tpu.region"() ({
      %run_scoped3A = tpu.sem_alloc : memref<!tpu.dma_semaphore, #tpu.memory_space<semaphore_mem>>
      %dma_start3A_113 = arith.constant 0 : i32
      %dma_start3A_114 = tpu.memref_slice %arg6[%add3A_110, %dma_start3A_113] : memref<20480x128xf32, #tpu.memory_space<hbm>> -> memref<128x128xf32, #tpu.memory_space<hbm>>
      %dma_start3A_115 = arith.constant 0 : i32
      %dma_start3A_116 = tpu.memref_slice %arg14[%add3A_112, %dma_start3A_115] : memref<10240x128xf32, #tpu.memory_space<vmem_shared>> -> memref<128x128xf32, #tpu.memory_space<vmem_shared>>
      tpu.enqueue_dma source(%dma_start3A_116 : memref<128x128xf32, #tpu.memory_space<vmem_shared>>) target(%dma_start3A_114 : memref<128x128xf32, #tpu.memory_space<hbm>>) target_semaphore(%run_scoped3A : memref<!tpu.dma_semaphore, #tpu.memory_space<semaphore_mem>>)
      %dma_wait3A_117 = arith.constant 0 : i32
      %dma_wait3A_118 = tpu.memref_slice %arg6[%add3A_110, %dma_wait3A_117] : memref<20480x128xf32, #tpu.memory_space<hbm>> -> memref<128x128xf32, #tpu.memory_space<hbm>>
      %dma_wait3A_119 = arith.constant 0 : i32
      %dma_wait3A_120 = tpu.memref_slice %arg14[%add3A_112, %dma_wait3A_119] : memref<10240x128xf32, #tpu.memory_space<vmem_shared>> -> memref<128x128xf32, #tpu.memory_space<vmem_shared>>
      tpu.wait_dma2 semaphore(%run_scoped3A : memref<!tpu.dma_semaphore, #tpu.memory_space<semaphore_mem>>) src(%dma_wait3A_120 : memref<128x128xf32, #tpu.memory_space<vmem_shared>>) dst(%dma_wait3A_118 : memref<128x128xf32, #tpu.memory_space<hbm>>)
      tpu.yield
    }) : () -> ()
    return
  }
}

module attributes {stable_mosaic.version = 14 : i64} {
  func.func @_tc_a_body(%arg0: i32, %arg1: memref<2000x128xf32, #tpu.memory_space<vmem>>, %arg2: memref<128x128xf32, #tpu.memory_space<vmem>>, %arg3: memref<2000x128xf32, #tpu.memory_space<vmem>>, %arg4: memref<2000x128xf32, #tpu.memory_space<vmem>>) attributes {dimension_semantics = [#tpu.dimension_semantics<arbitrary>], iteration_bounds = array<i64: 5>, scalar_prefetch = 0 : i64, scratch_operands = 0 : i64, tpu.core_type = #tpu.core_type<tc>, window_params = [{transform_indices = @transform_0, window_bounds = array<i64: 2000, 128>}, {pipeline_mode = #tpu.pipeline_mode<synchronous>, transform_indices = @transform_1, window_bounds = array<i64: 128, 128>}, {transform_indices = @transform_2, window_bounds = array<i64: 2000, 128>}, {transform_indices = @transform_3, window_bounds = array<i64: 2000, 128>}]} {
    %iota3A = tpu.iota {dimensions = array<i32: 1>} : vector<2000x128xi32>
    %eq3A = arith.constant 0 : i32
    %eq3A_0 = vector.broadcast %eq3A : i32 to vector<2000x128xi32>
    %eq3A_1 = arith.cmpi eq, %iota3A, %eq3A_0 : vector<2000x128xi32>
    %get3A = arith.constant 0 : index
    %get3A_2 = arith.constant 0 : index
    %get3A_3 = vector.load %arg1[%get3A, %get3A_2] : memref<2000x128xf32, #tpu.memory_space<vmem>>, vector<2000x128xf32>
    %mul3A = arith.mulf %get3A_3, %get3A_3 : vector<2000x128xf32>
    %jit3A = arith.constant 0.000000e+00 : f32
    %broadcast_in_dim3A = vector.broadcast %jit3A : f32 to vector<2000x128xf32>
    %select_n3A = arith.select %eq3A_1, %broadcast_in_dim3A, %mul3A : vector<2000x128xi1>, vector<2000x128xf32>
    %reduce_sum3A = arith.constant dense<0.000000e+00> : vector<2000xf32>
    %reduce_sum3A_4 = vector.multi_reduction <add>, %select_n3A, %reduce_sum3A [1] : vector<2000x128xf32> to vector<2000xf32>
    %broadcast_in_dim3A_5 = vector.shape_cast %reduce_sum3A_4 : vector<2000xf32> to vector<2000x1xf32>
    %add3A = arith.constant 1.000000e+00 : f32
    %add3A_6 = vector.broadcast %add3A : f32 to vector<2000x1xf32>
    %add3A_7 = arith.addf %add3A_6, %broadcast_in_dim3A_5 : vector<2000x1xf32>
    %sqrt3A = math.sqrt %add3A_7 : vector<2000x1xf32>
    %broadcast_in_dim3A_8 = vector.shape_cast %sqrt3A : vector<2000x1xf32> to vector<2000x1xf32>
    %broadcast_in_dim3A_9 = vector.broadcast %broadcast_in_dim3A_8 : vector<2000x1xf32> to vector<2000x128xf32>
    %select_n3A_10 = arith.select %eq3A_1, %broadcast_in_dim3A_9, %get3A_3 : vector<2000x128xi1>, vector<2000x128xf32>
    %get3A_11 = arith.constant 0 : index
    %get3A_12 = arith.constant 0 : index
    %get3A_13 = vector.load %arg2[%get3A_11, %get3A_12] : memref<128x128xf32, #tpu.memory_space<vmem>>, vector<128x128xf32>
    %dot_general3A = arith.constant dense<0.000000e+00> : vector<2000x128xf32>
    %dot_general3A_14 = tpu.matmul %select_n3A_10, %get3A_13, %dot_general3A {dimension_numbers = #tpu.dot_dimension_numbers<[1], [1], [0], [0], [0, 0, 1, 0], [], []>, precision = #tpu.contract_precision<fp32>, transpose_lhs_hint = false} : vector<2000x128xf32>, vector<128x128xf32>, vector<2000x128xf32> -> vector<2000x128xf32>
    %mul3A_15 = arith.mulf %dot_general3A_14, %dot_general3A_14 : vector<2000x128xf32>
    %jit3A_16 = arith.constant 0.000000e+00 : f32
    %broadcast_in_dim3A_17 = vector.broadcast %jit3A_16 : f32 to vector<2000x128xf32>
    %select_n3A_18 = arith.select %eq3A_1, %broadcast_in_dim3A_17, %mul3A_15 : vector<2000x128xi1>, vector<2000x128xf32>
    %reduce_sum3A_19 = arith.constant dense<0.000000e+00> : vector<2000xf32>
    %reduce_sum3A_20 = vector.multi_reduction <add>, %select_n3A_18, %reduce_sum3A_19 [1] : vector<2000x128xf32> to vector<2000xf32>
    %broadcast_in_dim3A_21 = vector.shape_cast %reduce_sum3A_20 : vector<2000xf32> to vector<2000x1xf32>
    %add3A_22 = arith.constant 1.000000e+00 : f32
    %add3A_23 = vector.broadcast %add3A_22 : f32 to vector<2000x1xf32>
    %add3A_24 = arith.addf %add3A_23, %broadcast_in_dim3A_21 : vector<2000x1xf32>
    %sqrt3A_25 = math.sqrt %add3A_24 : vector<2000x1xf32>
    %broadcast_in_dim3A_26 = vector.shape_cast %sqrt3A_25 : vector<2000x1xf32> to vector<2000x1xf32>
    %broadcast_in_dim3A_27 = vector.broadcast %broadcast_in_dim3A_26 : vector<2000x1xf32> to vector<2000x128xf32>
    %select_n3A_28 = arith.select %eq3A_1, %broadcast_in_dim3A_27, %dot_general3A_14 : vector<2000x128xi1>, vector<2000x128xf32>
    %swap3A = arith.constant 0 : index
    %swap3A_29 = arith.constant 0 : index
    %swap3A_30 = vector.load %arg3[%swap3A, %swap3A_29] : memref<2000x128xf32, #tpu.memory_space<vmem>>, vector<2000x128xf32>
    tpu.vector_store %arg3[%swap3A, %swap3A_29], %select_n3A_10 {strides = array<i32>} : memref<2000x128xf32, #tpu.memory_space<vmem>>, vector<2000x128xf32>,
    %swap3A_31 = arith.constant 0 : index
    %swap3A_32 = arith.constant 0 : index
    %swap3A_33 = vector.load %arg4[%swap3A_31, %swap3A_32] : memref<2000x128xf32, #tpu.memory_space<vmem>>, vector<2000x128xf32>
    tpu.vector_store %arg4[%swap3A_31, %swap3A_32], %select_n3A_28 {strides = array<i32>} : memref<2000x128xf32, #tpu.memory_space<vmem>>, vector<2000x128xf32>,
    return
  }
  func.func @transform_0(%arg0: i32) -> (i32, i32) {
    %c0_i32 = arith.constant 0 : i32
    %c0_i32_0 = arith.constant 0 : i32
    return %arg0, %c0_i32 : i32, i32
  }
  func.func @transform_1(%arg0: i32) -> (i32, i32) {
    %c0_i32 = arith.constant 0 : i32
    %c0_i32_0 = arith.constant 0 : i32
    %c0_i32_1 = arith.constant 0 : i32
    return %c0_i32, %c0_i32_0 : i32, i32
  }
  func.func @transform_2(%arg0: i32) -> (i32, i32) {
    %c0_i32 = arith.constant 0 : i32
    %c0_i32_0 = arith.constant 0 : i32
    return %arg0, %c0_i32 : i32, i32
  }
  func.func @transform_3(%arg0: i32) -> (i32, i32) {
    %c0_i32 = arith.constant 0 : i32
    %c0_i32_0 = arith.constant 0 : i32
    return %arg0, %c0_i32 : i32, i32
  }
}

module attributes {stable_mosaic.version = 14 : i64} {
  func.func @_tc_b_body(%arg0: i32, %arg1: memref<2x2000x128xf32, #tpu.memory_space<vmem>>, %arg2: memref<2000x128xf32, #tpu.memory_space<vmem>>, %arg3: memref<2000x128xf32, #tpu.memory_space<vmem>>, %arg4: memref<128x128xf32, #tpu.memory_space<vmem>>, %arg5: memref<2000x128xf32, #tpu.memory_space<vmem>>, %arg6: memref<2000x128xf32, #tpu.memory_space<vmem>>, %arg7: memref<2000x128xf32, #tpu.memory_space<vmem>>) attributes {dimension_semantics = [#tpu.dimension_semantics<arbitrary>], iteration_bounds = array<i64: 5>, scalar_prefetch = 0 : i64, scratch_operands = 0 : i64, tpu.core_type = #tpu.core_type<tc>, window_params = [{transform_indices = @transform_0, window_bounds = array<i64: 2, 2000, 128>}, {transform_indices = @transform_1, window_bounds = array<i64: 2000, 128>}, {transform_indices = @transform_2, window_bounds = array<i64: 2000, 128>}, {pipeline_mode = #tpu.pipeline_mode<synchronous>, transform_indices = @transform_3, window_bounds = array<i64: 128, 128>}, {transform_indices = @transform_4, window_bounds = array<i64: 2000, 128>}, {transform_indices = @transform_5, window_bounds = array<i64: 2000, 128>}, {transform_indices = @transform_6, window_bounds = array<i64: 2000, 128>}]} {
    %iota3A = tpu.iota {dimensions = array<i32: 1>} : vector<2000x128xi32>
    %eq3A = arith.constant 0 : i32
    %eq3A_0 = vector.broadcast %eq3A : i32 to vector<2000x128xi32>
    %eq3A_1 = arith.cmpi eq, %iota3A, %eq3A_0 : vector<2000x128xi32>
    %get3A = arith.constant 0 : index
    %get3A_2 = arith.constant 0 : index
    %get3A_3 = arith.constant 0 : index
    %get3A_4 = vector.load %arg1[%get3A, %get3A_2, %get3A_3] : memref<2x2000x128xf32, #tpu.memory_space<vmem>>, vector<2x2000x128xf32>
    %slice3A = vector.extract_strided_slice %get3A_4 {offsets = [0, 0, 0], sizes = [1, 2000, 128], strides = [1, 1, 1]} : vector<2x2000x128xf32> to vector<1x2000x128xf32>
    %squeeze3A = vector.shape_cast %slice3A : vector<1x2000x128xf32> to vector<2000x128xf32>
    %slice3A_5 = vector.extract_strided_slice %get3A_4 {offsets = [1, 0, 0], sizes = [1, 2000, 128], strides = [1, 1, 1]} : vector<2x2000x128xf32> to vector<1x2000x128xf32>
    %squeeze3A_6 = vector.shape_cast %slice3A_5 : vector<1x2000x128xf32> to vector<2000x128xf32>
    %add3A = arith.addf %squeeze3A, %squeeze3A_6 : vector<2000x128xf32>
    %slice3A_7 = vector.extract_strided_slice %add3A {offsets = [0, 0], sizes = [2000, 1], strides = [1, 1]} : vector<2000x128xf32> to vector<2000x1xf32>
    %gt3A = arith.constant 5.000000e-01 : f32
    %gt3A_8 = vector.broadcast %gt3A : f32 to vector<2000x1xf32>
    %gt3A_9 = arith.cmpf ogt, %slice3A_7, %gt3A_8 : vector<2000x1xf32>
    %mul3A = arith.mulf %add3A, %add3A : vector<2000x128xf32>
    %neg3A = arith.constant 0.000000e+00 : f32
    %neg3A_10 = vector.broadcast %neg3A : f32 to vector<2000x128xf32>
    %neg3A_11 = arith.subf %neg3A_10, %mul3A : vector<2000x128xf32>
    %select_n3A = arith.select %eq3A_1, %neg3A_11, %mul3A : vector<2000x128xi1>, vector<2000x128xf32>
    %reduce_sum3A = arith.constant dense<0.000000e+00> : vector<2000xf32>
    %reduce_sum3A_12 = vector.multi_reduction <add>, %select_n3A, %reduce_sum3A [1] : vector<2000x128xf32> to vector<2000xf32>
    %broadcast_in_dim3A = vector.shape_cast %reduce_sum3A_12 : vector<2000xf32> to vector<2000x1xf32>
    %neg3A_13 = arith.constant 0.000000e+00 : f32
    %neg3A_14 = vector.broadcast %neg3A_13 : f32 to vector<2000x1xf32>
    %neg3A_15 = arith.subf %neg3A_14, %broadcast_in_dim3A : vector<2000x1xf32>
    %jit3A = arith.constant 9.99999997E-7 : f32
    %max3A = vector.broadcast %jit3A : f32 to vector<2000x1xf32>
    %max3A_16 = arith.maximumf %max3A, %neg3A_15 : vector<2000x1xf32>
    %sqrt3A = math.sqrt %max3A_16 : vector<2000x1xf32>
    %div3A = vector.broadcast %sqrt3A : vector<2000x1xf32> to vector<2000x128xf32>
    %div3A_17 = arith.divf %add3A, %div3A : vector<2000x128xf32>
    %get3A_18 = arith.constant 0 : index
    %get3A_19 = arith.constant 0 : index
    %get3A_20 = vector.load %arg2[%get3A_18, %get3A_19] : memref<2000x128xf32, #tpu.memory_space<vmem>>, vector<2000x128xf32>
    %broadcast_in_dim3A_21 = vector.shape_cast %gt3A_9 : vector<2000x1xi1> to vector<2000x1xi1>
    %broadcast_in_dim3A_22 = vector.broadcast %broadcast_in_dim3A_21 : vector<2000x1xi1> to vector<2000x128xi1>
    %select_n3A_23 = arith.select %broadcast_in_dim3A_22, %div3A_17, %get3A_20 : vector<2000x128xi1>, vector<2000x128xf32>
    %get3A_24 = arith.constant 0 : index
    %get3A_25 = arith.constant 0 : index
    %get3A_26 = vector.load %arg3[%get3A_24, %get3A_25] : memref<2000x128xf32, #tpu.memory_space<vmem>>, vector<2000x128xf32>
    %broadcast_in_dim3A_27 = vector.shape_cast %gt3A_9 : vector<2000x1xi1> to vector<2000x1xi1>
    %broadcast_in_dim3A_28 = vector.broadcast %broadcast_in_dim3A_27 : vector<2000x1xi1> to vector<2000x128xi1>
    %select_n3A_29 = arith.select %broadcast_in_dim3A_28, %div3A_17, %get3A_26 : vector<2000x128xi1>, vector<2000x128xf32>
    %swap3A = arith.constant 0 : index
    %swap3A_30 = arith.constant 0 : index
    %swap3A_31 = vector.load %arg5[%swap3A, %swap3A_30] : memref<2000x128xf32, #tpu.memory_space<vmem>>, vector<2000x128xf32>
    tpu.vector_store %arg5[%swap3A, %swap3A_30], %select_n3A_23 {strides = array<i32>} : memref<2000x128xf32, #tpu.memory_space<vmem>>, vector<2000x128xf32>,
    %broadcast_in_dim3A_32 = vector.shape_cast %gt3A_9 : vector<2000x1xi1> to vector<2000x1xi1>
    %broadcast_in_dim3A_33 = vector.broadcast %broadcast_in_dim3A_32 : vector<2000x1xi1> to vector<2000x128xi1>
    %jit3A_34 = arith.constant 1.000000e+00 : f32
    %jit3A_35 = arith.constant 0.000000e+00 : f32
    %broadcast_in_dim3A_36 = vector.broadcast %jit3A_34 : f32 to vector<2000x128xf32>
    %broadcast_in_dim3A_37 = vector.broadcast %jit3A_35 : f32 to vector<2000x128xf32>
    %select_n3A_38 = arith.select %broadcast_in_dim3A_33, %broadcast_in_dim3A_36, %broadcast_in_dim3A_37 : vector<2000x128xi1>, vector<2000x128xf32>
    %swap3A_39 = arith.constant 0 : index
    %swap3A_40 = arith.constant 0 : index
    %swap3A_41 = vector.load %arg6[%swap3A_39, %swap3A_40] : memref<2000x128xf32, #tpu.memory_space<vmem>>, vector<2000x128xf32>
    tpu.vector_store %arg6[%swap3A_39, %swap3A_40], %select_n3A_38 {strides = array<i32>} : memref<2000x128xf32, #tpu.memory_space<vmem>>, vector<2000x128xf32>,
    %get3A_42 = arith.constant 0 : index
    %get3A_43 = arith.constant 0 : index
    %get3A_44 = vector.load %arg4[%get3A_42, %get3A_43] : memref<128x128xf32, #tpu.memory_space<vmem>>, vector<128x128xf32>
    %dot_general3A = arith.constant dense<0.000000e+00> : vector<2000x128xf32>
    %dot_general3A_45 = tpu.matmul %select_n3A_29, %get3A_44, %dot_general3A {dimension_numbers = #tpu.dot_dimension_numbers<[1], [1], [0], [0], [0, 0, 1, 0], [], []>, precision = #tpu.contract_precision<fp32>, transpose_lhs_hint = false} : vector<2000x128xf32>, vector<128x128xf32>, vector<2000x128xf32> -> vector<2000x128xf32>
    %mul3A_46 = arith.mulf %dot_general3A_45, %dot_general3A_45 : vector<2000x128xf32>
    %jit3A_47 = arith.constant 0.000000e+00 : f32
    %broadcast_in_dim3A_48 = vector.broadcast %jit3A_47 : f32 to vector<2000x128xf32>
    %select_n3A_49 = arith.select %eq3A_1, %broadcast_in_dim3A_48, %mul3A_46 : vector<2000x128xi1>, vector<2000x128xf32>
    %reduce_sum3A_50 = arith.constant dense<0.000000e+00> : vector<2000xf32>
    %reduce_sum3A_51 = vector.multi_reduction <add>, %select_n3A_49, %reduce_sum3A_50 [1] : vector<2000x128xf32> to vector<2000xf32>
    %broadcast_in_dim3A_52 = vector.shape_cast %reduce_sum3A_51 : vector<2000xf32> to vector<2000x1xf32>
    %add3A_53 = arith.constant 1.000000e+00 : f32
    %add3A_54 = vector.broadcast %add3A_53 : f32 to vector<2000x1xf32>
    %add3A_55 = arith.addf %add3A_54, %broadcast_in_dim3A_52 : vector<2000x1xf32>
    %sqrt3A_56 = math.sqrt %add3A_55 : vector<2000x1xf32>
    %broadcast_in_dim3A_57 = vector.shape_cast %sqrt3A_56 : vector<2000x1xf32> to vector<2000x1xf32>
    %broadcast_in_dim3A_58 = vector.broadcast %broadcast_in_dim3A_57 : vector<2000x1xf32> to vector<2000x128xf32>
    %select_n3A_59 = arith.select %eq3A_1, %broadcast_in_dim3A_58, %dot_general3A_45 : vector<2000x128xi1>, vector<2000x128xf32>
    %swap3A_60 = arith.constant 0 : index
    %swap3A_61 = arith.constant 0 : index
    %swap3A_62 = vector.load %arg7[%swap3A_60, %swap3A_61] : memref<2000x128xf32, #tpu.memory_space<vmem>>, vector<2000x128xf32>
    tpu.vector_store %arg7[%swap3A_60, %swap3A_61], %select_n3A_59 {strides = array<i32>} : memref<2000x128xf32, #tpu.memory_space<vmem>>, vector<2000x128xf32>,
    return
  }
  func.func @transform_0(%arg0: i32) -> (i32, i32, i32) {
    %c0_i32 = arith.constant 0 : i32
    %c0_i32_0 = arith.constant 0 : i32
    %c0_i32_1 = arith.constant 0 : i32
    return %c0_i32, %arg0, %c0_i32_0 : i32, i32, i32
  }
  func.func @transform_1(%arg0: i32) -> (i32, i32) {
    %c0_i32 = arith.constant 0 : i32
    %c0_i32_0 = arith.constant 0 : i32
    return %arg0, %c0_i32 : i32, i32
  }
  func.func @transform_2(%arg0: i32) -> (i32, i32) {
    %c0_i32 = arith.constant 0 : i32
    %c0_i32_0 = arith.constant 0 : i32
    return %arg0, %c0_i32 : i32, i32
  }
  func.func @transform_3(%arg0: i32) -> (i32, i32) {
    %c0_i32 = arith.constant 0 : i32
    %c0_i32_0 = arith.constant 0 : i32
    %c0_i32_1 = arith.constant 0 : i32
    return %c0_i32, %c0_i32_0 : i32, i32
  }
  func.func @transform_4(%arg0: i32) -> (i32, i32) {
    %c0_i32 = arith.constant 0 : i32
    %c0_i32_0 = arith.constant 0 : i32
    return %arg0, %c0_i32 : i32, i32
  }
  func.func @transform_5(%arg0: i32) -> (i32, i32) {
    %c0_i32 = arith.constant 0 : i32
    %c0_i32_0 = arith.constant 0 : i32
    return %arg0, %c0_i32 : i32, i32
  }
  func.func @transform_6(%arg0: i32) -> (i32, i32) {
    %c0_i32 = arith.constant 0 : i32
    %c0_i32_0 = arith.constant 0 : i32
    return %arg0, %c0_i32 : i32, i32
  }
}

module attributes {stable_mosaic.version = 14 : i64} {
  func.func @_tc_qkv_body(%arg0: i32, %arg1: memref<2000x128xf32, #tpu.memory_space<vmem>>, %arg2: memref<128x128xf32, #tpu.memory_space<vmem>>, %arg3: memref<128x128xf32, #tpu.memory_space<vmem>>, %arg4: memref<128x128xf32, #tpu.memory_space<vmem>>, %arg5: memref<2000x128xf32, #tpu.memory_space<vmem>>, %arg6: memref<2000x128xf32, #tpu.memory_space<vmem>>, %arg7: memref<2000x128xf32, #tpu.memory_space<vmem>>) attributes {dimension_semantics = [#tpu.dimension_semantics<arbitrary>], iteration_bounds = array<i64: 5>, scalar_prefetch = 0 : i64, scratch_operands = 0 : i64, tpu.core_type = #tpu.core_type<tc>, window_params = [{transform_indices = @transform_0, window_bounds = array<i64: 2000, 128>}, {pipeline_mode = #tpu.pipeline_mode<synchronous>, transform_indices = @transform_1, window_bounds = array<i64: 128, 128>}, {pipeline_mode = #tpu.pipeline_mode<synchronous>, transform_indices = @transform_2, window_bounds = array<i64: 128, 128>}, {pipeline_mode = #tpu.pipeline_mode<synchronous>, transform_indices = @transform_3, window_bounds = array<i64: 128, 128>}, {transform_indices = @transform_4, window_bounds = array<i64: 2000, 128>}, {transform_indices = @transform_5, window_bounds = array<i64: 2000, 128>}, {transform_indices = @transform_6, window_bounds = array<i64: 2000, 128>}]} {
    %iota3A = tpu.iota {dimensions = array<i32: 1>} : vector<2000x128xi32>
    %eq3A = arith.constant 0 : i32
    %eq3A_0 = vector.broadcast %eq3A : i32 to vector<2000x128xi32>
    %eq3A_1 = arith.cmpi eq, %iota3A, %eq3A_0 : vector<2000x128xi32>
    %get3A = arith.constant 0 : index
    %get3A_2 = arith.constant 0 : index
    %get3A_3 = vector.load %arg1[%get3A, %get3A_2] : memref<2000x128xf32, #tpu.memory_space<vmem>>, vector<2000x128xf32>
    %get3A_4 = arith.constant 0 : index
    %get3A_5 = arith.constant 0 : index
    %get3A_6 = vector.load %arg2[%get3A_4, %get3A_5] : memref<128x128xf32, #tpu.memory_space<vmem>>, vector<128x128xf32>
    %dot_general3A = arith.constant dense<0.000000e+00> : vector<2000x128xf32>
    %dot_general3A_7 = tpu.matmul %get3A_3, %get3A_6, %dot_general3A {dimension_numbers = #tpu.dot_dimension_numbers<[1], [1], [0], [0], [0, 0, 1, 0], [], []>, precision = #tpu.contract_precision<fp32>, transpose_lhs_hint = false} : vector<2000x128xf32>, vector<128x128xf32>, vector<2000x128xf32> -> vector<2000x128xf32>
    %mul3A = arith.mulf %dot_general3A_7, %dot_general3A_7 : vector<2000x128xf32>
    %jit3A = arith.constant 0.000000e+00 : f32
    %broadcast_in_dim3A = vector.broadcast %jit3A : f32 to vector<2000x128xf32>
    %select_n3A = arith.select %eq3A_1, %broadcast_in_dim3A, %mul3A : vector<2000x128xi1>, vector<2000x128xf32>
    %reduce_sum3A = arith.constant dense<0.000000e+00> : vector<2000xf32>
    %reduce_sum3A_8 = vector.multi_reduction <add>, %select_n3A, %reduce_sum3A [1] : vector<2000x128xf32> to vector<2000xf32>
    %broadcast_in_dim3A_9 = vector.shape_cast %reduce_sum3A_8 : vector<2000xf32> to vector<2000x1xf32>
    %add3A = arith.constant 1.000000e+00 : f32
    %add3A_10 = vector.broadcast %add3A : f32 to vector<2000x1xf32>
    %add3A_11 = arith.addf %add3A_10, %broadcast_in_dim3A_9 : vector<2000x1xf32>
    %sqrt3A = math.sqrt %add3A_11 : vector<2000x1xf32>
    %broadcast_in_dim3A_12 = vector.shape_cast %sqrt3A : vector<2000x1xf32> to vector<2000x1xf32>
    %broadcast_in_dim3A_13 = vector.broadcast %broadcast_in_dim3A_12 : vector<2000x1xf32> to vector<2000x128xf32>
    %select_n3A_14 = arith.select %eq3A_1, %broadcast_in_dim3A_13, %dot_general3A_7 : vector<2000x128xi1>, vector<2000x128xf32>
    %swap3A = arith.constant 0 : index
    %swap3A_15 = arith.constant 0 : index
    %swap3A_16 = vector.load %arg5[%swap3A, %swap3A_15] : memref<2000x128xf32, #tpu.memory_space<vmem>>, vector<2000x128xf32>
    tpu.vector_store %arg5[%swap3A, %swap3A_15], %select_n3A_14 {strides = array<i32>} : memref<2000x128xf32, #tpu.memory_space<vmem>>, vector<2000x128xf32>,
    %get3A_17 = arith.constant 0 : index
    %get3A_18 = arith.constant 0 : index
    %get3A_19 = vector.load %arg3[%get3A_17, %get3A_18] : memref<128x128xf32, #tpu.memory_space<vmem>>, vector<128x128xf32>
    %dot_general3A_20 = arith.constant dense<0.000000e+00> : vector<2000x128xf32>
    %dot_general3A_21 = tpu.matmul %get3A_3, %get3A_19, %dot_general3A_20 {dimension_numbers = #tpu.dot_dimension_numbers<[1], [1], [0], [0], [0, 0, 1, 0], [], []>, precision = #tpu.contract_precision<fp32>, transpose_lhs_hint = false} : vector<2000x128xf32>, vector<128x128xf32>, vector<2000x128xf32> -> vector<2000x128xf32>
    %mul3A_22 = arith.mulf %dot_general3A_21, %dot_general3A_21 : vector<2000x128xf32>
    %jit3A_23 = arith.constant 0.000000e+00 : f32
    %broadcast_in_dim3A_24 = vector.broadcast %jit3A_23 : f32 to vector<2000x128xf32>
    %select_n3A_25 = arith.select %eq3A_1, %broadcast_in_dim3A_24, %mul3A_22 : vector<2000x128xi1>, vector<2000x128xf32>
    %reduce_sum3A_26 = arith.constant dense<0.000000e+00> : vector<2000xf32>
    %reduce_sum3A_27 = vector.multi_reduction <add>, %select_n3A_25, %reduce_sum3A_26 [1] : vector<2000x128xf32> to vector<2000xf32>
    %broadcast_in_dim3A_28 = vector.shape_cast %reduce_sum3A_27 : vector<2000xf32> to vector<2000x1xf32>
    %add3A_29 = arith.constant 1.000000e+00 : f32
    %add3A_30 = vector.broadcast %add3A_29 : f32 to vector<2000x1xf32>
    %add3A_31 = arith.addf %add3A_30, %broadcast_in_dim3A_28 : vector<2000x1xf32>
    %sqrt3A_32 = math.sqrt %add3A_31 : vector<2000x1xf32>
    %broadcast_in_dim3A_33 = vector.shape_cast %sqrt3A_32 : vector<2000x1xf32> to vector<2000x1xf32>
    %broadcast_in_dim3A_34 = vector.broadcast %broadcast_in_dim3A_33 : vector<2000x1xf32> to vector<2000x128xf32>
    %select_n3A_35 = arith.select %eq3A_1, %broadcast_in_dim3A_34, %dot_general3A_21 : vector<2000x128xi1>, vector<2000x128xf32>
    %swap3A_36 = arith.constant 0 : index
    %swap3A_37 = arith.constant 0 : index
    %swap3A_38 = vector.load %arg6[%swap3A_36, %swap3A_37] : memref<2000x128xf32, #tpu.memory_space<vmem>>, vector<2000x128xf32>
    tpu.vector_store %arg6[%swap3A_36, %swap3A_37], %select_n3A_35 {strides = array<i32>} : memref<2000x128xf32, #tpu.memory_space<vmem>>, vector<2000x128xf32>,
    %get3A_39 = arith.constant 0 : index
    %get3A_40 = arith.constant 0 : index
    %get3A_41 = vector.load %arg4[%get3A_39, %get3A_40] : memref<128x128xf32, #tpu.memory_space<vmem>>, vector<128x128xf32>
    %dot_general3A_42 = arith.constant dense<0.000000e+00> : vector<2000x128xf32>
    %dot_general3A_43 = tpu.matmul %get3A_3, %get3A_41, %dot_general3A_42 {dimension_numbers = #tpu.dot_dimension_numbers<[1], [1], [0], [0], [0, 0, 1, 0], [], []>, precision = #tpu.contract_precision<fp32>, transpose_lhs_hint = false} : vector<2000x128xf32>, vector<128x128xf32>, vector<2000x128xf32> -> vector<2000x128xf32>
    %mul3A_44 = arith.mulf %dot_general3A_43, %dot_general3A_43 : vector<2000x128xf32>
    %jit3A_45 = arith.constant 0.000000e+00 : f32
    %broadcast_in_dim3A_46 = vector.broadcast %jit3A_45 : f32 to vector<2000x128xf32>
    %select_n3A_47 = arith.select %eq3A_1, %broadcast_in_dim3A_46, %mul3A_44 : vector<2000x128xi1>, vector<2000x128xf32>
    %reduce_sum3A_48 = arith.constant dense<0.000000e+00> : vector<2000xf32>
    %reduce_sum3A_49 = vector.multi_reduction <add>, %select_n3A_47, %reduce_sum3A_48 [1] : vector<2000x128xf32> to vector<2000xf32>
    %broadcast_in_dim3A_50 = vector.shape_cast %reduce_sum3A_49 : vector<2000xf32> to vector<2000x1xf32>
    %add3A_51 = arith.constant 1.000000e+00 : f32
    %add3A_52 = vector.broadcast %add3A_51 : f32 to vector<2000x1xf32>
    %add3A_53 = arith.addf %add3A_52, %broadcast_in_dim3A_50 : vector<2000x1xf32>
    %sqrt3A_54 = math.sqrt %add3A_53 : vector<2000x1xf32>
    %broadcast_in_dim3A_55 = vector.shape_cast %sqrt3A_54 : vector<2000x1xf32> to vector<2000x1xf32>
    %broadcast_in_dim3A_56 = vector.broadcast %broadcast_in_dim3A_55 : vector<2000x1xf32> to vector<2000x128xf32>
    %select_n3A_57 = arith.select %eq3A_1, %broadcast_in_dim3A_56, %dot_general3A_43 : vector<2000x128xi1>, vector<2000x128xf32>
    %swap3A_58 = arith.constant 0 : index
    %swap3A_59 = arith.constant 0 : index
    %swap3A_60 = vector.load %arg7[%swap3A_58, %swap3A_59] : memref<2000x128xf32, #tpu.memory_space<vmem>>, vector<2000x128xf32>
    tpu.vector_store %arg7[%swap3A_58, %swap3A_59], %select_n3A_57 {strides = array<i32>} : memref<2000x128xf32, #tpu.memory_space<vmem>>, vector<2000x128xf32>,
    return
  }
  func.func @transform_0(%arg0: i32) -> (i32, i32) {
    %c0_i32 = arith.constant 0 : i32
    %c0_i32_0 = arith.constant 0 : i32
    return %arg0, %c0_i32 : i32, i32
  }
  func.func @transform_1(%arg0: i32) -> (i32, i32) {
    %c0_i32 = arith.constant 0 : i32
    %c0_i32_0 = arith.constant 0 : i32
    %c0_i32_1 = arith.constant 0 : i32
    return %c0_i32, %c0_i32_0 : i32, i32
  }
  func.func @transform_2(%arg0: i32) -> (i32, i32) {
    %c0_i32 = arith.constant 0 : i32
    %c0_i32_0 = arith.constant 0 : i32
    %c0_i32_1 = arith.constant 0 : i32
    return %c0_i32, %c0_i32_0 : i32, i32
  }
  func.func @transform_3(%arg0: i32) -> (i32, i32) {
    %c0_i32 = arith.constant 0 : i32
    %c0_i32_0 = arith.constant 0 : i32
    %c0_i32_1 = arith.constant 0 : i32
    return %c0_i32, %c0_i32_0 : i32, i32
  }
  func.func @transform_4(%arg0: i32) -> (i32, i32) {
    %c0_i32 = arith.constant 0 : i32
    %c0_i32_0 = arith.constant 0 : i32
    return %arg0, %c0_i32 : i32, i32
  }
  func.func @transform_5(%arg0: i32) -> (i32, i32) {
    %c0_i32 = arith.constant 0 : i32
    %c0_i32_0 = arith.constant 0 : i32
    return %arg0, %c0_i32 : i32, i32
  }
  func.func @transform_6(%arg0: i32) -> (i32, i32) {
    %c0_i32 = arith.constant 0 : i32
    %c0_i32_0 = arith.constant 0 : i32
    return %arg0, %c0_i32 : i32, i32
  }
}

module attributes {stable_mosaic.version = 14 : i64} {
  func.func @_tc_kv_body(%arg0: i32, %arg1: memref<2000x128xf32, #tpu.memory_space<vmem>>, %arg2: memref<128x128xf32, #tpu.memory_space<vmem>>, %arg3: memref<128x128xf32, #tpu.memory_space<vmem>>, %arg4: memref<2000x128xf32, #tpu.memory_space<vmem>>, %arg5: memref<2000x128xf32, #tpu.memory_space<vmem>>) attributes {dimension_semantics = [#tpu.dimension_semantics<arbitrary>], iteration_bounds = array<i64: 5>, scalar_prefetch = 0 : i64, scratch_operands = 0 : i64, tpu.core_type = #tpu.core_type<tc>, window_params = [{transform_indices = @transform_0, window_bounds = array<i64: 2000, 128>}, {pipeline_mode = #tpu.pipeline_mode<synchronous>, transform_indices = @transform_1, window_bounds = array<i64: 128, 128>}, {pipeline_mode = #tpu.pipeline_mode<synchronous>, transform_indices = @transform_2, window_bounds = array<i64: 128, 128>}, {transform_indices = @transform_3, window_bounds = array<i64: 2000, 128>}, {transform_indices = @transform_4, window_bounds = array<i64: 2000, 128>}]} {
    %iota3A = tpu.iota {dimensions = array<i32: 1>} : vector<2000x128xi32>
    %eq3A = arith.constant 0 : i32
    %eq3A_0 = vector.broadcast %eq3A : i32 to vector<2000x128xi32>
    %eq3A_1 = arith.cmpi eq, %iota3A, %eq3A_0 : vector<2000x128xi32>
    %get3A = arith.constant 0 : index
    %get3A_2 = arith.constant 0 : index
    %get3A_3 = vector.load %arg1[%get3A, %get3A_2] : memref<2000x128xf32, #tpu.memory_space<vmem>>, vector<2000x128xf32>
    %get3A_4 = arith.constant 0 : index
    %get3A_5 = arith.constant 0 : index
    %get3A_6 = vector.load %arg2[%get3A_4, %get3A_5] : memref<128x128xf32, #tpu.memory_space<vmem>>, vector<128x128xf32>
    %dot_general3A = arith.constant dense<0.000000e+00> : vector<2000x128xf32>
    %dot_general3A_7 = tpu.matmul %get3A_3, %get3A_6, %dot_general3A {dimension_numbers = #tpu.dot_dimension_numbers<[1], [1], [0], [0], [0, 0, 1, 0], [], []>, precision = #tpu.contract_precision<fp32>, transpose_lhs_hint = false} : vector<2000x128xf32>, vector<128x128xf32>, vector<2000x128xf32> -> vector<2000x128xf32>
    %mul3A = arith.mulf %dot_general3A_7, %dot_general3A_7 : vector<2000x128xf32>
    %jit3A = arith.constant 0.000000e+00 : f32
    %broadcast_in_dim3A = vector.broadcast %jit3A : f32 to vector<2000x128xf32>
    %select_n3A = arith.select %eq3A_1, %broadcast_in_dim3A, %mul3A : vector<2000x128xi1>, vector<2000x128xf32>
    %reduce_sum3A = arith.constant dense<0.000000e+00> : vector<2000xf32>
    %reduce_sum3A_8 = vector.multi_reduction <add>, %select_n3A, %reduce_sum3A [1] : vector<2000x128xf32> to vector<2000xf32>
    %broadcast_in_dim3A_9 = vector.shape_cast %reduce_sum3A_8 : vector<2000xf32> to vector<2000x1xf32>
    %add3A = arith.constant 1.000000e+00 : f32
    %add3A_10 = vector.broadcast %add3A : f32 to vector<2000x1xf32>
    %add3A_11 = arith.addf %add3A_10, %broadcast_in_dim3A_9 : vector<2000x1xf32>
    %sqrt3A = math.sqrt %add3A_11 : vector<2000x1xf32>
    %broadcast_in_dim3A_12 = vector.shape_cast %sqrt3A : vector<2000x1xf32> to vector<2000x1xf32>
    %broadcast_in_dim3A_13 = vector.broadcast %broadcast_in_dim3A_12 : vector<2000x1xf32> to vector<2000x128xf32>
    %select_n3A_14 = arith.select %eq3A_1, %broadcast_in_dim3A_13, %dot_general3A_7 : vector<2000x128xi1>, vector<2000x128xf32>
    %swap3A = arith.constant 0 : index
    %swap3A_15 = arith.constant 0 : index
    %swap3A_16 = vector.load %arg4[%swap3A, %swap3A_15] : memref<2000x128xf32, #tpu.memory_space<vmem>>, vector<2000x128xf32>
    tpu.vector_store %arg4[%swap3A, %swap3A_15], %select_n3A_14 {strides = array<i32>} : memref<2000x128xf32, #tpu.memory_space<vmem>>, vector<2000x128xf32>,
    %get3A_17 = arith.constant 0 : index
    %get3A_18 = arith.constant 0 : index
    %get3A_19 = vector.load %arg3[%get3A_17, %get3A_18] : memref<128x128xf32, #tpu.memory_space<vmem>>, vector<128x128xf32>
    %dot_general3A_20 = arith.constant dense<0.000000e+00> : vector<2000x128xf32>
    %dot_general3A_21 = tpu.matmul %get3A_3, %get3A_19, %dot_general3A_20 {dimension_numbers = #tpu.dot_dimension_numbers<[1], [1], [0], [0], [0, 0, 1, 0], [], []>, precision = #tpu.contract_precision<fp32>, transpose_lhs_hint = false} : vector<2000x128xf32>, vector<128x128xf32>, vector<2000x128xf32> -> vector<2000x128xf32>
    %mul3A_22 = arith.mulf %dot_general3A_21, %dot_general3A_21 : vector<2000x128xf32>
    %jit3A_23 = arith.constant 0.000000e+00 : f32
    %broadcast_in_dim3A_24 = vector.broadcast %jit3A_23 : f32 to vector<2000x128xf32>
    %select_n3A_25 = arith.select %eq3A_1, %broadcast_in_dim3A_24, %mul3A_22 : vector<2000x128xi1>, vector<2000x128xf32>
    %reduce_sum3A_26 = arith.constant dense<0.000000e+00> : vector<2000xf32>
    %reduce_sum3A_27 = vector.multi_reduction <add>, %select_n3A_25, %reduce_sum3A_26 [1] : vector<2000x128xf32> to vector<2000xf32>
    %broadcast_in_dim3A_28 = vector.shape_cast %reduce_sum3A_27 : vector<2000xf32> to vector<2000x1xf32>
    %add3A_29 = arith.constant 1.000000e+00 : f32
    %add3A_30 = vector.broadcast %add3A_29 : f32 to vector<2000x1xf32>
    %add3A_31 = arith.addf %add3A_30, %broadcast_in_dim3A_28 : vector<2000x1xf32>
    %sqrt3A_32 = math.sqrt %add3A_31 : vector<2000x1xf32>
    %broadcast_in_dim3A_33 = vector.shape_cast %sqrt3A_32 : vector<2000x1xf32> to vector<2000x1xf32>
    %broadcast_in_dim3A_34 = vector.broadcast %broadcast_in_dim3A_33 : vector<2000x1xf32> to vector<2000x128xf32>
    %select_n3A_35 = arith.select %eq3A_1, %broadcast_in_dim3A_34, %dot_general3A_21 : vector<2000x128xi1>, vector<2000x128xf32>
    %swap3A_36 = arith.constant 0 : index
    %swap3A_37 = arith.constant 0 : index
    %swap3A_38 = vector.load %arg5[%swap3A_36, %swap3A_37] : memref<2000x128xf32, #tpu.memory_space<vmem>>, vector<2000x128xf32>
    tpu.vector_store %arg5[%swap3A_36, %swap3A_37], %select_n3A_35 {strides = array<i32>} : memref<2000x128xf32, #tpu.memory_space<vmem>>, vector<2000x128xf32>,
    return
  }
  func.func @transform_0(%arg0: i32) -> (i32, i32) {
    %c0_i32 = arith.constant 0 : i32
    %c0_i32_0 = arith.constant 0 : i32
    return %arg0, %c0_i32 : i32, i32
  }
  func.func @transform_1(%arg0: i32) -> (i32, i32) {
    %c0_i32 = arith.constant 0 : i32
    %c0_i32_0 = arith.constant 0 : i32
    %c0_i32_1 = arith.constant 0 : i32
    return %c0_i32, %c0_i32_0 : i32, i32
  }
  func.func @transform_2(%arg0: i32) -> (i32, i32) {
    %c0_i32 = arith.constant 0 : i32
    %c0_i32_0 = arith.constant 0 : i32
    %c0_i32_1 = arith.constant 0 : i32
    return %c0_i32, %c0_i32_0 : i32, i32
  }
  func.func @transform_3(%arg0: i32) -> (i32, i32) {
    %c0_i32 = arith.constant 0 : i32
    %c0_i32_0 = arith.constant 0 : i32
    return %arg0, %c0_i32 : i32, i32
  }
  func.func @transform_4(%arg0: i32) -> (i32, i32) {
    %c0_i32 = arith.constant 0 : i32
    %c0_i32_0 = arith.constant 0 : i32
    return %arg0, %c0_i32 : i32, i32
  }
}

module attributes {stable_mosaic.version = 14 : i64} {
  func.func @_tc_c_body(%arg0: i32, %arg1: memref<2x2000x128xf32, #tpu.memory_space<vmem>>, %arg2: memref<2000x128xf32, #tpu.memory_space<vmem>>, %arg3: memref<2000x128xf32, #tpu.memory_space<vmem>>, %arg4: memref<2000x128xf32, #tpu.memory_space<vmem>>, %arg5: memref<2000x128xf32, #tpu.memory_space<vmem>>, %arg6: memref<2000x128xf32, #tpu.memory_space<vmem>>, %arg7: memref<2000x128xf32, #tpu.memory_space<vmem>>, %arg8: memref<2000x128xf32, #tpu.memory_space<vmem>>, %arg9: memref<128x128xf32, #tpu.memory_space<vmem>>, %arg10: memref<128x128xf32, #tpu.memory_space<vmem>>, %arg11: memref<2000x128xf32, #tpu.memory_space<vmem>>) attributes {dimension_semantics = [#tpu.dimension_semantics<arbitrary>], iteration_bounds = array<i64: 5>, scalar_prefetch = 0 : i64, scratch_operands = 0 : i64, tpu.core_type = #tpu.core_type<tc>, window_params = [{transform_indices = @transform_0, window_bounds = array<i64: 2, 2000, 128>}, {transform_indices = @transform_1, window_bounds = array<i64: 2000, 128>}, {transform_indices = @transform_2, window_bounds = array<i64: 2000, 128>}, {transform_indices = @transform_3, window_bounds = array<i64: 2000, 128>}, {transform_indices = @transform_4, window_bounds = array<i64: 2000, 128>}, {transform_indices = @transform_5, window_bounds = array<i64: 2000, 128>}, {transform_indices = @transform_6, window_bounds = array<i64: 2000, 128>}, {transform_indices = @transform_7, window_bounds = array<i64: 2000, 128>}, {pipeline_mode = #tpu.pipeline_mode<synchronous>, transform_indices = @transform_8, window_bounds = array<i64: 128, 128>}, {pipeline_mode = #tpu.pipeline_mode<synchronous>, transform_indices = @transform_9, window_bounds = array<i64: 128, 128>}, {transform_indices = @transform_10, window_bounds = array<i64: 2000, 128>}]} {
    %iota3A = tpu.iota {dimensions = array<i32: 1>} : vector<2000x128xi32>
    %eq3A = arith.constant 0 : i32
    %eq3A_0 = vector.broadcast %eq3A : i32 to vector<2000x128xi32>
    %eq3A_1 = arith.cmpi eq, %iota3A, %eq3A_0 : vector<2000x128xi32>
    %get3A = arith.constant 0 : index
    %get3A_2 = arith.constant 0 : index
    %get3A_3 = arith.constant 0 : index
    %get3A_4 = vector.load %arg1[%get3A, %get3A_2, %get3A_3] : memref<2x2000x128xf32, #tpu.memory_space<vmem>>, vector<2x2000x128xf32>
    %slice3A = vector.extract_strided_slice %get3A_4 {offsets = [0, 0, 0], sizes = [1, 2000, 128], strides = [1, 1, 1]} : vector<2x2000x128xf32> to vector<1x2000x128xf32>
    %squeeze3A = vector.shape_cast %slice3A : vector<1x2000x128xf32> to vector<2000x128xf32>
    %slice3A_5 = vector.extract_strided_slice %get3A_4 {offsets = [1, 0, 0], sizes = [1, 2000, 128], strides = [1, 1, 1]} : vector<2x2000x128xf32> to vector<1x2000x128xf32>
    %squeeze3A_6 = vector.shape_cast %slice3A_5 : vector<1x2000x128xf32> to vector<2000x128xf32>
    %add3A = arith.addf %squeeze3A, %squeeze3A_6 : vector<2000x128xf32>
    %slice3A_7 = vector.extract_strided_slice %add3A {offsets = [0, 0], sizes = [2000, 1], strides = [1, 1]} : vector<2000x128xf32> to vector<2000x1xf32>
    %gt3A = arith.constant 5.000000e-01 : f32
    %gt3A_8 = vector.broadcast %gt3A : f32 to vector<2000x1xf32>
    %gt3A_9 = arith.cmpf ogt, %slice3A_7, %gt3A_8 : vector<2000x1xf32>
    %mul3A = arith.mulf %add3A, %add3A : vector<2000x128xf32>
    %neg3A = arith.constant 0.000000e+00 : f32
    %neg3A_10 = vector.broadcast %neg3A : f32 to vector<2000x128xf32>
    %neg3A_11 = arith.subf %neg3A_10, %mul3A : vector<2000x128xf32>
    %select_n3A = arith.select %eq3A_1, %neg3A_11, %mul3A : vector<2000x128xi1>, vector<2000x128xf32>
    %reduce_sum3A = arith.constant dense<0.000000e+00> : vector<2000xf32>
    %reduce_sum3A_12 = vector.multi_reduction <add>, %select_n3A, %reduce_sum3A [1] : vector<2000x128xf32> to vector<2000xf32>
    %broadcast_in_dim3A = vector.shape_cast %reduce_sum3A_12 : vector<2000xf32> to vector<2000x1xf32>
    %neg3A_13 = arith.constant 0.000000e+00 : f32
    %neg3A_14 = vector.broadcast %neg3A_13 : f32 to vector<2000x1xf32>
    %neg3A_15 = arith.subf %neg3A_14, %broadcast_in_dim3A : vector<2000x1xf32>
    %jit3A = arith.constant 9.99999997E-7 : f32
    %max3A = vector.broadcast %jit3A : f32 to vector<2000x1xf32>
    %max3A_16 = arith.maximumf %max3A, %neg3A_15 : vector<2000x1xf32>
    %sqrt3A = math.sqrt %max3A_16 : vector<2000x1xf32>
    %div3A = vector.broadcast %sqrt3A : vector<2000x1xf32> to vector<2000x128xf32>
    %div3A_17 = arith.divf %add3A, %div3A : vector<2000x128xf32>
    %get3A_18 = arith.constant 0 : index
    %get3A_19 = arith.constant 0 : index
    %get3A_20 = vector.load %arg2[%get3A_18, %get3A_19] : memref<2000x128xf32, #tpu.memory_space<vmem>>, vector<2000x128xf32>
    %broadcast_in_dim3A_21 = vector.shape_cast %gt3A_9 : vector<2000x1xi1> to vector<2000x1xi1>
    %broadcast_in_dim3A_22 = vector.broadcast %broadcast_in_dim3A_21 : vector<2000x1xi1> to vector<2000x128xi1>
    %select_n3A_23 = arith.select %broadcast_in_dim3A_22, %div3A_17, %get3A_20 : vector<2000x128xi1>, vector<2000x128xf32>
    %get3A_24 = arith.constant 0 : index
    %get3A_25 = arith.constant 0 : index
    %get3A_26 = vector.load %arg3[%get3A_24, %get3A_25] : memref<2000x128xf32, #tpu.memory_space<vmem>>, vector<2000x128xf32>
    %slice3A_27 = vector.extract_strided_slice %get3A_26 {offsets = [0, 0], sizes = [2000, 1], strides = [1, 1]} : vector<2000x128xf32> to vector<2000x1xf32>
    %gt3A_28 = arith.constant 5.000000e-01 : f32
    %gt3A_29 = vector.broadcast %gt3A_28 : f32 to vector<2000x1xf32>
    %gt3A_30 = arith.cmpf ogt, %slice3A_27, %gt3A_29 : vector<2000x1xf32>
    %get3A_31 = arith.constant 0 : index
    %get3A_32 = arith.constant 0 : index
    %get3A_33 = vector.load %arg4[%get3A_31, %get3A_32] : memref<2000x128xf32, #tpu.memory_space<vmem>>, vector<2000x128xf32>
    %get3A_34 = arith.constant 0 : index
    %get3A_35 = arith.constant 0 : index
    %get3A_36 = vector.load %arg5[%get3A_34, %get3A_35] : memref<2000x128xf32, #tpu.memory_space<vmem>>, vector<2000x128xf32>
    %get3A_37 = arith.constant 0 : index
    %get3A_38 = arith.constant 0 : index
    %get3A_39 = vector.load %arg7[%get3A_37, %get3A_38] : memref<2000x128xf32, #tpu.memory_space<vmem>>, vector<2000x128xf32>
    %get3A_40 = arith.constant 0 : index
    %get3A_41 = arith.constant 0 : index
    %get3A_42 = vector.load %arg9[%get3A_40, %get3A_41] : memref<128x128xf32, #tpu.memory_space<vmem>>, vector<128x128xf32>
    %dot_general3A = arith.constant dense<0.000000e+00> : vector<2000x128xf32>
    %dot_general3A_43 = tpu.matmul %select_n3A_23, %get3A_42, %dot_general3A {dimension_numbers = #tpu.dot_dimension_numbers<[1], [1], [0], [0], [0, 0, 1, 0], [], []>, precision = #tpu.contract_precision<fp32>, transpose_lhs_hint = false} : vector<2000x128xf32>, vector<128x128xf32>, vector<2000x128xf32> -> vector<2000x128xf32>
    %mul3A_44 = arith.mulf %dot_general3A_43, %dot_general3A_43 : vector<2000x128xf32>
    %jit3A_45 = arith.constant 0.000000e+00 : f32
    %broadcast_in_dim3A_46 = vector.broadcast %jit3A_45 : f32 to vector<2000x128xf32>
    %select_n3A_47 = arith.select %eq3A_1, %broadcast_in_dim3A_46, %mul3A_44 : vector<2000x128xi1>, vector<2000x128xf32>
    %reduce_sum3A_48 = arith.constant dense<0.000000e+00> : vector<2000xf32>
    %reduce_sum3A_49 = vector.multi_reduction <add>, %select_n3A_47, %reduce_sum3A_48 [1] : vector<2000x128xf32> to vector<2000xf32>
    %broadcast_in_dim3A_50 = vector.shape_cast %reduce_sum3A_49 : vector<2000xf32> to vector<2000x1xf32>
    %add3A_51 = arith.constant 1.000000e+00 : f32
    %add3A_52 = vector.broadcast %add3A_51 : f32 to vector<2000x1xf32>
    %add3A_53 = arith.addf %add3A_52, %broadcast_in_dim3A_50 : vector<2000x1xf32>
    %sqrt3A_54 = math.sqrt %add3A_53 : vector<2000x1xf32>
    %broadcast_in_dim3A_55 = vector.shape_cast %sqrt3A_54 : vector<2000x1xf32> to vector<2000x1xf32>
    %broadcast_in_dim3A_56 = vector.broadcast %broadcast_in_dim3A_55 : vector<2000x1xf32> to vector<2000x128xf32>
    %select_n3A_57 = arith.select %eq3A_1, %broadcast_in_dim3A_56, %dot_general3A_43 : vector<2000x128xi1>, vector<2000x128xf32>
    %get3A_58 = arith.constant 0 : index
    %get3A_59 = arith.constant 0 : index
    %get3A_60 = vector.load %arg6[%get3A_58, %get3A_59] : memref<2000x128xf32, #tpu.memory_space<vmem>>, vector<2000x128xf32>
    %get3A_61 = arith.constant 0 : index
    %get3A_62 = arith.constant 0 : index
    %get3A_63 = vector.load %arg8[%get3A_61, %get3A_62] : memref<2000x128xf32, #tpu.memory_space<vmem>>, vector<2000x128xf32>
    %get3A_64 = arith.constant 0 : index
    %get3A_65 = arith.constant 0 : index
    %get3A_66 = vector.load %arg10[%get3A_64, %get3A_65] : memref<128x128xf32, #tpu.memory_space<vmem>>, vector<128x128xf32>
    %dot_general3A_67 = arith.constant dense<0.000000e+00> : vector<2000x128xf32>
    %dot_general3A_68 = tpu.matmul %select_n3A_23, %get3A_66, %dot_general3A_67 {dimension_numbers = #tpu.dot_dimension_numbers<[1], [1], [0], [0], [0, 0, 1, 0], [], []>, precision = #tpu.contract_precision<fp32>, transpose_lhs_hint = false} : vector<2000x128xf32>, vector<128x128xf32>, vector<2000x128xf32> -> vector<2000x128xf32>
    %mul3A_69 = arith.mulf %dot_general3A_68, %dot_general3A_68 : vector<2000x128xf32>
    %jit3A_70 = arith.constant 0.000000e+00 : f32
    %broadcast_in_dim3A_71 = vector.broadcast %jit3A_70 : f32 to vector<2000x128xf32>
    %select_n3A_72 = arith.select %eq3A_1, %broadcast_in_dim3A_71, %mul3A_69 : vector<2000x128xi1>, vector<2000x128xf32>
    %reduce_sum3A_73 = arith.constant dense<0.000000e+00> : vector<2000xf32>
    %reduce_sum3A_74 = vector.multi_reduction <add>, %select_n3A_72, %reduce_sum3A_73 [1] : vector<2000x128xf32> to vector<2000xf32>
    %broadcast_in_dim3A_75 = vector.shape_cast %reduce_sum3A_74 : vector<2000xf32> to vector<2000x1xf32>
    %add3A_76 = arith.constant 1.000000e+00 : f32
    %add3A_77 = vector.broadcast %add3A_76 : f32 to vector<2000x1xf32>
    %add3A_78 = arith.addf %add3A_77, %broadcast_in_dim3A_75 : vector<2000x1xf32>
    %sqrt3A_79 = math.sqrt %add3A_78 : vector<2000x1xf32>
    %broadcast_in_dim3A_80 = vector.shape_cast %sqrt3A_79 : vector<2000x1xf32> to vector<2000x1xf32>
    %broadcast_in_dim3A_81 = vector.broadcast %broadcast_in_dim3A_80 : vector<2000x1xf32> to vector<2000x128xf32>
    %select_n3A_82 = arith.select %eq3A_1, %broadcast_in_dim3A_81, %dot_general3A_68 : vector<2000x128xi1>, vector<2000x128xf32>
    %mul3A_83 = arith.mulf %get3A_33, %get3A_36 : vector<2000x128xf32>
    %neg3A_84 = arith.constant 0.000000e+00 : f32
    %neg3A_85 = vector.broadcast %neg3A_84 : f32 to vector<2000x128xf32>
    %neg3A_86 = arith.subf %neg3A_85, %mul3A_83 : vector<2000x128xf32>
    %select_n3A_87 = arith.select %eq3A_1, %neg3A_86, %mul3A_83 : vector<2000x128xi1>, vector<2000x128xf32>
    %reduce_sum3A_88 = arith.constant dense<0.000000e+00> : vector<2000xf32>
    %reduce_sum3A_89 = vector.multi_reduction <add>, %select_n3A_87, %reduce_sum3A_88 [1] : vector<2000x128xf32> to vector<2000xf32>
    %broadcast_in_dim3A_90 = vector.shape_cast %reduce_sum3A_89 : vector<2000xf32> to vector<2000x1xf32>
    %mul3A_91 = arith.mulf %get3A_33, %get3A_39 : vector<2000x128xf32>
    %neg3A_92 = arith.constant 0.000000e+00 : f32
    %neg3A_93 = vector.broadcast %neg3A_92 : f32 to vector<2000x128xf32>
    %neg3A_94 = arith.subf %neg3A_93, %mul3A_91 : vector<2000x128xf32>
    %select_n3A_95 = arith.select %eq3A_1, %neg3A_94, %mul3A_91 : vector<2000x128xi1>, vector<2000x128xf32>
    %reduce_sum3A_96 = arith.constant dense<0.000000e+00> : vector<2000xf32>
    %reduce_sum3A_97 = vector.multi_reduction <add>, %select_n3A_95, %reduce_sum3A_96 [1] : vector<2000x128xf32> to vector<2000xf32>
    %broadcast_in_dim3A_98 = vector.shape_cast %reduce_sum3A_97 : vector<2000xf32> to vector<2000x1xf32>
    %jit3A_99 = arith.constant -1.000000e+09 : f32
    %broadcast_in_dim3A_100 = vector.broadcast %jit3A_99 : f32 to vector<2000x1xf32>
    %select_n3A_101 = arith.select %gt3A_30, %broadcast_in_dim3A_98, %broadcast_in_dim3A_100 : vector<2000x1xi1>, vector<2000x1xf32>
    %mul3A_102 = arith.mulf %get3A_33, %select_n3A_57 : vector<2000x128xf32>
    %neg3A_103 = arith.constant 0.000000e+00 : f32
    %neg3A_104 = vector.broadcast %neg3A_103 : f32 to vector<2000x128xf32>
    %neg3A_105 = arith.subf %neg3A_104, %mul3A_102 : vector<2000x128xf32>
    %select_n3A_106 = arith.select %eq3A_1, %neg3A_105, %mul3A_102 : vector<2000x128xi1>, vector<2000x128xf32>
    %reduce_sum3A_107 = arith.constant dense<0.000000e+00> : vector<2000xf32>
    %reduce_sum3A_108 = vector.multi_reduction <add>, %select_n3A_106, %reduce_sum3A_107 [1] : vector<2000x128xf32> to vector<2000xf32>
    %broadcast_in_dim3A_109 = vector.shape_cast %reduce_sum3A_108 : vector<2000xf32> to vector<2000x1xf32>
    %jit3A_110 = arith.constant -1.000000e+09 : f32
    %broadcast_in_dim3A_111 = vector.broadcast %jit3A_110 : f32 to vector<2000x1xf32>
    %select_n3A_112 = arith.select %gt3A_9, %broadcast_in_dim3A_109, %broadcast_in_dim3A_111 : vector<2000x1xi1>, vector<2000x1xf32>
    %max3A_113 = arith.maximumf %broadcast_in_dim3A_90, %select_n3A_101 : vector<2000x1xf32>
    %max3A_114 = arith.maximumf %max3A_113, %select_n3A_112 : vector<2000x1xf32>
    %sub3A = arith.subf %broadcast_in_dim3A_90, %max3A_114 : vector<2000x1xf32>
    %exp3A = math.exp %sub3A : vector<2000x1xf32>
    %sub3A_115 = arith.subf %select_n3A_101, %max3A_114 : vector<2000x1xf32>
    %exp3A_116 = math.exp %sub3A_115 : vector<2000x1xf32>
    %sub3A_117 = arith.subf %select_n3A_112, %max3A_114 : vector<2000x1xf32>
    %exp3A_118 = math.exp %sub3A_117 : vector<2000x1xf32>
    %mul3A_119 = vector.broadcast %exp3A : vector<2000x1xf32> to vector<2000x128xf32>
    %mul3A_120 = arith.mulf %mul3A_119, %get3A_60 : vector<2000x128xf32>
    %mul3A_121 = vector.broadcast %exp3A_116 : vector<2000x1xf32> to vector<2000x128xf32>
    %mul3A_122 = arith.mulf %mul3A_121, %get3A_63 : vector<2000x128xf32>
    %add3A_123 = arith.addf %mul3A_120, %mul3A_122 : vector<2000x128xf32>
    %mul3A_124 = vector.broadcast %exp3A_118 : vector<2000x1xf32> to vector<2000x128xf32>
    %mul3A_125 = arith.mulf %mul3A_124, %select_n3A_82 : vector<2000x128xf32>
    %add3A_126 = arith.addf %add3A_123, %mul3A_125 : vector<2000x128xf32>
    %add3A_127 = arith.addf %exp3A, %exp3A_116 : vector<2000x1xf32>
    %add3A_128 = arith.addf %add3A_127, %exp3A_118 : vector<2000x1xf32>
    %div3A_129 = vector.broadcast %add3A_128 : vector<2000x1xf32> to vector<2000x128xf32>
    %div3A_130 = arith.divf %add3A_126, %div3A_129 : vector<2000x128xf32>
    %mul3A_131 = arith.mulf %div3A_130, %div3A_130 : vector<2000x128xf32>
    %neg3A_132 = arith.constant 0.000000e+00 : f32
    %neg3A_133 = vector.broadcast %neg3A_132 : f32 to vector<2000x128xf32>
    %neg3A_134 = arith.subf %neg3A_133, %mul3A_131 : vector<2000x128xf32>
    %select_n3A_135 = arith.select %eq3A_1, %neg3A_134, %mul3A_131 : vector<2000x128xi1>, vector<2000x128xf32>
    %reduce_sum3A_136 = arith.constant dense<0.000000e+00> : vector<2000xf32>
    %reduce_sum3A_137 = vector.multi_reduction <add>, %select_n3A_135, %reduce_sum3A_136 [1] : vector<2000x128xf32> to vector<2000xf32>
    %broadcast_in_dim3A_138 = vector.shape_cast %reduce_sum3A_137 : vector<2000xf32> to vector<2000x1xf32>
    %neg3A_139 = arith.constant 0.000000e+00 : f32
    %neg3A_140 = vector.broadcast %neg3A_139 : f32 to vector<2000x1xf32>
    %neg3A_141 = arith.subf %neg3A_140, %broadcast_in_dim3A_138 : vector<2000x1xf32>
    %jit3A_142 = arith.constant 9.99999997E-7 : f32
    %max3A_143 = vector.broadcast %jit3A_142 : f32 to vector<2000x1xf32>
    %max3A_144 = arith.maximumf %max3A_143, %neg3A_141 : vector<2000x1xf32>
    %sqrt3A_145 = math.sqrt %max3A_144 : vector<2000x1xf32>
    %div3A_146 = vector.broadcast %sqrt3A_145 : vector<2000x1xf32> to vector<2000x128xf32>
    %div3A_147 = arith.divf %div3A_130, %div3A_146 : vector<2000x128xf32>
    %swap3A = arith.constant 0 : index
    %swap3A_148 = arith.constant 0 : index
    %swap3A_149 = vector.load %arg11[%swap3A, %swap3A_148] : memref<2000x128xf32, #tpu.memory_space<vmem>>, vector<2000x128xf32>
    tpu.vector_store %arg11[%swap3A, %swap3A_148], %div3A_147 {strides = array<i32>} : memref<2000x128xf32, #tpu.memory_space<vmem>>, vector<2000x128xf32>,
    return
  }
  func.func @transform_0(%arg0: i32) -> (i32, i32, i32) {
    %c0_i32 = arith.constant 0 : i32
    %c0_i32_0 = arith.constant 0 : i32
    %c0_i32_1 = arith.constant 0 : i32
    return %c0_i32, %arg0, %c0_i32_0 : i32, i32, i32
  }
  func.func @transform_1(%arg0: i32) -> (i32, i32) {
    %c0_i32 = arith.constant 0 : i32
    %c0_i32_0 = arith.constant 0 : i32
    return %arg0, %c0_i32 : i32, i32
  }
  func.func @transform_2(%arg0: i32) -> (i32, i32) {
    %c0_i32 = arith.constant 0 : i32
    %c0_i32_0 = arith.constant 0 : i32
    return %arg0, %c0_i32 : i32, i32
  }
  func.func @transform_3(%arg0: i32) -> (i32, i32) {
    %c0_i32 = arith.constant 0 : i32
    %c0_i32_0 = arith.constant 0 : i32
    return %arg0, %c0_i32 : i32, i32
  }
  func.func @transform_4(%arg0: i32) -> (i32, i32) {
    %c0_i32 = arith.constant 0 : i32
    %c0_i32_0 = arith.constant 0 : i32
    return %arg0, %c0_i32 : i32, i32
  }
  func.func @transform_5(%arg0: i32) -> (i32, i32) {
    %c0_i32 = arith.constant 0 : i32
    %c0_i32_0 = arith.constant 0 : i32
    return %arg0, %c0_i32 : i32, i32
  }
  func.func @transform_6(%arg0: i32) -> (i32, i32) {
    %c0_i32 = arith.constant 0 : i32
    %c0_i32_0 = arith.constant 0 : i32
    return %arg0, %c0_i32 : i32, i32
  }
  func.func @transform_7(%arg0: i32) -> (i32, i32) {
    %c0_i32 = arith.constant 0 : i32
    %c0_i32_0 = arith.constant 0 : i32
    return %arg0, %c0_i32 : i32, i32
  }
  func.func @transform_8(%arg0: i32) -> (i32, i32) {
    %c0_i32 = arith.constant 0 : i32
    %c0_i32_0 = arith.constant 0 : i32
    %c0_i32_1 = arith.constant 0 : i32
    return %c0_i32, %c0_i32_0 : i32, i32
  }
  func.func @transform_9(%arg0: i32) -> (i32, i32) {
    %c0_i32 = arith.constant 0 : i32
    %c0_i32_0 = arith.constant 0 : i32
    %c0_i32_1 = arith.constant 0 : i32
    return %c0_i32, %c0_i32_0 : i32, i32
  }
  func.func @transform_10(%arg0: i32) -> (i32, i32) {
    %c0_i32 = arith.constant 0 : i32
    %c0_i32_0 = arith.constant 0 : i32
    return %arg0, %c0_i32 : i32, i32
  }
}

</mosaic_0001>

<sc_bundles>
// kernel: kernel.12.cloned.1.call-start
scs
__scs_entry_jumppad:
0x0: {  	(pc) =	sbr.rel $0x88, $3  }
0x1: {  	(tag) =	ssettag $0x0;
	lr =	simm.s32 $0x1  }
0x2: {  	[smem:$0x3F9A] =	sst lr;
	_ =	strace $0xD0000000  }
0x3: {  	_ = 	snop  }
0x4: {  	_ = 	snop  }
0x5: {  	_ = 	snop  }
0x6: {  	_ = 	snop  }
0x7: {  	_ = 	snop  }
__scs_overlays_trampoline_lowered:
0x8: {  	[smem:$0x3FA9] =	sst s0  }
0x9: {  	[smem:$0x3FAA] =	sst s1  }
0xa: {  	[smem:$0x3FAB] =	sst s2  }
0xb: {  	[smem:$0x3FAC] =	sst s3  }
0xc: {  	[smem:$0x3FAD] =	sst s4  }
0xd: {  	[smem:$0x3FAE] =	sst s5  }
0xe: {  	[smem:$0x3FAF] =	sst s6  }
0xf: {  	[smem:$0x3FB0] =	sst s7  }
0x10: {  	[smem:$0x3FB1] =	sst s8  }
0x11: {  	[smem:$0x3FB2] =	sst s9;
	s0 =	simm.s32 @!p0 $0x0  }
0x12: {  	s1 =	sld [smem:$0x3F98];
	s0 =	simm.s32 @p0 $0x1  }
0x13: {  	[smem:$0x3FB3] =	sst s0;
	s0 =	simm.s32 @!p1 $0x0  }
0x14: {  	s2 =	sld [smem:$0x3F97];
	s0 =	simm.s32 @p1 $0x1  }
0x15: {  	[smem:$0x3FB4] =	sst s0;
	s0 =	simm.s32 @!p2 $0x0  }
0x16: {  	s3 =	sld [smem:$0x3FDB];
	s0 =	simm.s32 @p2 $0x1  }
0x17: {  	s4 =	simm.s32 $0x1BF5;
	[smem:$0x3FB6] =	sst s0  }
0x18: {  	s0 =	sld [smem:$0x3F99];
	_ =	swait.ge [sflag:s4], $0x0  }
0x19: {  	s7 =	sld [smem:$0x3F9A]  }
0x1a: {  	s8 =	sadd.s32 $0xFFFFE003, lr  }
0x1b: {  	s9 =	sadd.s32 $0xFFFFFEF7, lr;
	s5 =	simm.s32 $0xFFFFFFFF;
	p2 =	slt.u32 s8, $0xFFFFF086  }
0x1c: {  	p1 =	slt.u32 s9, $0xF7A;
	s5 =	simm.s32 @!p2 $0x0  }
0x1d: {  	s5 =	simm.s32 @p1 $0x1;
	p0 =	seq.s32 s7, s2  }
0x1e: {  	s7 =	smul.u32 @!p0 $0xF7A, s2;
	p2 =	seq.s32 @!p0 s5, $0x0  }
0x1f: {  	s9 =	smul.u32 $0xF7A, s1;
	s8 =	simm.s32 @!p0 $0x1BF5;
	p2 =	por !p2, p0  }
0x20: {  	[sflag:s8] =	ssyncset.s32 @!p0 $0xFFFFF086;
	s6 =	sadd.s32 @!p0 s3, s7;
	s7 =	simm.s32 @!p0 $0x108  }
0x21: {  	s3 =	sadd.s32 s3, s9;
	s6 =	sadd.s32 @!p0 $0x88, s6;
	s7 =	simm.s32 @p2 $0x1082  }
0x22: {  	[simem:s7], [sflag:s8] =	dma.local @!p0 [hbm:s6], $0xF7A  }
0x23: {  	s9 =	sor.u32 $0xD0000000, s2;
	s6 =	simm.s32 $0x108;
	_ =	swait.ge @!p0 [sflag:s8], $0x0  }
0x24: {  	s3 =	sadd.s32 $0x88, s3;
	s6 =	simm.s32 @!p1 $0x1082;
	[sflag:s4] =	ssyncset.s32 $0xFFFFF086  }
0x25: {  	[simem:s6], [sflag:s4] =	dma.local [hbm:s3], $0xF7A  }
0x26: {  	[smem:$0x3F9A] =	sst s1;
	(tag) =	ssettag s2;
	_ =	strace s9  }
0x27: {  	s1 =	sld [smem:$0x3FAA]  }
0x28: {  	s2 =	sld [smem:$0x3FAB]  }
0x29: {  	s4 =	sld [smem:$0x3FAD]  }
0x2a: {  	p0 =	seq.s32 s5, $0x0;
	s5 =	sld [smem:$0x3FAE]  }
0x2b: {  	s6 =	sld [smem:$0x3FAF]  }
0x2c: {  	s7 =	sld [smem:$0x3FB0]  }
0x2d: {  	s3 =	simm.s32 $0x108;
	s8 =	sld [smem:$0x3FB1]  }
0x2e: {  	s3 =	simm.s32 @!p0 $0x1082;
	s9 =	sld [smem:$0x3FB2]  }
0x2f: {  	lr =	sadd.s32 s0, s3;
	s0 =	sld [smem:$0x3FA9]  }
0x30: {  	s3 =	sld [smem:$0x3FAC]  }
0x31: {  	[smem:$0x3FB5] =	sst s10  }
0x32: {  	s10 =	sld [smem:$0x3FB3];
	_ =	sdelay $0x3  }
0x33: {  	p0 =	seq.s32 s10, $0x1;
	s10 =	sld [smem:$0x3FB5];
	_ =	sdelay $0x3  }
0x34: {  	[smem:$0x3FB5] =	sst s10  }
0x35: {  	s10 =	sld [smem:$0x3FB4];
	_ =	sdelay $0x3  }
0x36: {  	p1 =	seq.s32 s10, $0x1;
	s10 =	sld [smem:$0x3FB5];
	_ =	sdelay $0x3  }
0x37: {  	[smem:$0x3FB5] =	sst s10  }
0x38: {  	s10 =	sld [smem:$0x3FB6]  }
0x39: {  	_ = 	snop;
	(pc) =	sbr.ind lr, $3  }
0x3a: {  	_ = 	snop  }
0x3b: {  	_ = 	snop  }
0x3c: {  	p2 =	seq.s32 s10, $0x1;
	s10 =	sld [smem:$0x3FB5]  }
0x3d: {  	_ =	shalt  }
0x3e: {  	_ =	shalt  }
0x3f: {  	_ =	shalt  }
0x40: {  	_ =	shalt  }
0x41: {  	_ =	shalt  }
0x42: {  	_ =	shalt  }
0x43: {  	_ =	shalt  }
0x44: {  	_ =	shalt  }
0x45: {  	_ =	shalt  }
0x46: {  	_ =	shalt  }
0x47: {  	_ =	shalt  }
0x48: {  	_ =	shalt  }
0x49: {  	_ =	shalt  }
0x4a: {  	_ =	shalt  }
0x4b: {  	_ =	shalt  }
0x4c: {  	_ =	shalt  }
0x4d: {  	_ =	shalt  }
0x4e: {  	_ =	shalt  }
0x4f: {  	_ =	shalt  }
0x50: {  	_ =	shalt  }
0x51: {  	_ =	shalt  }
0x52: {  	_ =	shalt  }
0x53: {  	_ =	shalt  }
0x54: {  	_ =	shalt  }
0x55: {  	_ =	shalt  }
0x56: {  	_ =	shalt  }
0x57: {  	_ =	shalt  }
0x58: {  	_ =	shalt  }
0x59: {  	_ =	shalt  }
0x5a: {  	_ =	shalt  }
0x5b: {  	_ =	shalt  }
0x5c: {  	_ =	shalt  }
0x5d: {  	_ =	shalt  }
0x5e: {  	_ =	shalt  }
0x5f: {  	_ =	shalt  }
0x60: {  	_ =	shalt  }
0x61: {  	_ =	shalt  }
0x62: {  	_ =	shalt  }
0x63: {  	_ =	shalt  }
0x64: {  	_ =	shalt  }
0x65: {  	_ =	shalt  }
0x66: {  	_ =	shalt  }
0x67: {  	_ =	shalt  }
0x68: {  	_ =	shalt  }
0x69: {  	_ =	shalt  }
0x6a: {  	_ =	shalt  }
0x6b: {  	_ =	shalt  }
0x6c: {  	_ =	shalt  }
0x6d: {  	_ =	shalt  }
0x6e: {  	_ =	shalt  }
0x6f: {  	_ =	shalt  }
0x70: {  	_ =	shalt  }
0x71: {  	_ =	shalt  }
0x72: {  	_ =	shalt  }
0x73: {  	_ =	shalt  }
0x74: {  	_ =	shalt  }
0x75: {  	_ =	shalt  }
0x76: {  	_ =	shalt  }
0x77: {  	_ =	shalt  }
0x78: {  	_ =	shalt  }
0x79: {  	_ =	shalt  }
0x7a: {  	_ =	shalt  }
0x7b: {  	_ =	shalt  }
0x7c: {  	_ =	shalt  }
0x7d: {  	_ =	shalt  }
0x7e: {  	_ =	shalt  }
0x7f: {  	_ =	shalt  }
0x80: {  	_ =	shalt  }
0x81: {  	_ =	shalt  }
0x82: {  	_ =	shalt  }
0x83: {  	_ =	shalt  }
0x84: {  	_ =	shalt  }
0x85: {  	_ =	shalt  }
0x86: {  	_ =	shalt  }
0x87: {  	_ =	shalt  }
.Lfunc_end0:
.L_simem_size_0:
called_computation.1_lowered:
.L_overlay_start_0:
0x88: {  	s2 =	sld [smem:$0x3FD9]  }
0x89: {  	s3 =	sld [smem:$0x3FFE];
	_ =	sdelay $0x1  }
0x8a: {  	s1 =	srdreg.scid  }
0x8b: {  	s0 =	sand.u32 $0x1, s1  }
0x8c: {  	s17 =	sshll.u32 s0, $0xA;
	s2 =	sadd.s32 s3, s2  }
0x8d: {  	s2 =	sadd.s32 s2, s17  }
0x8e: {  	[smem:$0x3FC1] =	sst s2  }
0x8f: {  	_ = 	snop  }
0x90: {  	s2 =	sld [smem:$0x3FD0];
	(tm) =	ssettm $0x1  }
0x91: {  	s18 =	sld [smem:$0x3FFB];
	_ =	sdelay $0x3  }
0x92: {  	_ =	strace s18  }
0x93: {  	s3 =	sld [smem:$0x3FFC];
	_ =	sdelay $0x3  }
0x94: {  	_ =	strace s3  }
0x95: {  	s3 =	sld [smem:$0x3FFD];
	_ =	sdelay $0x3  }
0x96: {  	_ =	strace s3  }
0x97: {  	_ =	strace $0x8FFFFFFF  }
0x98: {  	s19 =	sld [smem:$0x3FDB];
	_ =	sdelay $0x1  }
0x99: {  	s4 =	simm.s32 $_scs_section_size  }
0x9a: {  	s5 =	simm.s32 $_size__tile_overlayer_lowered;
	s6 =	simm.s32 $_tile_overlayer_lowered  }
0x9b: {  	s22 =	simm.s32 $0x1BFF;
	s21 =	sshll.u32 s6, $0x1;
	s3 =	sadd.s32 s4, s19  }
0x9c: {  	s7 =	simm.s32 $0x0;
	s20 =	sshll.u32 s5, $0x1;
	s5 =	sadd.s32 s21, s3  }
0x9d: {  	[timem:s7], [sflag:s22] =	dma.local [hbm:s5], s20  }
0x9e: {  	_ =	swait.ge [sflag:s22], s20  }
0x9f: {  	s4 =	ssub.s32 $0x0, s20;
	[sflag:s22] =	ssyncset.done $0x0  }
0xa0: {  	[sflag:s22] =	ssyncadd.s32 s4;
	_ =	sdelay $0x1  }
0xa1: {  	s23 =	simm.s32 $0x1B8B  }
0xa2: {  	_ =	swait.ge [sflag:s23], $0x1  }
0xa3: {  	[sflag:s23] =	ssyncset.done $0x0  }
0xa4: {  	s25 =	simm.s32 $0x1B8E;
	s24 =	sld [smem:$0x3FFE];
	[sflag:s23] =	ssyncadd.s32 $0xFFFFFFFF  }
0xa5: {  	s26 =	simm.s32 $execute0_lowered;
	[smem:$0x3FD2] =	sst s25  }
0xa6: {  	s5 =	sshll.u32 s26, $0x1;
	_ =	strace $0x80000049;
	[dreg:$0x1] =	wrdreg $0xFFFFFFFF  }
0xa7: {  	s28 =	simm.s32 $_size_execute0_lowered;
	s3 =	sadd.s32 s3, s5;
	[dreg:$0x0] =	wrdreg $0x0  }
0xa8: {  	s5 =	sshll.u32 s28, $0x1;
	[dreg:$0x2] =	wrdreg s3  }
0xa9: {  	[dreg:$0x3] =	wrdreg s5  }
0xaa: {  	[dreg:$0x4] =	wrdreg $0xC0  }
0xab: {  	_ =	task [dreg:s7], $0x5FFFF  }
0xac: {  	[dreg:$0x1] =	wrdreg $0xFFFFFFFF  }
0xad: {  	[dreg:$0x0] =	wrdreg $0x60  }
0xae: {  	[dreg:$0x2] =	wrdreg s2  }
0xaf: {  	[dreg:$0x3] =	wrdreg s24  }
0xb0: {  	[dreg:$0x4] =	wrdreg $0xB4000  }
0xb1: {  	[dreg:$0x5] =	wrdreg $0x9  }
0xb2: {  	_ =	task.clear_ibuf [dreg:s7], $0x6FFFF;
	_ =	strace $0x90000049  }
0xb3: {  	s29 =	simm.s32 $0x9;
	_ =	strace $0x8000004B  }
0xb4: {  	_ =	swait.ge [sflag:s29], $0x1  }
0xb5: {  	[sflag:s29] =	ssyncadd.s32 $0xFFFFFFFF  }
0xb6: {  	_ =	strace $0x9000004B  }
0xb7: {  	_ =	sfence  }
0xb8: {  	s30 =	sld [smem:$0x0];
	_ =	sdelay $0x2  }
0xb9: {  	s31 =	sshll.u32 s1, $0xD;
	s1 =	sshrl.u32 s1, $0x2  }
0xba: {  	s3 =	sand.u32 $0x4000, s31;
	s1 =	sadd.s32 s1, s30  }
0xbb: {  	s0 =	sor.u32 s3, s0;
	s1 =	sshll.u32 s1, $0x11  }
0xbc: {  	s0 =	sor.u32 s1, s0  }
0xbd: {  	s0 =	sadd.s32 $0x8F2B, s0  }
0xbe: {  	[sflag:s0] =	ssyncadd.remote.s32 $0x1  }
0xbf: {  	_ =	sfence.sel $0xFFFF  }
0xc0: {  	[dreg:$0x0] =	wrdreg $0xFFFFFFFF;
	(pc) =	sbr.abs _section_cstart, $3  }
0xc1: {  	[dreg:$0x1] =	wrdreg $0xFFFFFFFF  }
0xc2: {  	_ =	task.clear_ibuf [dreg:s7], $0x2FFFF;
	_ =	strace $0x9FFFFFFF  }
0xc3: {  	(tm) =	ssettm $0x7FFFFFFF  }
tec
execute0_lowered:
.L_overlay_start_1:
0x0: {  	(tag) =	ssettag $0x1  }
0x1: {  	s0 =	srdreg.scid;
	s2 =	rddreg [dreg:$0x0]  }
0x2: {  	s4 =	stileid.u32;
	s6 =	rddreg [dreg:$0x1]  }
0x3: {  	s3 =	rddreg [dreg:$0x2];
	s8 =	simm.s32 $0x0;
	s29 =	simm.s32 $0xA400  }
0x4: {  	s30 =	simm.s32 $0x1;
	s31 =	simm.s32 $0x6;
	s7 =	smul.u32 $0x280, s4  }
0x5: {  	s28 =	simm.s32 $0x4;
	s0 =	sand.u32 $0x1, s0;
	s15 =	smul.u32 $0x50000, s4  }
0x6: {  	[smem:$0x7FF] =	sst s8;
	s1 =	sshll.u32 s0, $0x4;
	s14 =	smul.u32 $0x2800, s0  }
0x7: {  	_ =	strace $0x8000004A;
	s0 =	ssub.s32 $0x2, s0;
	s1 =	sor.u32 s4, s1  }
0x8: {  	s10 =	sshrl.u32 s0, $0x1;
	s16 =	sshrl.u32 s15, $0x2;
	s5 =	smul.u32 $0x280, s1  }
0x9: {  	s1 =	smul.u32 $0xA00, s1;
	s7 =	sadd.s32 s7, s14;
	s0 =	ssub.s32 s0, s10  }
0xa: {  	s18 =	sadd.s32 s16, s3;
	s10 =	simm.s32 $0x0;
	s7 =	sshll.u32 s7, $0x4  }
0xb: {  	s19 =	sadd.s32 $0x4000, s18;
	s20 =	sadd.s32 $0x8000, s18;
	[dreg:$0x6] =	wrdreg s18  }
0xc: {  	s21 =	sadd.s32 $0xC000, s18;
	s0 =	smax.u32 s0, $0x1;
	[dreg:$0x7] =	wrdreg s19  }
0xd: {  	s9 =	sadd.s32 s5, s6;
	s1 =	sadd.s32 s1, s6;
	[dreg:$0x8] =	wrdreg s20  }
0xe: {  	s5 =	sadd.s32 $0x44000, s6;
	s6 =	sadd.s32 s7, s6;
	[dreg:$0x9] =	wrdreg s21  }
0xf: {  	[dreg:$0x10] =	wrdreg s0;
	s19 =	simm.s32 $0xB;
	s17 =	sadd.s32 $0x94800, s9  }
0x10: {  	s20 =	simm.s32 $0x20;
	s1 =	sadd.s32 $0x99800, s1;
	[dreg:$0x4] =	wrdreg s17  }
0x11: {  	s21 =	simm.s32 $0x6400;
	s22 =	sadd.s32 $0xAD800, s6;
	[dreg:$0x5] =	wrdreg s1  }
0x12: {  	s0 =	simm.s32 $0x7;
	s23 =	sadd.s32 $0xAE000, s6;
	[dreg:$0xb] =	wrdreg s22  }
0x13: {  	s7 =	simm.s32 $0x5;
	s24 =	sadd.s32 $0xAE800, s6;
	[dreg:$0xc] =	wrdreg s23  }
0x14: {  	s25 =	sadd.s32 $0xAF000, s6;
	s26 =	sadd.s32 $0xAF800, s6;
	[dreg:$0xd] =	wrdreg s24  }
0x15: {  	s6 =	simm.s32 $0x9;
	s9 =	simm.s32 $0xA;
	[dreg:$0xe] =	wrdreg s25  }
0x16: {  	s1 =	sadd.s32 $0x10000, s18;
	[dreg:$0xf] =	wrdreg s26;
	s22 =	simm.s32 $0x7400  }
0x17: {  	s24 =	simm.s32 $0x8400;
	s26 =	simm.s32 $0x9400;
	s23 =	simm.s32 $0x3  }
0x18: {  	s25 =	simm.s32 $0x8;
	[dreg:$0xa] =	wrdreg s1;
	s1 =	simm.s32 $0x2  }
.LBB2_1:
0x19: {  	s4 =	simm.s32 $0x0;
	s8 =	rddreg [dreg:$0x4]  }
0x1a: {  	[tilespmem:s4], [sflag:$0xB] =	stream.linear.gather [hbm4b:s8+s4], $0x1400, $0x38;
	[tilespmem:$0x1F400] =	vst v63  }
0x1b: {  	_ =	swait.ge [sflag:s19], $0x1400  }
0x1c: {  	[sflag:s19] =	ssyncset.done $0x0  }
0x1d: {  	s8 =	simm.s32 $0x1400;
	s11 =	rddreg [dreg:$0x5];
	[sflag:s19] =	ssyncadd.s32 $0xFFFFEC00  }
0x1e: {  	[tilespmem:s8], [sflag:$0xB] =	stream.linear.gather [hbm4b:s11+s4], $0x5000, $0x38;
	[tilespmem:$0x1F400] =	vst v63  }
0x1f: {  	_ =	swait.ge [sflag:s19], $0x5000  }
0x20: {  	[sflag:s19] =	ssyncset.done $0x0  }
0x21: {  	[sflag:s19] =	ssyncadd.s32 $0xFFFFB000  }
0x22: {  	[tilespmem:s21], [sflag:$0x1] =	stream.indirect.gather [hbm4b:s2+s20], $0x80, s4, s20, $0xb8;
	[tilespmem:$0x1F400] =	vst v63  }
0x23: {  	_ = 	snop  }
0x24: {  	[tilespmem:s22], [sflag:$0x2] =	stream.indirect.gather [hbm4b:s2+s20], $0x80, s20, s20, $0xb8;
	[tilespmem:$0x1F400] =	vst v63  }
0x25: {  	s15 =	simm.s32 $0x40;
	s18 =	stileid.u32  }
0x26: {  	[tilespmem:s24], [sflag:$0x3] =	stream.indirect.gather [hbm4b:s2+s20], $0x80, s15, s20, $0xb8;
	[tilespmem:$0x1F400] =	vst v63  }
0x27: {  	s16 =	simm.s32 $0x60;
	s12 =	rddreg [dreg:$0x6];
	s4 =	sshll.u32 s18, $0x6  }
0x28: {  	[tilespmem:s26], [sflag:$0x4] =	stream.indirect.gather [hbm4b:s2+s20], $0x80, s16, s20, $0xb8;
	[tilespmem:$0x1F400] =	vst v63  }
0x29: {  	s17 =	simm.s32 $0x80;
	s12 =	sshrl.u32 s12, $0x3;
	s11 =	sor.u32 $0x1C0B, s4  }
0x2a: {  	[tilespmem:s29], [sflag:$0x5] =	stream.indirect.gather [hbm4b:s2+s20], $0x80, s17, s20, $0xb8;
	[tilespmem:$0x1F400] =	vst v63  }
0x2b: {  	[spmem:s12], [sflag:s11] =	dma.local [hbm:s5], $0x800  }
0x2c: {  	_ =	swait.ge [sflag:s19], $0x800  }
0x2d: {  	[sflag:s19] =	ssyncset.done $0x0;
	s13 =	rddreg [dreg:$0x7]  }
0x2e: {  	[sflag:s19] =	ssyncadd.s32 $0xFFFFF800;
	s13 =	sshrl.u32 s13, $0x3  }
0x2f: {  	[spmem:s13], [sflag:s11] =	dma.local [hbm:s5], $0x800  }
0x30: {  	_ =	swait.ge [sflag:s19], $0x800  }
0x31: {  	[sflag:s19] =	ssyncset.done $0x0;
	s14 =	rddreg [dreg:$0x8]  }
0x32: {  	[sflag:s19] =	ssyncadd.s32 $0xFFFFF800;
	s14 =	sshrl.u32 s14, $0x3  }
0x33: {  	[spmem:s14], [sflag:s11] =	dma.local [hbm:s5], $0x800  }
0x34: {  	_ =	swait.ge [sflag:s19], $0x800  }
0x35: {  	[sflag:s19] =	ssyncset.done $0x0;
	s15 =	rddreg [dreg:$0x9]  }
0x36: {  	[sflag:s19] =	ssyncadd.s32 $0xFFFFF800;
	s15 =	sshrl.u32 s15, $0x3  }
0x37: {  	[spmem:s15], [sflag:s11] =	dma.local [hbm:s5], $0x800  }
0x38: {  	_ =	swait.ge [sflag:s19], $0x800  }
0x39: {  	[sflag:s19] =	ssyncset.done $0x0;
	s16 =	rddreg [dreg:$0xa]  }
0x3a: {  	[sflag:s19] =	ssyncadd.s32 $0xFFFFF800;
	s16 =	sshrl.u32 s16, $0x3  }
0x3b: {  	[spmem:s16], [sflag:s11] =	dma.local [hbm:s5], $0x800  }
0x3c: {  	_ =	swait.ge [sflag:s19], $0x800  }
0x3d: {  	[sflag:s19] =	ssyncset.done $0x0  }
0x3e: {  	[sflag:s19] =	ssyncadd.s32 $0xFFFFF800  }
0x3f: {  	[bflag:$0x0] =	sbarrier.arrive $0xFFFF  }
0x40: {  	_ =	swait.ge [sflag:s30], $0x1000  }
0x41: {  	[sflag:s30] =	ssyncset.done $0x0  }
0x42: {  	[sflag:s30] =	ssyncadd.s32 $0xFFFFF000  }
0x43: {  	[spmem:s3] =	stream.indirect.scatter.add.f32 [tilespmem:s21], [sflag:$0x6], $0x80, s8, s20, $0xb8;
	[tilespmem:$0x1F400] =	vst v63  }
0x44: {  	_ =	swait.ge [sflag:s31], $0x1000  }
0x45: {  	[sflag:s31] =	ssyncset.done $0x0  }
0x46: {  	s17 =	simm.s32 $0xA0;
	[sflag:s31] =	ssyncadd.s32 $0xFFFFF000  }
0x47: {  	[tilespmem:s21], [sflag:$0x1] =	stream.indirect.gather [hbm4b:s2+s20], $0x80, s17, s20, $0xb8;
	[tilespmem:$0x1F400] =	vst v63  }
0x48: {  	_ =	swait.ge [sflag:s1], $0x1000  }
0x49: {  	[sflag:s1] =	ssyncset.done $0x0  }
0x4a: {  	s18 =	simm.s32 $0x1480;
	[sflag:s1] =	ssyncadd.s32 $0xFFFFF000  }
0x4b: {  	[spmem:s3] =	stream.indirect.scatter.add.f32 [tilespmem:s22], [sflag:$0x7], $0x80, s18, s20, $0xb8;
	[tilespmem:$0x1F400] =	vst v63  }
0x4c: {  	_ =	swait.ge [sflag:s0], $0x1000  }
0x4d: {  	[sflag:s0] =	ssyncset.done $0x0  }
0x4e: {  	s4 =	simm.s32 $0xC0;
	[sflag:s0] =	ssyncadd.s32 $0xFFFFF000  }
0x4f: {  	[tilespmem:s22], [sflag:$0x2] =	stream.indirect.gather [hbm4b:s2+s20], $0x80, s4, s20, $0xb8;
	[tilespmem:$0x1F400] =	vst v63  }
0x50: {  	_ =	swait.ge [sflag:s23], $0x1000  }
0x51: {  	[sflag:s23] =	ssyncset.done $0x0  }
0x52: {  	s17 =	simm.s32 $0x1500;
	[sflag:s23] =	ssyncadd.s32 $0xFFFFF000  }
0x53: {  	[spmem:s3] =	stream.indirect.scatter.add.f32 [tilespmem:s24], [sflag:$0x8], $0x80, s17, s20, $0xb8;
	[tilespmem:$0x1F400] =	vst v63  }
0x54: {  	_ =	swait.ge [sflag:s25], $0x1000  }
0x55: {  	[sflag:s25] =	ssyncset.done $0x0  }
0x56: {  	s18 =	simm.s32 $0xE0;
	[sflag:s25] =	ssyncadd.s32 $0xFFFFF000  }
0x57: {  	[tilespmem:s24], [sflag:$0x3] =	stream.indirect.gather [hbm4b:s2+s20], $0x80, s18, s20, $0xb8;
	[tilespmem:$0x1F400] =	vst v63  }
0x58: {  	_ =	swait.ge [sflag:s28], $0x1000  }
0x59: {  	[sflag:s28] =	ssyncset.done $0x0  }
0x5a: {  	s4 =	simm.s32 $0x1580;
	[sflag:s28] =	ssyncadd.s32 $0xFFFFF000  }
0x5b: {  	[spmem:s3] =	stream.indirect.scatter.add.f32 [tilespmem:s26], [sflag:$0x9], $0x80, s4, s20, $0xb8;
	[tilespmem:$0x1F400] =	vst v63  }
0x5c: {  	_ =	swait.ge [sflag:s6], $0x1000  }
0x5d: {  	[sflag:s6] =	ssyncset.done $0x0  }
0x5e: {  	s17 =	simm.s32 $0x100;
	[sflag:s6] =	ssyncadd.s32 $0xFFFFF000  }
0x5f: {  	[tilespmem:s26], [sflag:$0x4] =	stream.indirect.gather [hbm4b:s2+s20], $0x80, s17, s20, $0xb8;
	[tilespmem:$0x1F400] =	vst v63  }
0x60: {  	_ =	swait.ge [sflag:s7], $0x1000  }
0x61: {  	[sflag:s7] =	ssyncset.done $0x0  }
0x62: {  	s18 =	simm.s32 $0x1600;
	[sflag:s7] =	ssyncadd.s32 $0xFFFFF000  }
0x63: {  	[spmem:s3] =	stream.indirect.scatter.add.f32 [tilespmem:s29], [sflag:$0xA], $0x80, s18, s20, $0xb8;
	[tilespmem:$0x1F400] =	vst v63  }
0x64: {  	_ =	swait.ge [sflag:s9], $0x1000  }
0x65: {  	s8 =	simm.s32 $0x120;
	[sflag:s9] =	ssyncset.done $0x0  }
0x66: {  	s17 =	simm.s32 $0x280;
	s18 =	simm.s32 $0x1680;
	[sflag:s9] =	ssyncadd.s32 $0xFFFFF000  }
.LBB2_2:
0x67: {  	[tilespmem:s29], [sflag:$0x5] =	stream.indirect.gather [hbm4b:s2+s20], $0x80, s8, s20, $0xb8;
	[tilespmem:$0x1F400] =	vst v63  }
0x68: {  	s8 =	smov.u32 s17  }
0x69: {  	p0 =	sne.s32 s17, $0x4B00;
	s17 =	sadd.s32 $0x280, s17;
	_ =	swait.ge [sflag:s30], $0x1000  }
0x6a: {  	[sflag:s30] =	ssyncset.done $0x0  }
0x6b: {  	[sflag:s30] =	ssyncadd.s32 $0xFFFFF000  }
0x6c: {  	[spmem:s3] =	stream.indirect.scatter.add.f32 [tilespmem:s21], [sflag:$0x6], $0x80, s18, s20, $0xb8;
	[tilespmem:$0x1F400] =	vst v63  }
0x6d: {  	_ =	swait.ge [sflag:s31], $0x1000  }
0x6e: {  	s8 =	sshra.s32 s8, $0x2;
	[sflag:s31] =	ssyncset.done $0x0  }
0x6f: {  	s4 =	sadd.s32 $0xA0, s8;
	[sflag:s31] =	ssyncadd.s32 $0xFFFFF000  }
0x70: {  	[tilespmem:s21], [sflag:$0x1] =	stream.indirect.gather [hbm4b:s2+s20], $0x80, s4, s20, $0xb8;
	[tilespmem:$0x1F400] =	vst v63  }
0x71: {  	_ =	swait.ge [sflag:s1], $0x1000  }
0x72: {  	[sflag:s1] =	ssyncset.done $0x0  }
0x73: {  	s4 =	sadd.s32 $0x80, s18;
	[sflag:s1] =	ssyncadd.s32 $0xFFFFF000  }
0x74: {  	[spmem:s3] =	stream.indirect.scatter.add.f32 [tilespmem:s22], [sflag:$0x7], $0x80, s4, s20, $0xb8;
	[tilespmem:$0x1F400] =	vst v63  }
0x75: {  	_ =	swait.ge [sflag:s0], $0x1000  }
0x76: {  	[sflag:s0] =	ssyncset.done $0x0  }
0x77: {  	s4 =	sadd.s32 $0xC0, s8;
	[sflag:s0] =	ssyncadd.s32 $0xFFFFF000  }
0x78: {  	[tilespmem:s22], [sflag:$0x2] =	stream.indirect.gather [hbm4b:s2+s20], $0x80, s4, s20, $0xb8;
	[tilespmem:$0x1F400] =	vst v63  }
0x79: {  	_ =	swait.ge [sflag:s23], $0x1000  }
0x7a: {  	[sflag:s23] =	ssyncset.done $0x0  }
0x7b: {  	s4 =	sadd.s32 $0x100, s18;
	[sflag:s23] =	ssyncadd.s32 $0xFFFFF000  }
0x7c: {  	[spmem:s3] =	stream.indirect.scatter.add.f32 [tilespmem:s24], [sflag:$0x8], $0x80, s4, s20, $0xb8;
	[tilespmem:$0x1F400] =	vst v63  }
0x7d: {  	_ =	swait.ge [sflag:s25], $0x1000  }
0x7e: {  	[sflag:s25] =	ssyncset.done $0x0  }
0x7f: {  	s4 =	sadd.s32 $0xE0, s8;
	[sflag:s25] =	ssyncadd.s32 $0xFFFFF000  }
0x80: {  	[tilespmem:s24], [sflag:$0x3] =	stream.indirect.gather [hbm4b:s2+s20], $0x80, s4, s20, $0xb8;
	[tilespmem:$0x1F400] =	vst v63  }
0x81: {  	_ =	swait.ge [sflag:s28], $0x1000  }
0x82: {  	[sflag:s28] =	ssyncset.done $0x0  }
0x83: {  	s4 =	sadd.s32 $0x180, s18;
	[sflag:s28] =	ssyncadd.s32 $0xFFFFF000  }
0x84: {  	[spmem:s3] =	stream.indirect.scatter.add.f32 [tilespmem:s26], [sflag:$0x9], $0x80, s4, s20, $0xb8;
	[tilespmem:$0x1F400] =	vst v63  }
0x85: {  	_ =	swait.ge [sflag:s6], $0x1000  }
0x86: {  	[sflag:s6] =	ssyncset.done $0x0  }
0x87: {  	s4 =	sadd.s32 $0x100, s8;
	[sflag:s6] =	ssyncadd.s32 $0xFFFFF000  }
0x88: {  	[tilespmem:s26], [sflag:$0x4] =	stream.indirect.gather [hbm4b:s2+s20], $0x80, s4, s20, $0xb8;
	[tilespmem:$0x1F400] =	vst v63  }
0x89: {  	_ =	swait.ge [sflag:s7], $0x1000  }
0x8a: {  	[sflag:s7] =	ssyncset.done $0x0  }
.Ltmp0:
0x8b: {  	s4 =	sadd.s32 $0x200, s18;
	[sflag:s7] =	ssyncadd.s32 $0xFFFFF000;
	(pc) =	sbr.rel @p0 .LBB2_2-.Ltmp0, $4  }
0x8c: {  	[spmem:s3] =	stream.indirect.scatter.add.f32 [tilespmem:s29], [sflag:$0xA], $0x80, s4, s20, $0xb8;
	[tilespmem:$0x1F400] =	vst v63  }
0x8d: {  	_ =	swait.ge [sflag:s9], $0x1000  }
0x8e: {  	[sflag:s9] =	ssyncset.done $0x0  }
0x8f: {  	s8 =	sadd.s32 $0x120, s8;
	s18 =	sadd.s32 $0x280, s18;
	[sflag:s9] =	ssyncadd.s32 $0xFFFFF000  }
0x90: {  	[tilespmem:s29], [sflag:$0x5] =	stream.indirect.gather [hbm4b:s2+s20], $0x80, s8, s20, $0xb8;
	[tilespmem:$0x1F400] =	vst v63  }
0x91: {  	_ =	swait.ge [sflag:s30], $0x1000  }
0x92: {  	[sflag:s30] =	ssyncset.done $0x0  }
0x93: {  	s4 =	simm.s32 $0x6180;
	[sflag:s30] =	ssyncadd.s32 $0xFFFFF000  }
0x94: {  	[spmem:s3] =	stream.indirect.scatter.add.f32 [tilespmem:s21], [sflag:$0x6], $0x80, s4, s20, $0xb8;
	[tilespmem:$0x1F400] =	vst v63  }
0x95: {  	_ =	swait.ge [sflag:s1], $0x1000  }
0x96: {  	[sflag:s1] =	ssyncset.done $0x0  }
0x97: {  	s18 =	simm.s32 $0x6200;
	[sflag:s1] =	ssyncadd.s32 $0xFFFFF000  }
0x98: {  	[spmem:s3] =	stream.indirect.scatter.add.f32 [tilespmem:s22], [sflag:$0x7], $0x80, s18, s20, $0xb8;
	[tilespmem:$0x1F400] =	vst v63  }
0x99: {  	_ =	swait.ge [sflag:s23], $0x1000  }
0x9a: {  	[sflag:s23] =	ssyncset.done $0x0  }
0x9b: {  	s8 =	simm.s32 $0x6280;
	[sflag:s23] =	ssyncadd.s32 $0xFFFFF000  }
0x9c: {  	[spmem:s3] =	stream.indirect.scatter.add.f32 [tilespmem:s24], [sflag:$0x8], $0x80, s8, s20, $0xb8;
	[tilespmem:$0x1F400] =	vst v63  }
0x9d: {  	_ =	swait.ge [sflag:s28], $0x1000  }
0x9e: {  	[sflag:s28] =	ssyncset.done $0x0  }
0x9f: {  	s17 =	simm.s32 $0x6300;
	[sflag:s28] =	ssyncadd.s32 $0xFFFFF000  }
0xa0: {  	[spmem:s3] =	stream.indirect.scatter.add.f32 [tilespmem:s26], [sflag:$0x9], $0x80, s17, s20, $0xb8;
	[tilespmem:$0x1F400] =	vst v63  }
0xa1: {  	_ =	swait.ge [sflag:s7], $0x1000  }
0xa2: {  	[sflag:s7] =	ssyncset.done $0x0  }
0xa3: {  	s18 =	simm.s32 $0x6380;
	[sflag:s7] =	ssyncadd.s32 $0xFFFFF000  }
0xa4: {  	[spmem:s3] =	stream.indirect.scatter.add.f32 [tilespmem:s29], [sflag:$0xA], $0x80, s18, s20, $0xb8;
	[tilespmem:$0x1F400] =	vst v63  }
0xa5: {  	_ =	swait.ge [sflag:s31], $0x1000  }
0xa6: {  	[sflag:s31] =	ssyncset.done $0x0  }
0xa7: {  	[sflag:s31] =	ssyncadd.s32 $0xFFFFF000  }
0xa8: {  	_ =	swait.ge [sflag:s0], $0x1000  }
0xa9: {  	[sflag:s0] =	ssyncset.done $0x0  }
0xaa: {  	[sflag:s0] =	ssyncadd.s32 $0xFFFFF000  }
0xab: {  	_ =	swait.ge [sflag:s25], $0x1000  }
0xac: {  	[sflag:s25] =	ssyncset.done $0x0  }
0xad: {  	[sflag:s25] =	ssyncadd.s32 $0xFFFFF000  }
0xae: {  	_ =	swait.ge [sflag:s6], $0x1000  }
0xaf: {  	[sflag:s6] =	ssyncset.done $0x0  }
0xb0: {  	[sflag:s6] =	ssyncadd.s32 $0xFFFFF000  }
0xb1: {  	_ =	swait.ge [sflag:s9], $0x1000  }
0xb2: {  	[sflag:s9] =	ssyncset.done $0x0  }
0xb3: {  	[sflag:s9] =	ssyncadd.s32 $0xFFFFF000  }
0xb4: {  	[bflag:$0x0] =	sbarrier.arrive $0xFFFF  }
0xb5: {  	s8 =	rddreg [dreg:$0xb]  }
0xb6: {  	[hbm:s8], [sflag:s11] =	dma.local [spmem:s12], $0x800  }
0xb7: {  	_ =	swait.ge [sflag:s19], $0x800  }
0xb8: {  	[sflag:s19] =	ssyncset.done $0x0  }
0xb9: {  	s12 =	rddreg [dreg:$0xc];
	[sflag:s19] =	ssyncadd.s32 $0xFFFFF800  }
0xba: {  	[hbm:s12], [sflag:s11] =	dma.local [spmem:s13], $0x800  }
0xbb: {  	_ =	swait.ge [sflag:s19], $0x800  }
0xbc: {  	[sflag:s19] =	ssyncset.done $0x0  }
0xbd: {  	s13 =	rddreg [dreg:$0xd];
	[sflag:s19] =	ssyncadd.s32 $0xFFFFF800  }
0xbe: {  	[hbm:s13], [sflag:s11] =	dma.local [spmem:s14], $0x800  }
0xbf: {  	_ =	swait.ge [sflag:s19], $0x800  }
0xc0: {  	[sflag:s19] =	ssyncset.done $0x0  }
0xc1: {  	s14 =	rddreg [dreg:$0xe];
	[sflag:s19] =	ssyncadd.s32 $0xFFFFF800  }
0xc2: {  	[hbm:s14], [sflag:s11] =	dma.local [spmem:s15], $0x800  }
0xc3: {  	_ =	swait.ge [sflag:s19], $0x800  }
0xc4: {  	[sflag:s19] =	ssyncset.done $0x0  }
0xc5: {  	s17 =	rddreg [dreg:$0xf];
	[sflag:s19] =	ssyncadd.s32 $0xFFFFF800  }
0xc6: {  	[hbm:s17], [sflag:s11] =	dma.local [spmem:s16], $0x800  }
0xc7: {  	_ =	swait.ge [sflag:s19], $0x800  }
0xc8: {  	s10 =	sadd.s32 $0x1, s10;
	s18 =	rddreg [dreg:$0x10]  }
0xc9: {  	p0 =	sne.s32 s10, s18  }
.Ltmp1:
0xca: {  	_ = 	snop;
	(pc) =	sbr.rel @p0 .LBB2_1-.Ltmp1, $3  }
0xcb: {  	_ =	sdelay $0x1  }
0xcc: {  	[sflag:s19] =	ssyncset.done $0x0  }
0xcd: {  	[sflag:s19] =	ssyncadd.s32 $0xFFFFF800  }
0xce: {  	_ =	sfence.sel $0x180000  }
0xcf: {  	[bflag:$0x0] =	sbarrier.arrive $0xFFFF  }
0xd0: {  	_ =	strace $0x9000004A  }
0xd1: {  	s0 =	stileid.u32;
	[bflag:$0x2] =	sbarrier.arrive $0xFFFF  }
0xd2: {  	p0 =	sne.s32 s0, $0x0;
	s0 =	rddreg [dreg:$0x3]  }
0xd3: {  	s0 =	sadd.s32 @!p0 $0x100000, s0  }
0xd4: {  	[sflag:s0] =	ssyncadd.tile.s32 @!p0 $0x1;
	_ =	shalt  }
.Lfunc_end2:
_tile_overlayer_lowered:
.L_overlay_start_2:
0xd5: {  	(tag) =	ssettag $0x2  }
0xd6: {  	s0 =	rddreg [dreg:$0x0];
	s2 =	stileid.u32  }
0xd7: {  	s1 =	rddreg [dreg:$0x1];
	p0 =	sne.s32 s2, $0x0  }
0xd8: {  	s3 =	rddreg [dreg:$0x2];
	[bflag:$0x3] =	sbarrier.arrive $0xFFFF;
	s2 =	simm.s32 @!p0 $0x1C0B  }
0xd9: {  	[timem:s3], [sflag:s2] =	dma.local @!p0 [hbm:s0], s1  }
0xda: {  	s0 =	simm.s32 @!p0 $0xB  }
0xdb: {  	_ =	swait.ge @!p0 [sflag:s0], s1  }
0xdc: {  	s1 =	ssub.s32 @!p0 $0x0, s1;
	[sflag:s0] =	ssyncset.done @!p0 $0x0  }
0xdd: {  	[sflag:s0] =	ssyncadd.s32 @!p0 s1  }
0xde: {  	[bflag:$0x3] =	sbarrier.arrive $0xFFFF  }
0xdf: {  	_ =	shalt  }

// kernel: kernel.9.cloned.1.call-start
scs
__scs_entry_jumppad:
0x0: {  	(pc) =	sbr.rel $0x88, $3  }
0x1: {  	(tag) =	ssettag $0x0;
	lr =	simm.s32 $0x1  }
0x2: {  	[smem:$0x3F9A] =	sst lr;
	_ =	strace $0xD0000000  }
0x3: {  	_ = 	snop  }
0x4: {  	_ = 	snop  }
0x5: {  	_ = 	snop  }
0x6: {  	_ = 	snop  }
0x7: {  	_ = 	snop  }
__scs_overlays_trampoline_lowered:
0x8: {  	[smem:$0x3FA9] =	sst s0  }
0x9: {  	[smem:$0x3FAA] =	sst s1  }
0xa: {  	[smem:$0x3FAB] =	sst s2  }
0xb: {  	[smem:$0x3FAC] =	sst s3  }
0xc: {  	[smem:$0x3FAD] =	sst s4  }
0xd: {  	[smem:$0x3FAE] =	sst s5  }
0xe: {  	[smem:$0x3FAF] =	sst s6  }
0xf: {  	[smem:$0x3FB0] =	sst s7  }
0x10: {  	[smem:$0x3FB1] =	sst s8  }
0x11: {  	[smem:$0x3FB2] =	sst s9;
	s0 =	simm.s32 @!p0 $0x0  }
0x12: {  	s1 =	sld [smem:$0x3F98];
	s0 =	simm.s32 @p0 $0x1  }
0x13: {  	[smem:$0x3FB3] =	sst s0;
	s0 =	simm.s32 @!p1 $0x0  }
0x14: {  	s2 =	sld [smem:$0x3F97];
	s0 =	simm.s32 @p1 $0x1  }
0x15: {  	[smem:$0x3FB4] =	sst s0;
	s0 =	simm.s32 @!p2 $0x0  }
0x16: {  	s3 =	sld [smem:$0x3FDB];
	s0 =	simm.s32 @p2 $0x1  }
0x17: {  	s4 =	simm.s32 $0x1BF5;
	[smem:$0x3FB6] =	sst s0  }
0x18: {  	s0 =	sld [smem:$0x3F99];
	_ =	swait.ge [sflag:s4], $0x0  }
0x19: {  	s7 =	sld [smem:$0x3F9A]  }
0x1a: {  	s8 =	sadd.s32 $0xFFFFE003, lr  }
0x1b: {  	s9 =	sadd.s32 $0xFFFFFEF7, lr;
	s5 =	simm.s32 $0xFFFFFFFF;
	p2 =	slt.u32 s8, $0xFFFFF086  }
0x1c: {  	p1 =	slt.u32 s9, $0xF7A;
	s5 =	simm.s32 @!p2 $0x0  }
0x1d: {  	s5 =	simm.s32 @p1 $0x1;
	p0 =	seq.s32 s7, s2  }
0x1e: {  	s7 =	smul.u32 @!p0 $0xF7A, s2;
	p2 =	seq.s32 @!p0 s5, $0x0  }
0x1f: {  	s9 =	smul.u32 $0xF7A, s1;
	s8 =	simm.s32 @!p0 $0x1BF5;
	p2 =	por !p2, p0  }
0x20: {  	[sflag:s8] =	ssyncset.s32 @!p0 $0xFFFFF086;
	s6 =	sadd.s32 @!p0 s3, s7;
	s7 =	simm.s32 @!p0 $0x108  }
0x21: {  	s3 =	sadd.s32 s3, s9;
	s6 =	sadd.s32 @!p0 $0x88, s6;
	s7 =	simm.s32 @p2 $0x1082  }
0x22: {  	[simem:s7], [sflag:s8] =	dma.local @!p0 [hbm:s6], $0xF7A  }
0x23: {  	s9 =	sor.u32 $0xD0000000, s2;
	s6 =	simm.s32 $0x108;
	_ =	swait.ge @!p0 [sflag:s8], $0x0  }
0x24: {  	s3 =	sadd.s32 $0x88, s3;
	s6 =	simm.s32 @!p1 $0x1082;
	[sflag:s4] =	ssyncset.s32 $0xFFFFF086  }
0x25: {  	[simem:s6], [sflag:s4] =	dma.local [hbm:s3], $0xF7A  }
0x26: {  	[smem:$0x3F9A] =	sst s1;
	(tag) =	ssettag s2;
	_ =	strace s9  }
0x27: {  	s1 =	sld [smem:$0x3FAA]  }
0x28: {  	s2 =	sld [smem:$0x3FAB]  }
0x29: {  	s4 =	sld [smem:$0x3FAD]  }
0x2a: {  	p0 =	seq.s32 s5, $0x0;
	s5 =	sld [smem:$0x3FAE]  }
0x2b: {  	s6 =	sld [smem:$0x3FAF]  }
0x2c: {  	s7 =	sld [smem:$0x3FB0]  }
0x2d: {  	s3 =	simm.s32 $0x108;
	s8 =	sld [smem:$0x3FB1]  }
0x2e: {  	s3 =	simm.s32 @!p0 $0x1082;
	s9 =	sld [smem:$0x3FB2]  }
0x2f: {  	lr =	sadd.s32 s0, s3;
	s0 =	sld [smem:$0x3FA9]  }
0x30: {  	s3 =	sld [smem:$0x3FAC]  }
0x31: {  	[smem:$0x3FB5] =	sst s10  }
0x32: {  	s10 =	sld [smem:$0x3FB3];
	_ =	sdelay $0x3  }
0x33: {  	p0 =	seq.s32 s10, $0x1;
	s10 =	sld [smem:$0x3FB5];
	_ =	sdelay $0x3  }
0x34: {  	[smem:$0x3FB5] =	sst s10  }
0x35: {  	s10 =	sld [smem:$0x3FB4];
	_ =	sdelay $0x3  }
0x36: {  	p1 =	seq.s32 s10, $0x1;
	s10 =	sld [smem:$0x3FB5];
	_ =	sdelay $0x3  }
0x37: {  	[smem:$0x3FB5] =	sst s10  }
0x38: {  	s10 =	sld [smem:$0x3FB6]  }
0x39: {  	_ = 	snop;
	(pc) =	sbr.ind lr, $3  }
0x3a: {  	_ = 	snop  }
0x3b: {  	_ = 	snop  }
0x3c: {  	p2 =	seq.s32 s10, $0x1;
	s10 =	sld [smem:$0x3FB5]  }
0x3d: {  	_ =	shalt  }
0x3e: {  	_ =	shalt  }
0x3f: {  	_ =	shalt  }
0x40: {  	_ =	shalt  }
0x41: {  	_ =	shalt  }
0x42: {  	_ =	shalt  }
0x43: {  	_ =	shalt  }
0x44: {  	_ =	shalt  }
0x45: {  	_ =	shalt  }
0x46: {  	_ =	shalt  }
0x47: {  	_ =	shalt  }
0x48: {  	_ =	shalt  }
0x49: {  	_ =	shalt  }
0x4a: {  	_ =	shalt  }
0x4b: {  	_ =	shalt  }
0x4c: {  	_ =	shalt  }
0x4d: {  	_ =	shalt  }
0x4e: {  	_ =	shalt  }
0x4f: {  	_ =	shalt  }
0x50: {  	_ =	shalt  }
0x51: {  	_ =	shalt  }
0x52: {  	_ =	shalt  }
0x53: {  	_ =	shalt  }
0x54: {  	_ =	shalt  }
0x55: {  	_ =	shalt  }
0x56: {  	_ =	shalt  }
0x57: {  	_ =	shalt  }
0x58: {  	_ =	shalt  }
0x59: {  	_ =	shalt  }
0x5a: {  	_ =	shalt  }
0x5b: {  	_ =	shalt  }
0x5c: {  	_ =	shalt  }
0x5d: {  	_ =	shalt  }
0x5e: {  	_ =	shalt  }
0x5f: {  	_ =	shalt  }
0x60: {  	_ =	shalt  }
0x61: {  	_ =	shalt  }
0x62: {  	_ =	shalt  }
0x63: {  	_ =	shalt  }
0x64: {  	_ =	shalt  }
0x65: {  	_ =	shalt  }
0x66: {  	_ =	shalt  }
0x67: {  	_ =	shalt  }
0x68: {  	_ =	shalt  }
0x69: {  	_ =	shalt  }
0x6a: {  	_ =	shalt  }
0x6b: {  	_ =	shalt  }
0x6c: {  	_ =	shalt  }
0x6d: {  	_ =	shalt  }
0x6e: {  	_ =	shalt  }
0x6f: {  	_ =	shalt  }
0x70: {  	_ =	shalt  }
0x71: {  	_ =	shalt  }
0x72: {  	_ =	shalt  }
0x73: {  	_ =	shalt  }
0x74: {  	_ =	shalt  }
0x75: {  	_ =	shalt  }
0x76: {  	_ =	shalt  }
0x77: {  	_ =	shalt  }
0x78: {  	_ =	shalt  }
0x79: {  	_ =	shalt  }
0x7a: {  	_ =	shalt  }
0x7b: {  	_ =	shalt  }
0x7c: {  	_ =	shalt  }
0x7d: {  	_ =	shalt  }
0x7e: {  	_ =	shalt  }
0x7f: {  	_ =	shalt  }
0x80: {  	_ =	shalt  }
0x81: {  	_ =	shalt  }
0x82: {  	_ =	shalt  }
0x83: {  	_ =	shalt  }
0x84: {  	_ =	shalt  }
0x85: {  	_ =	shalt  }
0x86: {  	_ =	shalt  }
0x87: {  	_ =	shalt  }
.Lfunc_end0:
.L_simem_size_0:
called_computation_lowered:
.L_overlay_start_0:
0x88: {  	s2 =	sld [smem:$0x3FD9]  }
0x89: {  	s3 =	sld [smem:$0x3FFE];
	_ =	sdelay $0x1  }
0x8a: {  	s1 =	srdreg.scid  }
0x8b: {  	s0 =	sand.u32 $0x1, s1  }
0x8c: {  	s17 =	sshll.u32 s0, $0xA;
	s2 =	sadd.s32 s3, s2  }
0x8d: {  	s2 =	sadd.s32 s2, s17  }
0x8e: {  	[smem:$0x3FC1] =	sst s2  }
0x8f: {  	_ = 	snop  }
0x90: {  	s2 =	sld [smem:$0x3FD0];
	(tm) =	ssettm $0x1  }
0x91: {  	s18 =	sld [smem:$0x3FFB];
	_ =	sdelay $0x3  }
0x92: {  	_ =	strace s18  }
0x93: {  	s3 =	sld [smem:$0x3FFC];
	_ =	sdelay $0x3  }
0x94: {  	_ =	strace s3  }
0x95: {  	s3 =	sld [smem:$0x3FFD];
	_ =	sdelay $0x3  }
0x96: {  	_ =	strace s3  }
0x97: {  	_ =	strace $0x8FFFFFFF  }
0x98: {  	s19 =	sld [smem:$0x3FDB];
	_ =	sdelay $0x1  }
0x99: {  	s4 =	simm.s32 $_scs_section_size  }
0x9a: {  	s5 =	simm.s32 $_size__tile_overlayer_lowered;
	s6 =	simm.s32 $_tile_overlayer_lowered  }
0x9b: {  	s22 =	simm.s32 $0x1BFF;
	s21 =	sshll.u32 s6, $0x1;
	s3 =	sadd.s32 s4, s19  }
0x9c: {  	s7 =	simm.s32 $0x0;
	s20 =	sshll.u32 s5, $0x1;
	s5 =	sadd.s32 s21, s3  }
0x9d: {  	[timem:s7], [sflag:s22] =	dma.local [hbm:s5], s20  }
0x9e: {  	_ =	swait.ge [sflag:s22], s20  }
0x9f: {  	s4 =	ssub.s32 $0x0, s20;
	[sflag:s22] =	ssyncset.done $0x0  }
0xa0: {  	[sflag:s22] =	ssyncadd.s32 s4;
	_ =	sdelay $0x1  }
0xa1: {  	s23 =	simm.s32 $0x1B8B  }
0xa2: {  	_ =	swait.ge [sflag:s23], $0x1  }
0xa3: {  	[sflag:s23] =	ssyncset.done $0x0  }
0xa4: {  	s25 =	simm.s32 $0x1B8E;
	s24 =	sld [smem:$0x3FFE];
	[sflag:s23] =	ssyncadd.s32 $0xFFFFFFFF  }
0xa5: {  	s26 =	simm.s32 $execute0_lowered;
	[smem:$0x3FD2] =	sst s25  }
0xa6: {  	s5 =	sshll.u32 s26, $0x1;
	_ =	strace $0x80000046;
	[dreg:$0x1] =	wrdreg $0xFFFFFFFF  }
0xa7: {  	s28 =	simm.s32 $_size_execute0_lowered;
	s3 =	sadd.s32 s3, s5;
	[dreg:$0x0] =	wrdreg $0x0  }
0xa8: {  	s5 =	sshll.u32 s28, $0x1;
	[dreg:$0x2] =	wrdreg s3  }
0xa9: {  	[dreg:$0x3] =	wrdreg s5  }
0xaa: {  	[dreg:$0x4] =	wrdreg $0xC0  }
0xab: {  	_ =	task [dreg:s7], $0x5FFFF  }
0xac: {  	[dreg:$0x1] =	wrdreg $0xFFFFFFFF  }
0xad: {  	[dreg:$0x0] =	wrdreg $0x60  }
0xae: {  	[dreg:$0x2] =	wrdreg s2  }
0xaf: {  	[dreg:$0x3] =	wrdreg s24  }
0xb0: {  	[dreg:$0x4] =	wrdreg $0xB4000  }
0xb1: {  	[dreg:$0x5] =	wrdreg $0x9  }
0xb2: {  	_ =	task.clear_ibuf [dreg:s7], $0x6FFFF;
	_ =	strace $0x90000046  }
0xb3: {  	s29 =	simm.s32 $0x9;
	_ =	strace $0x80000048  }
0xb4: {  	_ =	swait.ge [sflag:s29], $0x1  }
0xb5: {  	[sflag:s29] =	ssyncadd.s32 $0xFFFFFFFF  }
0xb6: {  	_ =	strace $0x90000048  }
0xb7: {  	_ =	sfence  }
0xb8: {  	s30 =	sld [smem:$0x0];
	_ =	sdelay $0x2  }
0xb9: {  	s31 =	sshll.u32 s1, $0xD;
	s1 =	sshrl.u32 s1, $0x2  }
0xba: {  	s3 =	sand.u32 $0x4000, s31;
	s1 =	sadd.s32 s1, s30  }
0xbb: {  	s0 =	sor.u32 s3, s0;
	s1 =	sshll.u32 s1, $0x11  }
0xbc: {  	s0 =	sor.u32 s1, s0  }
0xbd: {  	s0 =	sadd.s32 $0x8F2B, s0  }
0xbe: {  	[sflag:s0] =	ssyncadd.remote.s32 $0x1  }
0xbf: {  	_ =	sfence.sel $0xFFFF  }
0xc0: {  	[dreg:$0x0] =	wrdreg $0xFFFFFFFF;
	(pc) =	sbr.abs _section_cstart, $3  }
0xc1: {  	[dreg:$0x1] =	wrdreg $0xFFFFFFFF  }
0xc2: {  	_ =	task.clear_ibuf [dreg:s7], $0x2FFFF;
	_ =	strace $0x9FFFFFFF  }
0xc3: {  	(tm) =	ssettm $0x7FFFFFFF  }
tec
execute0_lowered:
.L_overlay_start_1:
0x0: {  	(tag) =	ssettag $0x1  }
0x1: {  	s0 =	srdreg.scid;
	s2 =	rddreg [dreg:$0x0]  }
0x2: {  	s4 =	stileid.u32;
	s6 =	rddreg [dreg:$0x1]  }
0x3: {  	s3 =	rddreg [dreg:$0x2];
	s8 =	simm.s32 $0x0;
	s29 =	simm.s32 $0xA400  }
0x4: {  	s30 =	simm.s32 $0x1;
	s31 =	simm.s32 $0x6;
	s7 =	smul.u32 $0x280, s4  }
0x5: {  	s28 =	simm.s32 $0x4;
	s0 =	sand.u32 $0x1, s0;
	s15 =	smul.u32 $0x50000, s4  }
0x6: {  	[smem:$0x7FF] =	sst s8;
	s1 =	sshll.u32 s0, $0x4;
	s14 =	smul.u32 $0x2800, s0  }
0x7: {  	_ =	strace $0x80000047;
	s0 =	ssub.s32 $0x2, s0;
	s1 =	sor.u32 s4, s1  }
0x8: {  	s10 =	sshrl.u32 s0, $0x1;
	s16 =	sshrl.u32 s15, $0x2;
	s5 =	smul.u32 $0x280, s1  }
0x9: {  	s1 =	smul.u32 $0xA00, s1;
	s7 =	sadd.s32 s7, s14;
	s0 =	ssub.s32 s0, s10  }
0xa: {  	s18 =	sadd.s32 s16, s3;
	s10 =	simm.s32 $0x0;
	s7 =	sshll.u32 s7, $0x4  }
0xb: {  	s19 =	sadd.s32 $0x4000, s18;
	s20 =	sadd.s32 $0x8000, s18;
	[dreg:$0x6] =	wrdreg s18  }
0xc: {  	s21 =	sadd.s32 $0xC000, s18;
	s0 =	smax.u32 s0, $0x1;
	[dreg:$0x7] =	wrdreg s19  }
0xd: {  	s9 =	sadd.s32 s5, s6;
	s1 =	sadd.s32 s1, s6;
	[dreg:$0x8] =	wrdreg s20  }
0xe: {  	s5 =	sadd.s32 $0x44000, s6;
	s6 =	sadd.s32 s7, s6;
	[dreg:$0x9] =	wrdreg s21  }
0xf: {  	[dreg:$0x10] =	wrdreg s0;
	s19 =	simm.s32 $0xB;
	s17 =	sadd.s32 $0x3E00, s9  }
0x10: {  	s20 =	simm.s32 $0x20;
	s1 =	sadd.s32 $0x8E00, s1;
	[dreg:$0x4] =	wrdreg s17  }
0x11: {  	s21 =	simm.s32 $0x6400;
	s22 =	sadd.s32 $0x44800, s6;
	[dreg:$0x5] =	wrdreg s1  }
0x12: {  	s0 =	simm.s32 $0x7;
	s23 =	sadd.s32 $0x45000, s6;
	[dreg:$0xb] =	wrdreg s22  }
0x13: {  	s7 =	simm.s32 $0x5;
	s24 =	sadd.s32 $0x45800, s6;
	[dreg:$0xc] =	wrdreg s23  }
0x14: {  	s25 =	sadd.s32 $0x46000, s6;
	s26 =	sadd.s32 $0x46800, s6;
	[dreg:$0xd] =	wrdreg s24  }
0x15: {  	s6 =	simm.s32 $0x9;
	s9 =	simm.s32 $0xA;
	[dreg:$0xe] =	wrdreg s25  }
0x16: {  	s1 =	sadd.s32 $0x10000, s18;
	[dreg:$0xf] =	wrdreg s26;
	s22 =	simm.s32 $0x7400  }
0x17: {  	s24 =	simm.s32 $0x8400;
	s26 =	simm.s32 $0x9400;
	s23 =	simm.s32 $0x3  }
0x18: {  	s25 =	simm.s32 $0x8;
	[dreg:$0xa] =	wrdreg s1;
	s1 =	simm.s32 $0x2  }
.LBB2_1:
0x19: {  	s4 =	simm.s32 $0x0;
	s8 =	rddreg [dreg:$0x4]  }
0x1a: {  	[tilespmem:s4], [sflag:$0xB] =	stream.linear.gather [hbm4b:s8+s4], $0x1400, $0x38;
	[tilespmem:$0x1F400] =	vst v63  }
0x1b: {  	_ =	swait.ge [sflag:s19], $0x1400  }
0x1c: {  	[sflag:s19] =	ssyncset.done $0x0  }
0x1d: {  	s8 =	simm.s32 $0x1400;
	s11 =	rddreg [dreg:$0x5];
	[sflag:s19] =	ssyncadd.s32 $0xFFFFEC00  }
0x1e: {  	[tilespmem:s8], [sflag:$0xB] =	stream.linear.gather [hbm4b:s11+s4], $0x5000, $0x38;
	[tilespmem:$0x1F400] =	vst v63  }
0x1f: {  	_ =	swait.ge [sflag:s19], $0x5000  }
0x20: {  	[sflag:s19] =	ssyncset.done $0x0  }
0x21: {  	[sflag:s19] =	ssyncadd.s32 $0xFFFFB000  }
0x22: {  	[tilespmem:s21], [sflag:$0x1] =	stream.indirect.gather [hbm4b:s2+s20], $0x80, s4, s20, $0xb8;
	[tilespmem:$0x1F400] =	vst v63  }
0x23: {  	_ = 	snop  }
0x24: {  	[tilespmem:s22], [sflag:$0x2] =	stream.indirect.gather [hbm4b:s2+s20], $0x80, s20, s20, $0xb8;
	[tilespmem:$0x1F400] =	vst v63  }
0x25: {  	s15 =	simm.s32 $0x40;
	s18 =	stileid.u32  }
0x26: {  	[tilespmem:s24], [sflag:$0x3] =	stream.indirect.gather [hbm4b:s2+s20], $0x80, s15, s20, $0xb8;
	[tilespmem:$0x1F400] =	vst v63  }
0x27: {  	s16 =	simm.s32 $0x60;
	s12 =	rddreg [dreg:$0x6];
	s4 =	sshll.u32 s18, $0x6  }
0x28: {  	[tilespmem:s26], [sflag:$0x4] =	stream.indirect.gather [hbm4b:s2+s20], $0x80, s16, s20, $0xb8;
	[tilespmem:$0x1F400] =	vst v63  }
0x29: {  	s17 =	simm.s32 $0x80;
	s12 =	sshrl.u32 s12, $0x3;
	s11 =	sor.u32 $0x1C0B, s4  }
0x2a: {  	[tilespmem:s29], [sflag:$0x5] =	stream.indirect.gather [hbm4b:s2+s20], $0x80, s17, s20, $0xb8;
	[tilespmem:$0x1F400] =	vst v63  }
0x2b: {  	[spmem:s12], [sflag:s11] =	dma.local [hbm:s5], $0x800  }
0x2c: {  	_ =	swait.ge [sflag:s19], $0x800  }
0x2d: {  	[sflag:s19] =	ssyncset.done $0x0;
	s13 =	rddreg [dreg:$0x7]  }
0x2e: {  	[sflag:s19] =	ssyncadd.s32 $0xFFFFF800;
	s13 =	sshrl.u32 s13, $0x3  }
0x2f: {  	[spmem:s13], [sflag:s11] =	dma.local [hbm:s5], $0x800  }
0x30: {  	_ =	swait.ge [sflag:s19], $0x800  }
0x31: {  	[sflag:s19] =	ssyncset.done $0x0;
	s14 =	rddreg [dreg:$0x8]  }
0x32: {  	[sflag:s19] =	ssyncadd.s32 $0xFFFFF800;
	s14 =	sshrl.u32 s14, $0x3  }
0x33: {  	[spmem:s14], [sflag:s11] =	dma.local [hbm:s5], $0x800  }
0x34: {  	_ =	swait.ge [sflag:s19], $0x800  }
0x35: {  	[sflag:s19] =	ssyncset.done $0x0;
	s15 =	rddreg [dreg:$0x9]  }
0x36: {  	[sflag:s19] =	ssyncadd.s32 $0xFFFFF800;
	s15 =	sshrl.u32 s15, $0x3  }
0x37: {  	[spmem:s15], [sflag:s11] =	dma.local [hbm:s5], $0x800  }
0x38: {  	_ =	swait.ge [sflag:s19], $0x800  }
0x39: {  	[sflag:s19] =	ssyncset.done $0x0;
	s16 =	rddreg [dreg:$0xa]  }
0x3a: {  	[sflag:s19] =	ssyncadd.s32 $0xFFFFF800;
	s16 =	sshrl.u32 s16, $0x3  }
0x3b: {  	[spmem:s16], [sflag:s11] =	dma.local [hbm:s5], $0x800  }
0x3c: {  	_ =	swait.ge [sflag:s19], $0x800  }
0x3d: {  	[sflag:s19] =	ssyncset.done $0x0  }
0x3e: {  	[sflag:s19] =	ssyncadd.s32 $0xFFFFF800  }
0x3f: {  	[bflag:$0x0] =	sbarrier.arrive $0xFFFF  }
0x40: {  	_ =	swait.ge [sflag:s30], $0x1000  }
0x41: {  	[sflag:s30] =	ssyncset.done $0x0  }
0x42: {  	[sflag:s30] =	ssyncadd.s32 $0xFFFFF000  }
0x43: {  	[spmem:s3] =	stream.indirect.scatter.add.f32 [tilespmem:s21], [sflag:$0x6], $0x80, s8, s20, $0xb8;
	[tilespmem:$0x1F400] =	vst v63  }
0x44: {  	_ =	swait.ge [sflag:s31], $0x1000  }
0x45: {  	[sflag:s31] =	ssyncset.done $0x0  }
0x46: {  	s17 =	simm.s32 $0xA0;
	[sflag:s31] =	ssyncadd.s32 $0xFFFFF000  }
0x47: {  	[tilespmem:s21], [sflag:$0x1] =	stream.indirect.gather [hbm4b:s2+s20], $0x80, s17, s20, $0xb8;
	[tilespmem:$0x1F400] =	vst v63  }
0x48: {  	_ =	swait.ge [sflag:s1], $0x1000  }
0x49: {  	[sflag:s1] =	ssyncset.done $0x0  }
0x4a: {  	s18 =	simm.s32 $0x1480;
	[sflag:s1] =	ssyncadd.s32 $0xFFFFF000  }
0x4b: {  	[spmem:s3] =	stream.indirect.scatter.add.f32 [tilespmem:s22], [sflag:$0x7], $0x80, s18, s20, $0xb8;
	[tilespmem:$0x1F400] =	vst v63  }
0x4c: {  	_ =	swait.ge [sflag:s0], $0x1000  }
0x4d: {  	[sflag:s0] =	ssyncset.done $0x0  }
0x4e: {  	s4 =	simm.s32 $0xC0;
	[sflag:s0] =	ssyncadd.s32 $0xFFFFF000  }
0x4f: {  	[tilespmem:s22], [sflag:$0x2] =	stream.indirect.gather [hbm4b:s2+s20], $0x80, s4, s20, $0xb8;
	[tilespmem:$0x1F400] =	vst v63  }
0x50: {  	_ =	swait.ge [sflag:s23], $0x1000  }
0x51: {  	[sflag:s23] =	ssyncset.done $0x0  }
0x52: {  	s17 =	simm.s32 $0x1500;
	[sflag:s23] =	ssyncadd.s32 $0xFFFFF000  }
0x53: {  	[spmem:s3] =	stream.indirect.scatter.add.f32 [tilespmem:s24], [sflag:$0x8], $0x80, s17, s20, $0xb8;
	[tilespmem:$0x1F400] =	vst v63  }
0x54: {  	_ =	swait.ge [sflag:s25], $0x1000  }
0x55: {  	[sflag:s25] =	ssyncset.done $0x0  }
0x56: {  	s18 =	simm.s32 $0xE0;
	[sflag:s25] =	ssyncadd.s32 $0xFFFFF000  }
0x57: {  	[tilespmem:s24], [sflag:$0x3] =	stream.indirect.gather [hbm4b:s2+s20], $0x80, s18, s20, $0xb8;
	[tilespmem:$0x1F400] =	vst v63  }
0x58: {  	_ =	swait.ge [sflag:s28], $0x1000  }
0x59: {  	[sflag:s28] =	ssyncset.done $0x0  }
0x5a: {  	s4 =	simm.s32 $0x1580;
	[sflag:s28] =	ssyncadd.s32 $0xFFFFF000  }
0x5b: {  	[spmem:s3] =	stream.indirect.scatter.add.f32 [tilespmem:s26], [sflag:$0x9], $0x80, s4, s20, $0xb8;
	[tilespmem:$0x1F400] =	vst v63  }
0x5c: {  	_ =	swait.ge [sflag:s6], $0x1000  }
0x5d: {  	[sflag:s6] =	ssyncset.done $0x0  }
0x5e: {  	s17 =	simm.s32 $0x100;
	[sflag:s6] =	ssyncadd.s32 $0xFFFFF000  }
0x5f: {  	[tilespmem:s26], [sflag:$0x4] =	stream.indirect.gather [hbm4b:s2+s20], $0x80, s17, s20, $0xb8;
	[tilespmem:$0x1F400] =	vst v63  }
0x60: {  	_ =	swait.ge [sflag:s7], $0x1000  }
0x61: {  	[sflag:s7] =	ssyncset.done $0x0  }
0x62: {  	s18 =	simm.s32 $0x1600;
	[sflag:s7] =	ssyncadd.s32 $0xFFFFF000  }
0x63: {  	[spmem:s3] =	stream.indirect.scatter.add.f32 [tilespmem:s29], [sflag:$0xA], $0x80, s18, s20, $0xb8;
	[tilespmem:$0x1F400] =	vst v63  }
0x64: {  	_ =	swait.ge [sflag:s9], $0x1000  }
0x65: {  	s8 =	simm.s32 $0x120;
	[sflag:s9] =	ssyncset.done $0x0  }
0x66: {  	s17 =	simm.s32 $0x280;
	s18 =	simm.s32 $0x1680;
	[sflag:s9] =	ssyncadd.s32 $0xFFFFF000  }
.LBB2_2:
0x67: {  	[tilespmem:s29], [sflag:$0x5] =	stream.indirect.gather [hbm4b:s2+s20], $0x80, s8, s20, $0xb8;
	[tilespmem:$0x1F400] =	vst v63  }
0x68: {  	s8 =	smov.u32 s17  }
0x69: {  	p0 =	sne.s32 s17, $0x4B00;
	s17 =	sadd.s32 $0x280, s17;
	_ =	swait.ge [sflag:s30], $0x1000  }
0x6a: {  	[sflag:s30] =	ssyncset.done $0x0  }
0x6b: {  	[sflag:s30] =	ssyncadd.s32 $0xFFFFF000  }
0x6c: {  	[spmem:s3] =	stream.indirect.scatter.add.f32 [tilespmem:s21], [sflag:$0x6], $0x80, s18, s20, $0xb8;
	[tilespmem:$0x1F400] =	vst v63  }
0x6d: {  	_ =	swait.ge [sflag:s31], $0x1000  }
0x6e: {  	s8 =	sshra.s32 s8, $0x2;
	[sflag:s31] =	ssyncset.done $0x0  }
0x6f: {  	s4 =	sadd.s32 $0xA0, s8;
	[sflag:s31] =	ssyncadd.s32 $0xFFFFF000  }
0x70: {  	[tilespmem:s21], [sflag:$0x1] =	stream.indirect.gather [hbm4b:s2+s20], $0x80, s4, s20, $0xb8;
	[tilespmem:$0x1F400] =	vst v63  }
0x71: {  	_ =	swait.ge [sflag:s1], $0x1000  }
0x72: {  	[sflag:s1] =	ssyncset.done $0x0  }
0x73: {  	s4 =	sadd.s32 $0x80, s18;
	[sflag:s1] =	ssyncadd.s32 $0xFFFFF000  }
0x74: {  	[spmem:s3] =	stream.indirect.scatter.add.f32 [tilespmem:s22], [sflag:$0x7], $0x80, s4, s20, $0xb8;
	[tilespmem:$0x1F400] =	vst v63  }
0x75: {  	_ =	swait.ge [sflag:s0], $0x1000  }
0x76: {  	[sflag:s0] =	ssyncset.done $0x0  }
0x77: {  	s4 =	sadd.s32 $0xC0, s8;
	[sflag:s0] =	ssyncadd.s32 $0xFFFFF000  }
0x78: {  	[tilespmem:s22], [sflag:$0x2] =	stream.indirect.gather [hbm4b:s2+s20], $0x80, s4, s20, $0xb8;
	[tilespmem:$0x1F400] =	vst v63  }
0x79: {  	_ =	swait.ge [sflag:s23], $0x1000  }
0x7a: {  	[sflag:s23] =	ssyncset.done $0x0  }
0x7b: {  	s4 =	sadd.s32 $0x100, s18;
	[sflag:s23] =	ssyncadd.s32 $0xFFFFF000  }
0x7c: {  	[spmem:s3] =	stream.indirect.scatter.add.f32 [tilespmem:s24], [sflag:$0x8], $0x80, s4, s20, $0xb8;
	[tilespmem:$0x1F400] =	vst v63  }
0x7d: {  	_ =	swait.ge [sflag:s25], $0x1000  }
0x7e: {  	[sflag:s25] =	ssyncset.done $0x0  }
0x7f: {  	s4 =	sadd.s32 $0xE0, s8;
	[sflag:s25] =	ssyncadd.s32 $0xFFFFF000  }
0x80: {  	[tilespmem:s24], [sflag:$0x3] =	stream.indirect.gather [hbm4b:s2+s20], $0x80, s4, s20, $0xb8;
	[tilespmem:$0x1F400] =	vst v63  }
0x81: {  	_ =	swait.ge [sflag:s28], $0x1000  }
0x82: {  	[sflag:s28] =	ssyncset.done $0x0  }
0x83: {  	s4 =	sadd.s32 $0x180, s18;
	[sflag:s28] =	ssyncadd.s32 $0xFFFFF000  }
0x84: {  	[spmem:s3] =	stream.indirect.scatter.add.f32 [tilespmem:s26], [sflag:$0x9], $0x80, s4, s20, $0xb8;
	[tilespmem:$0x1F400] =	vst v63  }
0x85: {  	_ =	swait.ge [sflag:s6], $0x1000  }
0x86: {  	[sflag:s6] =	ssyncset.done $0x0  }
0x87: {  	s4 =	sadd.s32 $0x100, s8;
	[sflag:s6] =	ssyncadd.s32 $0xFFFFF000  }
0x88: {  	[tilespmem:s26], [sflag:$0x4] =	stream.indirect.gather [hbm4b:s2+s20], $0x80, s4, s20, $0xb8;
	[tilespmem:$0x1F400] =	vst v63  }
0x89: {  	_ =	swait.ge [sflag:s7], $0x1000  }
0x8a: {  	[sflag:s7] =	ssyncset.done $0x0  }
.Ltmp0:
0x8b: {  	s4 =	sadd.s32 $0x200, s18;
	[sflag:s7] =	ssyncadd.s32 $0xFFFFF000;
	(pc) =	sbr.rel @p0 .LBB2_2-.Ltmp0, $4  }
0x8c: {  	[spmem:s3] =	stream.indirect.scatter.add.f32 [tilespmem:s29], [sflag:$0xA], $0x80, s4, s20, $0xb8;
	[tilespmem:$0x1F400] =	vst v63  }
0x8d: {  	_ =	swait.ge [sflag:s9], $0x1000  }
0x8e: {  	[sflag:s9] =	ssyncset.done $0x0  }
0x8f: {  	s8 =	sadd.s32 $0x120, s8;
	s18 =	sadd.s32 $0x280, s18;
	[sflag:s9] =	ssyncadd.s32 $0xFFFFF000  }
0x90: {  	[tilespmem:s29], [sflag:$0x5] =	stream.indirect.gather [hbm4b:s2+s20], $0x80, s8, s20, $0xb8;
	[tilespmem:$0x1F400] =	vst v63  }
0x91: {  	_ =	swait.ge [sflag:s30], $0x1000  }
0x92: {  	[sflag:s30] =	ssyncset.done $0x0  }
0x93: {  	s4 =	simm.s32 $0x6180;
	[sflag:s30] =	ssyncadd.s32 $0xFFFFF000  }
0x94: {  	[spmem:s3] =	stream.indirect.scatter.add.f32 [tilespmem:s21], [sflag:$0x6], $0x80, s4, s20, $0xb8;
	[tilespmem:$0x1F400] =	vst v63  }
0x95: {  	_ =	swait.ge [sflag:s1], $0x1000  }
0x96: {  	[sflag:s1] =	ssyncset.done $0x0  }
0x97: {  	s18 =	simm.s32 $0x6200;
	[sflag:s1] =	ssyncadd.s32 $0xFFFFF000  }
0x98: {  	[spmem:s3] =	stream.indirect.scatter.add.f32 [tilespmem:s22], [sflag:$0x7], $0x80, s18, s20, $0xb8;
	[tilespmem:$0x1F400] =	vst v63  }
0x99: {  	_ =	swait.ge [sflag:s23], $0x1000  }
0x9a: {  	[sflag:s23] =	ssyncset.done $0x0  }
0x9b: {  	s8 =	simm.s32 $0x6280;
	[sflag:s23] =	ssyncadd.s32 $0xFFFFF000  }
0x9c: {  	[spmem:s3] =	stream.indirect.scatter.add.f32 [tilespmem:s24], [sflag:$0x8], $0x80, s8, s20, $0xb8;
	[tilespmem:$0x1F400] =	vst v63  }
0x9d: {  	_ =	swait.ge [sflag:s28], $0x1000  }
0x9e: {  	[sflag:s28] =	ssyncset.done $0x0  }
0x9f: {  	s17 =	simm.s32 $0x6300;
	[sflag:s28] =	ssyncadd.s32 $0xFFFFF000  }
0xa0: {  	[spmem:s3] =	stream.indirect.scatter.add.f32 [tilespmem:s26], [sflag:$0x9], $0x80, s17, s20, $0xb8;
	[tilespmem:$0x1F400] =	vst v63  }
0xa1: {  	_ =	swait.ge [sflag:s7], $0x1000  }
0xa2: {  	[sflag:s7] =	ssyncset.done $0x0  }
0xa3: {  	s18 =	simm.s32 $0x6380;
	[sflag:s7] =	ssyncadd.s32 $0xFFFFF000  }
0xa4: {  	[spmem:s3] =	stream.indirect.scatter.add.f32 [tilespmem:s29], [sflag:$0xA], $0x80, s18, s20, $0xb8;
	[tilespmem:$0x1F400] =	vst v63  }
0xa5: {  	_ =	swait.ge [sflag:s31], $0x1000  }
0xa6: {  	[sflag:s31] =	ssyncset.done $0x0  }
0xa7: {  	[sflag:s31] =	ssyncadd.s32 $0xFFFFF000  }
0xa8: {  	_ =	swait.ge [sflag:s0], $0x1000  }
0xa9: {  	[sflag:s0] =	ssyncset.done $0x0  }
0xaa: {  	[sflag:s0] =	ssyncadd.s32 $0xFFFFF000  }
0xab: {  	_ =	swait.ge [sflag:s25], $0x1000  }
0xac: {  	[sflag:s25] =	ssyncset.done $0x0  }
0xad: {  	[sflag:s25] =	ssyncadd.s32 $0xFFFFF000  }
0xae: {  	_ =	swait.ge [sflag:s6], $0x1000  }
0xaf: {  	[sflag:s6] =	ssyncset.done $0x0  }
0xb0: {  	[sflag:s6] =	ssyncadd.s32 $0xFFFFF000  }
0xb1: {  	_ =	swait.ge [sflag:s9], $0x1000  }
0xb2: {  	[sflag:s9] =	ssyncset.done $0x0  }
0xb3: {  	[sflag:s9] =	ssyncadd.s32 $0xFFFFF000  }
0xb4: {  	[bflag:$0x0] =	sbarrier.arrive $0xFFFF  }
0xb5: {  	s8 =	rddreg [dreg:$0xb]  }
0xb6: {  	[hbm:s8], [sflag:s11] =	dma.local [spmem:s12], $0x800  }
0xb7: {  	_ =	swait.ge [sflag:s19], $0x800  }
0xb8: {  	[sflag:s19] =	ssyncset.done $0x0  }
0xb9: {  	s12 =	rddreg [dreg:$0xc];
	[sflag:s19] =	ssyncadd.s32 $0xFFFFF800  }
0xba: {  	[hbm:s12], [sflag:s11] =	dma.local [spmem:s13], $0x800  }
0xbb: {  	_ =	swait.ge [sflag:s19], $0x800  }
0xbc: {  	[sflag:s19] =	ssyncset.done $0x0  }
0xbd: {  	s13 =	rddreg [dreg:$0xd];
	[sflag:s19] =	ssyncadd.s32 $0xFFFFF800  }
0xbe: {  	[hbm:s13], [sflag:s11] =	dma.local [spmem:s14], $0x800  }
0xbf: {  	_ =	swait.ge [sflag:s19], $0x800  }
0xc0: {  	[sflag:s19] =	ssyncset.done $0x0  }
0xc1: {  	s14 =	rddreg [dreg:$0xe];
	[sflag:s19] =	ssyncadd.s32 $0xFFFFF800  }
0xc2: {  	[hbm:s14], [sflag:s11] =	dma.local [spmem:s15], $0x800  }
0xc3: {  	_ =	swait.ge [sflag:s19], $0x800  }
0xc4: {  	[sflag:s19] =	ssyncset.done $0x0  }
0xc5: {  	s17 =	rddreg [dreg:$0xf];
	[sflag:s19] =	ssyncadd.s32 $0xFFFFF800  }
0xc6: {  	[hbm:s17], [sflag:s11] =	dma.local [spmem:s16], $0x800  }
0xc7: {  	_ =	swait.ge [sflag:s19], $0x800  }
0xc8: {  	s10 =	sadd.s32 $0x1, s10;
	s18 =	rddreg [dreg:$0x10]  }
0xc9: {  	p0 =	sne.s32 s10, s18  }
.Ltmp1:
0xca: {  	_ = 	snop;
	(pc) =	sbr.rel @p0 .LBB2_1-.Ltmp1, $3  }
0xcb: {  	_ =	sdelay $0x1  }
0xcc: {  	[sflag:s19] =	ssyncset.done $0x0  }
0xcd: {  	[sflag:s19] =	ssyncadd.s32 $0xFFFFF800  }
0xce: {  	_ =	sfence.sel $0x180000  }
0xcf: {  	[bflag:$0x0] =	sbarrier.arrive $0xFFFF  }
0xd0: {  	_ =	strace $0x90000047  }
0xd1: {  	s0 =	stileid.u32;
	[bflag:$0x2] =	sbarrier.arrive $0xFFFF  }
0xd2: {  	p0 =	sne.s32 s0, $0x0;
	s0 =	rddreg [dreg:$0x3]  }
0xd3: {  	s0 =	sadd.s32 @!p0 $0x100000, s0  }
0xd4: {  	[sflag:s0] =	ssyncadd.tile.s32 @!p0 $0x1;
	_ =	shalt  }
.Lfunc_end2:
_tile_overlayer_lowered:
.L_overlay_start_2:
0xd5: {  	(tag) =	ssettag $0x2  }
0xd6: {  	s0 =	rddreg [dreg:$0x0];
	s2 =	stileid.u32  }
0xd7: {  	s1 =	rddreg [dreg:$0x1];
	p0 =	sne.s32 s2, $0x0  }
0xd8: {  	s3 =	rddreg [dreg:$0x2];
	[bflag:$0x3] =	sbarrier.arrive $0xFFFF;
	s2 =	simm.s32 @!p0 $0x1C0B  }
0xd9: {  	[timem:s3], [sflag:s2] =	dma.local @!p0 [hbm:s0], s1  }
0xda: {  	s0 =	simm.s32 @!p0 $0xB  }
0xdb: {  	_ =	swait.ge @!p0 [sflag:s0], s1  }
0xdc: {  	s1 =	ssub.s32 @!p0 $0x0, s1;
	[sflag:s0] =	ssyncset.done @!p0 $0x0  }
0xdd: {  	[sflag:s0] =	ssyncadd.s32 @!p0 s1  }
0xde: {  	[bflag:$0x3] =	sbarrier.arrive $0xFFFF  }
0xdf: {  	_ =	shalt  }

</sc_bundles>
